<compile_context>
chip_gen: v7x
topology: tpu7x:2x2x1
jax: 0.10.2.dev20260603
libtpu: 0.0.44.dev20260713+nightly
codegen_flags: <defaults>
</compile_context>

<pallas_src>
import functools

import jax
import jax.numpy as jnp
from jax import lax
from jax.experimental import pallas as pl
from jax.experimental.pallas import tpu as pltpu
from jax.experimental.pallas import tpu_sc as plsc

F = 26
FIELD = 100000
B = 16384
NC, NS, L = 2, 16, 16
NW = NC * NS
BPW = B // NW
E = BPW * F
OUTV = BPW // L
TOTAL = F * FIELD

_mesh = plsc.VectorSubcoreMesh(core_axis_name="c", subcore_axis_name="s")


@functools.partial(
    pl.kernel,
    out_type=jax.ShapeDtypeStruct((1, B), jnp.float32),
    mesh=_mesh,
    scratch_types=[
        pltpu.VMEM((E,), jnp.int32),
        pltpu.VMEM((E,), jnp.float32),
        pltpu.VMEM((BPW,), jnp.float32),
        pltpu.VMEM((L,), jnp.float32),
        pltpu.SemaphoreType.DMA,
        pltpu.SemaphoreType.DMA,
    ],
)
def _fl_kernel(xt_hbm, table_hbm, bias_hbm, out_hbm, idx_v, vals_v, acc_v,
               bias_v, semx, semg):
    wid = lax.axis_index("s") * NC + lax.axis_index("c")
    base = wid * BPW
    flat = table_hbm.at[0]

    xdescs = [
        pltpu.async_copy(
            xt_hbm.at[f, pl.ds(base, BPW)], idx_v.at[pl.ds(f * BPW, BPW)], semx
        )
        for f in range(F)
    ]
    bdesc = pltpu.async_copy(bias_hbm, bias_v.at[pl.ds(0, 1)], semx)
    gdescs = []
    for f in range(F):
        xdescs[f].wait()
        gdescs.append(
            pltpu.async_copy(
                flat.at[pl.ds(f * FIELD, FIELD)].at[idx_v.at[pl.ds(f * BPW, BPW)]],
                vals_v.at[pl.ds(f * BPW, BPW)],
                semg,
            )
        )

    bdesc.wait()
    bvec = bias_v[...].at[jnp.zeros((L,), jnp.int32)].get(
        mode="promise_in_bounds")
    HALF = F // 2

    for d in gdescs[:HALF]:
        d.wait()

    def _red_lo(j, _):
        o = j * L
        a = bvec + vals_v[pl.ds(o, L)]
        for f in range(1, HALF):
            a = a + vals_v[pl.ds(f * BPW + o, L)]
        acc_v[pl.ds(o, L)] = a
        return _

    lax.fori_loop(0, OUTV, _red_lo, 0)

    for d in gdescs[HALF:]:
        d.wait()

    def _red_hi(j, _):
        o = j * L
        a = acc_v[pl.ds(o, L)]
        for f in range(HALF, F):
            a = a + vals_v[pl.ds(f * BPW + o, L)]
        acc_v[pl.ds(o, L)] = a
        return _

    lax.fori_loop(0, OUTV, _red_hi, 0)
    pltpu.sync_copy(acc_v, out_hbm.at[0, pl.ds(base, BPW)])


def kernel(x, table, bias):
    out = _fl_kernel(x.T, table.reshape(1, TOTAL), bias)
    return out.reshape(B, 1)

# --- scband reference (transcript-rebuilt; emitter-appended) ---
"""Pipeline reference for scband-features-linear-12799002542641 (READ-ONLY COPY).

The authoritative reference and input builder live on the scoring server;
editing this copy changes nothing except your own understanding.
"""

import jax, jax.numpy as jnp
import numpy as np

FIELD_DIMS = [100000] * 26
OFFSETS = np.concatenate([[0], np.cumsum(FIELD_DIMS)[:-1]]).astype(np.int32)
TOTAL_DIMS = int(np.sum(FIELD_DIMS))
OUTPUT_DIM = 1
BATCH = 16384


def setup_inputs(seed: int = 0) -> dict:
    key = jax.random.key(seed)
    k1, k2 = jax.random.split(key)
    x = jax.random.randint(k1, (BATCH, len(FIELD_DIMS)), 0, 100000, dtype=jnp.int32)
    # xavier_uniform init for an Embedding(feature_dims, output_dim):
    bound = float(np.sqrt(6.0 / (TOTAL_DIMS + OUTPUT_DIM)))
    table = jax.random.uniform(k2, (TOTAL_DIMS, OUTPUT_DIM), dtype=jnp.float32, minval=-bound, maxval=bound)
    bias = jnp.zeros((OUTPUT_DIM,), dtype=jnp.float32)
    return {"x": x, "table": table, "bias": bias}


def reference(x, table, bias):
    # FeaturesLinear.forward: shift each field's raw index by its cumulative offset,
    # gather 1-dim embeddings, sum over fields, add bias.
    idx = x + jnp.asarray(OFFSETS)[None, :]          # [B, F]
    emb = jnp.take(table, idx, axis=0)               # [B, F, output_dim]
    return jnp.sum(emb, axis=1) + bias               # [B, output_dim]

if __name__ == "__main__":
    import jax
    _d = setup_inputs()
    print(jax.jit(kernel)(*tuple(_d.values())))

</pallas_src>

<mosaic_0001>
#map = affine_map<(d0, d1) -> (0, 0)>
#map1 = affine_map<(d0, d1) -> (0)>
module attributes {stable_mosaic.version = 14 : i64} {
  func.func @_fl_kernel(%arg0: i32, %arg1: i32, %arg2: memref<26x16384xi32, #tpu.memory_space<hbm>>, %arg3: memref<1x2600000xf32, #tpu.memory_space<hbm>>, %arg4: memref<1xf32, #tpu.memory_space<hbm>>, %arg5: memref<1x16384xf32, #tpu.memory_space<hbm>>, %arg6: memref<13312xi32, #tpu.memory_space<vmem>>, %arg7: memref<13312xf32, #tpu.memory_space<vmem>>, %arg8: memref<512xf32, #tpu.memory_space<vmem>>, %arg9: memref<16xf32, #tpu.memory_space<vmem>>, %arg10: memref<!tpu.dma_semaphore, #tpu.memory_space<semaphore_mem>>, %arg11: memref<!tpu.dma_semaphore, #tpu.memory_space<semaphore_mem>>) attributes {dimension_semantics = [#tpu.dimension_semantics<core_parallel>, #tpu.dimension_semantics<subcore_parallel>], iteration_bounds = array<i64: 2, 16>, scalar_prefetch = 0 : i64, scratch_operands = 6 : i64, tpu.core_type = #tpu.core_type<sc_vector_subcore>, window_params = [{transform_indices = #map}, {transform_indices = #map}, {transform_indices = #map1}, {transform_indices = #map}]} {
    %mul3A = arith.constant 2 : i32
    %mul3A_0 = arith.muli %arg1, %mul3A : i32
    %add3A = arith.addi %mul3A_0, %arg0 : i32
    %mul3A_1 = arith.constant 512 : i32
    %mul3A_2 = arith.muli %add3A, %mul3A_1 : i32
    %dma_start3A = arith.constant 0 : i32
    %dma_start3A_3 = arith.constant 0 : i32
    %dma_start3A_4 = tpu.memref_slice %arg6[%dma_start3A_3] : memref<13312xi32, #tpu.memory_space<vmem>> -> memref<512xi32, #tpu.memory_space<vmem>>
    %dma_start3A_5 = tpu.memref_slice %arg2[%dma_start3A, %mul3A_2] : memref<26x16384xi32, #tpu.memory_space<hbm>> -> memref<1x512xi32, #tpu.memory_space<hbm>>
    %dma_start3A_6 = tpu.memref_squeeze %dma_start3A_5 : memref<1x512xi32, #tpu.memory_space<hbm>> -> memref<512xi32, #tpu.memory_space<hbm>>
    %dma_start3A_7 = arith.constant 0 : i32
    %dma_start3A_8 = tpu.memref_slice %arg6[%dma_start3A_7] : memref<13312xi32, #tpu.memory_space<vmem>> -> memref<512xi32, #tpu.memory_space<vmem>>
    %dma_start3A_9 = tpu.memref_slice %arg2[%dma_start3A, %mul3A_2] : memref<26x16384xi32, #tpu.memory_space<hbm>> -> memref<1x512xi32, #tpu.memory_space<hbm>>
    %dma_start3A_10 = tpu.memref_squeeze %dma_start3A_9 : memref<1x512xi32, #tpu.memory_space<hbm>> -> memref<512xi32, #tpu.memory_space<hbm>>
    tpu.enqueue_dma source(%dma_start3A_10 : memref<512xi32, #tpu.memory_space<hbm>>) target(%dma_start3A_8 : memref<512xi32, #tpu.memory_space<vmem>>) target_semaphore(%arg10 : memref<!tpu.dma_semaphore, #tpu.memory_space<semaphore_mem>>)
    %dma_start3A_11 = arith.constant 1 : i32
    %dma_start3A_12 = arith.constant 512 : i32
    %dma_start3A_13 = tpu.memref_slice %arg6[%dma_start3A_12] : memref<13312xi32, #tpu.memory_space<vmem>> -> memref<512xi32, #tpu.memory_space<vmem>>
    %dma_start3A_14 = tpu.memref_slice %arg2[%dma_start3A_11, %mul3A_2] : memref<26x16384xi32, #tpu.memory_space<hbm>> -> memref<1x512xi32, #tpu.memory_space<hbm>>
    %dma_start3A_15 = tpu.memref_squeeze %dma_start3A_14 : memref<1x512xi32, #tpu.memory_space<hbm>> -> memref<512xi32, #tpu.memory_space<hbm>>
    %dma_start3A_16 = arith.constant 512 : i32
    %dma_start3A_17 = tpu.memref_slice %arg6[%dma_start3A_16] : memref<13312xi32, #tpu.memory_space<vmem>> -> memref<512xi32, #tpu.memory_space<vmem>>
    %dma_start3A_18 = tpu.memref_slice %arg2[%dma_start3A_11, %mul3A_2] : memref<26x16384xi32, #tpu.memory_space<hbm>> -> memref<1x512xi32, #tpu.memory_space<hbm>>
    %dma_start3A_19 = tpu.memref_squeeze %dma_start3A_18 : memref<1x512xi32, #tpu.memory_space<hbm>> -> memref<512xi32, #tpu.memory_space<hbm>>
    tpu.enqueue_dma source(%dma_start3A_19 : memref<512xi32, #tpu.memory_space<hbm>>) target(%dma_start3A_17 : memref<512xi32, #tpu.memory_space<vmem>>) target_semaphore(%arg10 : memref<!tpu.dma_semaphore, #tpu.memory_space<semaphore_mem>>)
    %dma_start3A_20 = arith.constant 2 : i32
    %dma_start3A_21 = arith.constant 1024 : i32
    %dma_start3A_22 = tpu.memref_slice %arg6[%dma_start3A_21] : memref<13312xi32, #tpu.memory_space<vmem>> -> memref<512xi32, #tpu.memory_space<vmem>>
    %dma_start3A_23 = tpu.memref_slice %arg2[%dma_start3A_20, %mul3A_2] : memref<26x16384xi32, #tpu.memory_space<hbm>> -> memref<1x512xi32, #tpu.memory_space<hbm>>
    %dma_start3A_24 = tpu.memref_squeeze %dma_start3A_23 : memref<1x512xi32, #tpu.memory_space<hbm>> -> memref<512xi32, #tpu.memory_space<hbm>>
    %dma_start3A_25 = arith.constant 1024 : i32
    %dma_start3A_26 = tpu.memref_slice %arg6[%dma_start3A_25] : memref<13312xi32, #tpu.memory_space<vmem>> -> memref<512xi32, #tpu.memory_space<vmem>>
    %dma_start3A_27 = tpu.memref_slice %arg2[%dma_start3A_20, %mul3A_2] : memref<26x16384xi32, #tpu.memory_space<hbm>> -> memref<1x512xi32, #tpu.memory_space<hbm>>
    %dma_start3A_28 = tpu.memref_squeeze %dma_start3A_27 : memref<1x512xi32, #tpu.memory_space<hbm>> -> memref<512xi32, #tpu.memory_space<hbm>>
    tpu.enqueue_dma source(%dma_start3A_28 : memref<512xi32, #tpu.memory_space<hbm>>) target(%dma_start3A_26 : memref<512xi32, #tpu.memory_space<vmem>>) target_semaphore(%arg10 : memref<!tpu.dma_semaphore, #tpu.memory_space<semaphore_mem>>)
    %dma_start3A_29 = arith.constant 3 : i32
    %dma_start3A_30 = arith.constant 1536 : i32
    %dma_start3A_31 = tpu.memref_slice %arg6[%dma_start3A_30] : memref<13312xi32, #tpu.memory_space<vmem>> -> memref<512xi32, #tpu.memory_space<vmem>>
    %dma_start3A_32 = tpu.memref_slice %arg2[%dma_start3A_29, %mul3A_2] : memref<26x16384xi32, #tpu.memory_space<hbm>> -> memref<1x512xi32, #tpu.memory_space<hbm>>
    %dma_start3A_33 = tpu.memref_squeeze %dma_start3A_32 : memref<1x512xi32, #tpu.memory_space<hbm>> -> memref<512xi32, #tpu.memory_space<hbm>>
    %dma_start3A_34 = arith.constant 1536 : i32
    %dma_start3A_35 = tpu.memref_slice %arg6[%dma_start3A_34] : memref<13312xi32, #tpu.memory_space<vmem>> -> memref<512xi32, #tpu.memory_space<vmem>>
    %dma_start3A_36 = tpu.memref_slice %arg2[%dma_start3A_29, %mul3A_2] : memref<26x16384xi32, #tpu.memory_space<hbm>> -> memref<1x512xi32, #tpu.memory_space<hbm>>
    %dma_start3A_37 = tpu.memref_squeeze %dma_start3A_36 : memref<1x512xi32, #tpu.memory_space<hbm>> -> memref<512xi32, #tpu.memory_space<hbm>>
    tpu.enqueue_dma source(%dma_start3A_37 : memref<512xi32, #tpu.memory_space<hbm>>) target(%dma_start3A_35 : memref<512xi32, #tpu.memory_space<vmem>>) target_semaphore(%arg10 : memref<!tpu.dma_semaphore, #tpu.memory_space<semaphore_mem>>)
    %dma_start3A_38 = arith.constant 4 : i32
    %dma_start3A_39 = arith.constant 2048 : i32
    %dma_start3A_40 = tpu.memref_slice %arg6[%dma_start3A_39] : memref<13312xi32, #tpu.memory_space<vmem>> -> memref<512xi32, #tpu.memory_space<vmem>>
    %dma_start3A_41 = tpu.memref_slice %arg2[%dma_start3A_38, %mul3A_2] : memref<26x16384xi32, #tpu.memory_space<hbm>> -> memref<1x512xi32, #tpu.memory_space<hbm>>
    %dma_start3A_42 = tpu.memref_squeeze %dma_start3A_41 : memref<1x512xi32, #tpu.memory_space<hbm>> -> memref<512xi32, #tpu.memory_space<hbm>>
    %dma_start3A_43 = arith.constant 2048 : i32
    %dma_start3A_44 = tpu.memref_slice %arg6[%dma_start3A_43] : memref<13312xi32, #tpu.memory_space<vmem>> -> memref<512xi32, #tpu.memory_space<vmem>>
    %dma_start3A_45 = tpu.memref_slice %arg2[%dma_start3A_38, %mul3A_2] : memref<26x16384xi32, #tpu.memory_space<hbm>> -> memref<1x512xi32, #tpu.memory_space<hbm>>
    %dma_start3A_46 = tpu.memref_squeeze %dma_start3A_45 : memref<1x512xi32, #tpu.memory_space<hbm>> -> memref<512xi32, #tpu.memory_space<hbm>>
    tpu.enqueue_dma source(%dma_start3A_46 : memref<512xi32, #tpu.memory_space<hbm>>) target(%dma_start3A_44 : memref<512xi32, #tpu.memory_space<vmem>>) target_semaphore(%arg10 : memref<!tpu.dma_semaphore, #tpu.memory_space<semaphore_mem>>)
    %dma_start3A_47 = arith.constant 5 : i32
    %dma_start3A_48 = arith.constant 2560 : i32
    %dma_start3A_49 = tpu.memref_slice %arg6[%dma_start3A_48] : memref<13312xi32, #tpu.memory_space<vmem>> -> memref<512xi32, #tpu.memory_space<vmem>>
    %dma_start3A_50 = tpu.memref_slice %arg2[%dma_start3A_47, %mul3A_2] : memref<26x16384xi32, #tpu.memory_space<hbm>> -> memref<1x512xi32, #tpu.memory_space<hbm>>
    %dma_start3A_51 = tpu.memref_squeeze %dma_start3A_50 : memref<1x512xi32, #tpu.memory_space<hbm>> -> memref<512xi32, #tpu.memory_space<hbm>>
    %dma_start3A_52 = arith.constant 2560 : i32
    %dma_start3A_53 = tpu.memref_slice %arg6[%dma_start3A_52] : memref<13312xi32, #tpu.memory_space<vmem>> -> memref<512xi32, #tpu.memory_space<vmem>>
    %dma_start3A_54 = tpu.memref_slice %arg2[%dma_start3A_47, %mul3A_2] : memref<26x16384xi32, #tpu.memory_space<hbm>> -> memref<1x512xi32, #tpu.memory_space<hbm>>
    %dma_start3A_55 = tpu.memref_squeeze %dma_start3A_54 : memref<1x512xi32, #tpu.memory_space<hbm>> -> memref<512xi32, #tpu.memory_space<hbm>>
    tpu.enqueue_dma source(%dma_start3A_55 : memref<512xi32, #tpu.memory_space<hbm>>) target(%dma_start3A_53 : memref<512xi32, #tpu.memory_space<vmem>>) target_semaphore(%arg10 : memref<!tpu.dma_semaphore, #tpu.memory_space<semaphore_mem>>)
    %dma_start3A_56 = arith.constant 6 : i32
    %dma_start3A_57 = arith.constant 3072 : i32
    %dma_start3A_58 = tpu.memref_slice %arg6[%dma_start3A_57] : memref<13312xi32, #tpu.memory_space<vmem>> -> memref<512xi32, #tpu.memory_space<vmem>>
    %dma_start3A_59 = tpu.memref_slice %arg2[%dma_start3A_56, %mul3A_2] : memref<26x16384xi32, #tpu.memory_space<hbm>> -> memref<1x512xi32, #tpu.memory_space<hbm>>
    %dma_start3A_60 = tpu.memref_squeeze %dma_start3A_59 : memref<1x512xi32, #tpu.memory_space<hbm>> -> memref<512xi32, #tpu.memory_space<hbm>>
    %dma_start3A_61 = arith.constant 3072 : i32
    %dma_start3A_62 = tpu.memref_slice %arg6[%dma_start3A_61] : memref<13312xi32, #tpu.memory_space<vmem>> -> memref<512xi32, #tpu.memory_space<vmem>>
    %dma_start3A_63 = tpu.memref_slice %arg2[%dma_start3A_56, %mul3A_2] : memref<26x16384xi32, #tpu.memory_space<hbm>> -> memref<1x512xi32, #tpu.memory_space<hbm>>
    %dma_start3A_64 = tpu.memref_squeeze %dma_start3A_63 : memref<1x512xi32, #tpu.memory_space<hbm>> -> memref<512xi32, #tpu.memory_space<hbm>>
    tpu.enqueue_dma source(%dma_start3A_64 : memref<512xi32, #tpu.memory_space<hbm>>) target(%dma_start3A_62 : memref<512xi32, #tpu.memory_space<vmem>>) target_semaphore(%arg10 : memref<!tpu.dma_semaphore, #tpu.memory_space<semaphore_mem>>)
    %dma_start3A_65 = arith.constant 7 : i32
    %dma_start3A_66 = arith.constant 3584 : i32
    %dma_start3A_67 = tpu.memref_slice %arg6[%dma_start3A_66] : memref<13312xi32, #tpu.memory_space<vmem>> -> memref<512xi32, #tpu.memory_space<vmem>>
    %dma_start3A_68 = tpu.memref_slice %arg2[%dma_start3A_65, %mul3A_2] : memref<26x16384xi32, #tpu.memory_space<hbm>> -> memref<1x512xi32, #tpu.memory_space<hbm>>
    %dma_start3A_69 = tpu.memref_squeeze %dma_start3A_68 : memref<1x512xi32, #tpu.memory_space<hbm>> -> memref<512xi32, #tpu.memory_space<hbm>>
    %dma_start3A_70 = arith.constant 3584 : i32
    %dma_start3A_71 = tpu.memref_slice %arg6[%dma_start3A_70] : memref<13312xi32, #tpu.memory_space<vmem>> -> memref<512xi32, #tpu.memory_space<vmem>>
    %dma_start3A_72 = tpu.memref_slice %arg2[%dma_start3A_65, %mul3A_2] : memref<26x16384xi32, #tpu.memory_space<hbm>> -> memref<1x512xi32, #tpu.memory_space<hbm>>
    %dma_start3A_73 = tpu.memref_squeeze %dma_start3A_72 : memref<1x512xi32, #tpu.memory_space<hbm>> -> memref<512xi32, #tpu.memory_space<hbm>>
    tpu.enqueue_dma source(%dma_start3A_73 : memref<512xi32, #tpu.memory_space<hbm>>) target(%dma_start3A_71 : memref<512xi32, #tpu.memory_space<vmem>>) target_semaphore(%arg10 : memref<!tpu.dma_semaphore, #tpu.memory_space<semaphore_mem>>)
    %dma_start3A_74 = arith.constant 8 : i32
    %dma_start3A_75 = arith.constant 4096 : i32
    %dma_start3A_76 = tpu.memref_slice %arg6[%dma_start3A_75] : memref<13312xi32, #tpu.memory_space<vmem>> -> memref<512xi32, #tpu.memory_space<vmem>>
    %dma_start3A_77 = tpu.memref_slice %arg2[%dma_start3A_74, %mul3A_2] : memref<26x16384xi32, #tpu.memory_space<hbm>> -> memref<1x512xi32, #tpu.memory_space<hbm>>
    %dma_start3A_78 = tpu.memref_squeeze %dma_start3A_77 : memref<1x512xi32, #tpu.memory_space<hbm>> -> memref<512xi32, #tpu.memory_space<hbm>>
    %dma_start3A_79 = arith.constant 4096 : i32
    %dma_start3A_80 = tpu.memref_slice %arg6[%dma_start3A_79] : memref<13312xi32, #tpu.memory_space<vmem>> -> memref<512xi32, #tpu.memory_space<vmem>>
    %dma_start3A_81 = tpu.memref_slice %arg2[%dma_start3A_74, %mul3A_2] : memref<26x16384xi32, #tpu.memory_space<hbm>> -> memref<1x512xi32, #tpu.memory_space<hbm>>
    %dma_start3A_82 = tpu.memref_squeeze %dma_start3A_81 : memref<1x512xi32, #tpu.memory_space<hbm>> -> memref<512xi32, #tpu.memory_space<hbm>>
    tpu.enqueue_dma source(%dma_start3A_82 : memref<512xi32, #tpu.memory_space<hbm>>) target(%dma_start3A_80 : memref<512xi32, #tpu.memory_space<vmem>>) target_semaphore(%arg10 : memref<!tpu.dma_semaphore, #tpu.memory_space<semaphore_mem>>)
    %dma_start3A_83 = arith.constant 9 : i32
    %dma_start3A_84 = arith.constant 4608 : i32
    %dma_start3A_85 = tpu.memref_slice %arg6[%dma_start3A_84] : memref<13312xi32, #tpu.memory_space<vmem>> -> memref<512xi32, #tpu.memory_space<vmem>>
    %dma_start3A_86 = tpu.memref_slice %arg2[%dma_start3A_83, %mul3A_2] : memref<26x16384xi32, #tpu.memory_space<hbm>> -> memref<1x512xi32, #tpu.memory_space<hbm>>
    %dma_start3A_87 = tpu.memref_squeeze %dma_start3A_86 : memref<1x512xi32, #tpu.memory_space<hbm>> -> memref<512xi32, #tpu.memory_space<hbm>>
    %dma_start3A_88 = arith.constant 4608 : i32
    %dma_start3A_89 = tpu.memref_slice %arg6[%dma_start3A_88] : memref<13312xi32, #tpu.memory_space<vmem>> -> memref<512xi32, #tpu.memory_space<vmem>>
    %dma_start3A_90 = tpu.memref_slice %arg2[%dma_start3A_83, %mul3A_2] : memref<26x16384xi32, #tpu.memory_space<hbm>> -> memref<1x512xi32, #tpu.memory_space<hbm>>
    %dma_start3A_91 = tpu.memref_squeeze %dma_start3A_90 : memref<1x512xi32, #tpu.memory_space<hbm>> -> memref<512xi32, #tpu.memory_space<hbm>>
    tpu.enqueue_dma source(%dma_start3A_91 : memref<512xi32, #tpu.memory_space<hbm>>) target(%dma_start3A_89 : memref<512xi32, #tpu.memory_space<vmem>>) target_semaphore(%arg10 : memref<!tpu.dma_semaphore, #tpu.memory_space<semaphore_mem>>)
    %dma_start3A_92 = arith.constant 10 : i32
    %dma_start3A_93 = arith.constant 5120 : i32
    %dma_start3A_94 = tpu.memref_slice %arg6[%dma_start3A_93] : memref<13312xi32, #tpu.memory_space<vmem>> -> memref<512xi32, #tpu.memory_space<vmem>>
    %dma_start3A_95 = tpu.memref_slice %arg2[%dma_start3A_92, %mul3A_2] : memref<26x16384xi32, #tpu.memory_space<hbm>> -> memref<1x512xi32, #tpu.memory_space<hbm>>
    %dma_start3A_96 = tpu.memref_squeeze %dma_start3A_95 : memref<1x512xi32, #tpu.memory_space<hbm>> -> memref<512xi32, #tpu.memory_space<hbm>>
    %dma_start3A_97 = arith.constant 5120 : i32
    %dma_start3A_98 = tpu.memref_slice %arg6[%dma_start3A_97] : memref<13312xi32, #tpu.memory_space<vmem>> -> memref<512xi32, #tpu.memory_space<vmem>>
    %dma_start3A_99 = tpu.memref_slice %arg2[%dma_start3A_92, %mul3A_2] : memref<26x16384xi32, #tpu.memory_space<hbm>> -> memref<1x512xi32, #tpu.memory_space<hbm>>
    %dma_start3A_100 = tpu.memref_squeeze %dma_start3A_99 : memref<1x512xi32, #tpu.memory_space<hbm>> -> memref<512xi32, #tpu.memory_space<hbm>>
    tpu.enqueue_dma source(%dma_start3A_100 : memref<512xi32, #tpu.memory_space<hbm>>) target(%dma_start3A_98 : memref<512xi32, #tpu.memory_space<vmem>>) target_semaphore(%arg10 : memref<!tpu.dma_semaphore, #tpu.memory_space<semaphore_mem>>)
    %dma_start3A_101 = arith.constant 11 : i32
    %dma_start3A_102 = arith.constant 5632 : i32
    %dma_start3A_103 = tpu.memref_slice %arg6[%dma_start3A_102] : memref<13312xi32, #tpu.memory_space<vmem>> -> memref<512xi32, #tpu.memory_space<vmem>>
    %dma_start3A_104 = tpu.memref_slice %arg2[%dma_start3A_101, %mul3A_2] : memref<26x16384xi32, #tpu.memory_space<hbm>> -> memref<1x512xi32, #tpu.memory_space<hbm>>
    %dma_start3A_105 = tpu.memref_squeeze %dma_start3A_104 : memref<1x512xi32, #tpu.memory_space<hbm>> -> memref<512xi32, #tpu.memory_space<hbm>>
    %dma_start3A_106 = arith.constant 5632 : i32
    %dma_start3A_107 = tpu.memref_slice %arg6[%dma_start3A_106] : memref<13312xi32, #tpu.memory_space<vmem>> -> memref<512xi32, #tpu.memory_space<vmem>>
    %dma_start3A_108 = tpu.memref_slice %arg2[%dma_start3A_101, %mul3A_2] : memref<26x16384xi32, #tpu.memory_space<hbm>> -> memref<1x512xi32, #tpu.memory_space<hbm>>
    %dma_start3A_109 = tpu.memref_squeeze %dma_start3A_108 : memref<1x512xi32, #tpu.memory_space<hbm>> -> memref<512xi32, #tpu.memory_space<hbm>>
    tpu.enqueue_dma source(%dma_start3A_109 : memref<512xi32, #tpu.memory_space<hbm>>) target(%dma_start3A_107 : memref<512xi32, #tpu.memory_space<vmem>>) target_semaphore(%arg10 : memref<!tpu.dma_semaphore, #tpu.memory_space<semaphore_mem>>)
    %dma_start3A_110 = arith.constant 12 : i32
    %dma_start3A_111 = arith.constant 6144 : i32
    %dma_start3A_112 = tpu.memref_slice %arg6[%dma_start3A_111] : memref<13312xi32, #tpu.memory_space<vmem>> -> memref<512xi32, #tpu.memory_space<vmem>>
    %dma_start3A_113 = tpu.memref_slice %arg2[%dma_start3A_110, %mul3A_2] : memref<26x16384xi32, #tpu.memory_space<hbm>> -> memref<1x512xi32, #tpu.memory_space<hbm>>
    %dma_start3A_114 = tpu.memref_squeeze %dma_start3A_113 : memref<1x512xi32, #tpu.memory_space<hbm>> -> memref<512xi32, #tpu.memory_space<hbm>>
    %dma_start3A_115 = arith.constant 6144 : i32
    %dma_start3A_116 = tpu.memref_slice %arg6[%dma_start3A_115] : memref<13312xi32, #tpu.memory_space<vmem>> -> memref<512xi32, #tpu.memory_space<vmem>>
    %dma_start3A_117 = tpu.memref_slice %arg2[%dma_start3A_110, %mul3A_2] : memref<26x16384xi32, #tpu.memory_space<hbm>> -> memref<1x512xi32, #tpu.memory_space<hbm>>
    %dma_start3A_118 = tpu.memref_squeeze %dma_start3A_117 : memref<1x512xi32, #tpu.memory_space<hbm>> -> memref<512xi32, #tpu.memory_space<hbm>>
    tpu.enqueue_dma source(%dma_start3A_118 : memref<512xi32, #tpu.memory_space<hbm>>) target(%dma_start3A_116 : memref<512xi32, #tpu.memory_space<vmem>>) target_semaphore(%arg10 : memref<!tpu.dma_semaphore, #tpu.memory_space<semaphore_mem>>)
    %dma_start3A_119 = arith.constant 13 : i32
    %dma_start3A_120 = arith.constant 6656 : i32
    %dma_start3A_121 = tpu.memref_slice %arg6[%dma_start3A_120] : memref<13312xi32, #tpu.memory_space<vmem>> -> memref<512xi32, #tpu.memory_space<vmem>>
    %dma_start3A_122 = tpu.memref_slice %arg2[%dma_start3A_119, %mul3A_2] : memref<26x16384xi32, #tpu.memory_space<hbm>> -> memref<1x512xi32, #tpu.memory_space<hbm>>
    %dma_start3A_123 = tpu.memref_squeeze %dma_start3A_122 : memref<1x512xi32, #tpu.memory_space<hbm>> -> memref<512xi32, #tpu.memory_space<hbm>>
    %dma_start3A_124 = arith.constant 6656 : i32
    %dma_start3A_125 = tpu.memref_slice %arg6[%dma_start3A_124] : memref<13312xi32, #tpu.memory_space<vmem>> -> memref<512xi32, #tpu.memory_space<vmem>>
    %dma_start3A_126 = tpu.memref_slice %arg2[%dma_start3A_119, %mul3A_2] : memref<26x16384xi32, #tpu.memory_space<hbm>> -> memref<1x512xi32, #tpu.memory_space<hbm>>
    %dma_start3A_127 = tpu.memref_squeeze %dma_start3A_126 : memref<1x512xi32, #tpu.memory_space<hbm>> -> memref<512xi32, #tpu.memory_space<hbm>>
    tpu.enqueue_dma source(%dma_start3A_127 : memref<512xi32, #tpu.memory_space<hbm>>) target(%dma_start3A_125 : memref<512xi32, #tpu.memory_space<vmem>>) target_semaphore(%arg10 : memref<!tpu.dma_semaphore, #tpu.memory_space<semaphore_mem>>)
    %dma_start3A_128 = arith.constant 14 : i32
    %dma_start3A_129 = arith.constant 7168 : i32
    %dma_start3A_130 = tpu.memref_slice %arg6[%dma_start3A_129] : memref<13312xi32, #tpu.memory_space<vmem>> -> memref<512xi32, #tpu.memory_space<vmem>>
    %dma_start3A_131 = tpu.memref_slice %arg2[%dma_start3A_128, %mul3A_2] : memref<26x16384xi32, #tpu.memory_space<hbm>> -> memref<1x512xi32, #tpu.memory_space<hbm>>
    %dma_start3A_132 = tpu.memref_squeeze %dma_start3A_131 : memref<1x512xi32, #tpu.memory_space<hbm>> -> memref<512xi32, #tpu.memory_space<hbm>>
    %dma_start3A_133 = arith.constant 7168 : i32
    %dma_start3A_134 = tpu.memref_slice %arg6[%dma_start3A_133] : memref<13312xi32, #tpu.memory_space<vmem>> -> memref<512xi32, #tpu.memory_space<vmem>>
    %dma_start3A_135 = tpu.memref_slice %arg2[%dma_start3A_128, %mul3A_2] : memref<26x16384xi32, #tpu.memory_space<hbm>> -> memref<1x512xi32, #tpu.memory_space<hbm>>
    %dma_start3A_136 = tpu.memref_squeeze %dma_start3A_135 : memref<1x512xi32, #tpu.memory_space<hbm>> -> memref<512xi32, #tpu.memory_space<hbm>>
    tpu.enqueue_dma source(%dma_start3A_136 : memref<512xi32, #tpu.memory_space<hbm>>) target(%dma_start3A_134 : memref<512xi32, #tpu.memory_space<vmem>>) target_semaphore(%arg10 : memref<!tpu.dma_semaphore, #tpu.memory_space<semaphore_mem>>)
    %dma_start3A_137 = arith.constant 15 : i32
    %dma_start3A_138 = arith.constant 7680 : i32
    %dma_start3A_139 = tpu.memref_slice %arg6[%dma_start3A_138] : memref<13312xi32, #tpu.memory_space<vmem>> -> memref<512xi32, #tpu.memory_space<vmem>>
    %dma_start3A_140 = tpu.memref_slice %arg2[%dma_start3A_137, %mul3A_2] : memref<26x16384xi32, #tpu.memory_space<hbm>> -> memref<1x512xi32, #tpu.memory_space<hbm>>
    %dma_start3A_141 = tpu.memref_squeeze %dma_start3A_140 : memref<1x512xi32, #tpu.memory_space<hbm>> -> memref<512xi32, #tpu.memory_space<hbm>>
    %dma_start3A_142 = arith.constant 7680 : i32
    %dma_start3A_143 = tpu.memref_slice %arg6[%dma_start3A_142] : memref<13312xi32, #tpu.memory_space<vmem>> -> memref<512xi32, #tpu.memory_space<vmem>>
    %dma_start3A_144 = tpu.memref_slice %arg2[%dma_start3A_137, %mul3A_2] : memref<26x16384xi32, #tpu.memory_space<hbm>> -> memref<1x512xi32, #tpu.memory_space<hbm>>
    %dma_start3A_145 = tpu.memref_squeeze %dma_start3A_144 : memref<1x512xi32, #tpu.memory_space<hbm>> -> memref<512xi32, #tpu.memory_space<hbm>>
    tpu.enqueue_dma source(%dma_start3A_145 : memref<512xi32, #tpu.memory_space<hbm>>) target(%dma_start3A_143 : memref<512xi32, #tpu.memory_space<vmem>>) target_semaphore(%arg10 : memref<!tpu.dma_semaphore, #tpu.memory_space<semaphore_mem>>)
    %dma_start3A_146 = arith.constant 16 : i32
    %dma_start3A_147 = arith.constant 8192 : i32
    %dma_start3A_148 = tpu.memref_slice %arg6[%dma_start3A_147] : memref<13312xi32, #tpu.memory_space<vmem>> -> memref<512xi32, #tpu.memory_space<vmem>>
    %dma_start3A_149 = tpu.memref_slice %arg2[%dma_start3A_146, %mul3A_2] : memref<26x16384xi32, #tpu.memory_space<hbm>> -> memref<1x512xi32, #tpu.memory_space<hbm>>
    %dma_start3A_150 = tpu.memref_squeeze %dma_start3A_149 : memref<1x512xi32, #tpu.memory_space<hbm>> -> memref<512xi32, #tpu.memory_space<hbm>>
    %dma_start3A_151 = arith.constant 8192 : i32
    %dma_start3A_152 = tpu.memref_slice %arg6[%dma_start3A_151] : memref<13312xi32, #tpu.memory_space<vmem>> -> memref<512xi32, #tpu.memory_space<vmem>>
    %dma_start3A_153 = tpu.memref_slice %arg2[%dma_start3A_146, %mul3A_2] : memref<26x16384xi32, #tpu.memory_space<hbm>> -> memref<1x512xi32, #tpu.memory_space<hbm>>
    %dma_start3A_154 = tpu.memref_squeeze %dma_start3A_153 : memref<1x512xi32, #tpu.memory_space<hbm>> -> memref<512xi32, #tpu.memory_space<hbm>>
    tpu.enqueue_dma source(%dma_start3A_154 : memref<512xi32, #tpu.memory_space<hbm>>) target(%dma_start3A_152 : memref<512xi32, #tpu.memory_space<vmem>>) target_semaphore(%arg10 : memref<!tpu.dma_semaphore, #tpu.memory_space<semaphore_mem>>)
    %dma_start3A_155 = arith.constant 17 : i32
    %dma_start3A_156 = arith.constant 8704 : i32
    %dma_start3A_157 = tpu.memref_slice %arg6[%dma_start3A_156] : memref<13312xi32, #tpu.memory_space<vmem>> -> memref<512xi32, #tpu.memory_space<vmem>>
    %dma_start3A_158 = tpu.memref_slice %arg2[%dma_start3A_155, %mul3A_2] : memref<26x16384xi32, #tpu.memory_space<hbm>> -> memref<1x512xi32, #tpu.memory_space<hbm>>
    %dma_start3A_159 = tpu.memref_squeeze %dma_start3A_158 : memref<1x512xi32, #tpu.memory_space<hbm>> -> memref<512xi32, #tpu.memory_space<hbm>>
    %dma_start3A_160 = arith.constant 8704 : i32
    %dma_start3A_161 = tpu.memref_slice %arg6[%dma_start3A_160] : memref<13312xi32, #tpu.memory_space<vmem>> -> memref<512xi32, #tpu.memory_space<vmem>>
    %dma_start3A_162 = tpu.memref_slice %arg2[%dma_start3A_155, %mul3A_2] : memref<26x16384xi32, #tpu.memory_space<hbm>> -> memref<1x512xi32, #tpu.memory_space<hbm>>
    %dma_start3A_163 = tpu.memref_squeeze %dma_start3A_162 : memref<1x512xi32, #tpu.memory_space<hbm>> -> memref<512xi32, #tpu.memory_space<hbm>>
    tpu.enqueue_dma source(%dma_start3A_163 : memref<512xi32, #tpu.memory_space<hbm>>) target(%dma_start3A_161 : memref<512xi32, #tpu.memory_space<vmem>>) target_semaphore(%arg10 : memref<!tpu.dma_semaphore, #tpu.memory_space<semaphore_mem>>)
    %dma_start3A_164 = arith.constant 18 : i32
    %dma_start3A_165 = arith.constant 9216 : i32
    %dma_start3A_166 = tpu.memref_slice %arg6[%dma_start3A_165] : memref<13312xi32, #tpu.memory_space<vmem>> -> memref<512xi32, #tpu.memory_space<vmem>>
    %dma_start3A_167 = tpu.memref_slice %arg2[%dma_start3A_164, %mul3A_2] : memref<26x16384xi32, #tpu.memory_space<hbm>> -> memref<1x512xi32, #tpu.memory_space<hbm>>
    %dma_start3A_168 = tpu.memref_squeeze %dma_start3A_167 : memref<1x512xi32, #tpu.memory_space<hbm>> -> memref<512xi32, #tpu.memory_space<hbm>>
    %dma_start3A_169 = arith.constant 9216 : i32
    %dma_start3A_170 = tpu.memref_slice %arg6[%dma_start3A_169] : memref<13312xi32, #tpu.memory_space<vmem>> -> memref<512xi32, #tpu.memory_space<vmem>>
    %dma_start3A_171 = tpu.memref_slice %arg2[%dma_start3A_164, %mul3A_2] : memref<26x16384xi32, #tpu.memory_space<hbm>> -> memref<1x512xi32, #tpu.memory_space<hbm>>
    %dma_start3A_172 = tpu.memref_squeeze %dma_start3A_171 : memref<1x512xi32, #tpu.memory_space<hbm>> -> memref<512xi32, #tpu.memory_space<hbm>>
    tpu.enqueue_dma source(%dma_start3A_172 : memref<512xi32, #tpu.memory_space<hbm>>) target(%dma_start3A_170 : memref<512xi32, #tpu.memory_space<vmem>>) target_semaphore(%arg10 : memref<!tpu.dma_semaphore, #tpu.memory_space<semaphore_mem>>)
    %dma_start3A_173 = arith.constant 19 : i32
    %dma_start3A_174 = arith.constant 9728 : i32
    %dma_start3A_175 = tpu.memref_slice %arg6[%dma_start3A_174] : memref<13312xi32, #tpu.memory_space<vmem>> -> memref<512xi32, #tpu.memory_space<vmem>>
    %dma_start3A_176 = tpu.memref_slice %arg2[%dma_start3A_173, %mul3A_2] : memref<26x16384xi32, #tpu.memory_space<hbm>> -> memref<1x512xi32, #tpu.memory_space<hbm>>
    %dma_start3A_177 = tpu.memref_squeeze %dma_start3A_176 : memref<1x512xi32, #tpu.memory_space<hbm>> -> memref<512xi32, #tpu.memory_space<hbm>>
    %dma_start3A_178 = arith.constant 9728 : i32
    %dma_start3A_179 = tpu.memref_slice %arg6[%dma_start3A_178] : memref<13312xi32, #tpu.memory_space<vmem>> -> memref<512xi32, #tpu.memory_space<vmem>>
    %dma_start3A_180 = tpu.memref_slice %arg2[%dma_start3A_173, %mul3A_2] : memref<26x16384xi32, #tpu.memory_space<hbm>> -> memref<1x512xi32, #tpu.memory_space<hbm>>
    %dma_start3A_181 = tpu.memref_squeeze %dma_start3A_180 : memref<1x512xi32, #tpu.memory_space<hbm>> -> memref<512xi32, #tpu.memory_space<hbm>>
    tpu.enqueue_dma source(%dma_start3A_181 : memref<512xi32, #tpu.memory_space<hbm>>) target(%dma_start3A_179 : memref<512xi32, #tpu.memory_space<vmem>>) target_semaphore(%arg10 : memref<!tpu.dma_semaphore, #tpu.memory_space<semaphore_mem>>)
    %dma_start3A_182 = arith.constant 20 : i32
    %dma_start3A_183 = arith.constant 10240 : i32
    %dma_start3A_184 = tpu.memref_slice %arg6[%dma_start3A_183] : memref<13312xi32, #tpu.memory_space<vmem>> -> memref<512xi32, #tpu.memory_space<vmem>>
    %dma_start3A_185 = tpu.memref_slice %arg2[%dma_start3A_182, %mul3A_2] : memref<26x16384xi32, #tpu.memory_space<hbm>> -> memref<1x512xi32, #tpu.memory_space<hbm>>
    %dma_start3A_186 = tpu.memref_squeeze %dma_start3A_185 : memref<1x512xi32, #tpu.memory_space<hbm>> -> memref<512xi32, #tpu.memory_space<hbm>>
    %dma_start3A_187 = arith.constant 10240 : i32
    %dma_start3A_188 = tpu.memref_slice %arg6[%dma_start3A_187] : memref<13312xi32, #tpu.memory_space<vmem>> -> memref<512xi32, #tpu.memory_space<vmem>>
    %dma_start3A_189 = tpu.memref_slice %arg2[%dma_start3A_182, %mul3A_2] : memref<26x16384xi32, #tpu.memory_space<hbm>> -> memref<1x512xi32, #tpu.memory_space<hbm>>
    %dma_start3A_190 = tpu.memref_squeeze %dma_start3A_189 : memref<1x512xi32, #tpu.memory_space<hbm>> -> memref<512xi32, #tpu.memory_space<hbm>>
    tpu.enqueue_dma source(%dma_start3A_190 : memref<512xi32, #tpu.memory_space<hbm>>) target(%dma_start3A_188 : memref<512xi32, #tpu.memory_space<vmem>>) target_semaphore(%arg10 : memref<!tpu.dma_semaphore, #tpu.memory_space<semaphore_mem>>)
    %dma_start3A_191 = arith.constant 21 : i32
    %dma_start3A_192 = arith.constant 10752 : i32
    %dma_start3A_193 = tpu.memref_slice %arg6[%dma_start3A_192] : memref<13312xi32, #tpu.memory_space<vmem>> -> memref<512xi32, #tpu.memory_space<vmem>>
    %dma_start3A_194 = tpu.memref_slice %arg2[%dma_start3A_191, %mul3A_2] : memref<26x16384xi32, #tpu.memory_space<hbm>> -> memref<1x512xi32, #tpu.memory_space<hbm>>
    %dma_start3A_195 = tpu.memref_squeeze %dma_start3A_194 : memref<1x512xi32, #tpu.memory_space<hbm>> -> memref<512xi32, #tpu.memory_space<hbm>>
    %dma_start3A_196 = arith.constant 10752 : i32
    %dma_start3A_197 = tpu.memref_slice %arg6[%dma_start3A_196] : memref<13312xi32, #tpu.memory_space<vmem>> -> memref<512xi32, #tpu.memory_space<vmem>>
    %dma_start3A_198 = tpu.memref_slice %arg2[%dma_start3A_191, %mul3A_2] : memref<26x16384xi32, #tpu.memory_space<hbm>> -> memref<1x512xi32, #tpu.memory_space<hbm>>
    %dma_start3A_199 = tpu.memref_squeeze %dma_start3A_198 : memref<1x512xi32, #tpu.memory_space<hbm>> -> memref<512xi32, #tpu.memory_space<hbm>>
    tpu.enqueue_dma source(%dma_start3A_199 : memref<512xi32, #tpu.memory_space<hbm>>) target(%dma_start3A_197 : memref<512xi32, #tpu.memory_space<vmem>>) target_semaphore(%arg10 : memref<!tpu.dma_semaphore, #tpu.memory_space<semaphore_mem>>)
    %dma_start3A_200 = arith.constant 22 : i32
    %dma_start3A_201 = arith.constant 11264 : i32
    %dma_start3A_202 = tpu.memref_slice %arg6[%dma_start3A_201] : memref<13312xi32, #tpu.memory_space<vmem>> -> memref<512xi32, #tpu.memory_space<vmem>>
    %dma_start3A_203 = tpu.memref_slice %arg2[%dma_start3A_200, %mul3A_2] : memref<26x16384xi32, #tpu.memory_space<hbm>> -> memref<1x512xi32, #tpu.memory_space<hbm>>
    %dma_start3A_204 = tpu.memref_squeeze %dma_start3A_203 : memref<1x512xi32, #tpu.memory_space<hbm>> -> memref<512xi32, #tpu.memory_space<hbm>>
    %dma_start3A_205 = arith.constant 11264 : i32
    %dma_start3A_206 = tpu.memref_slice %arg6[%dma_start3A_205] : memref<13312xi32, #tpu.memory_space<vmem>> -> memref<512xi32, #tpu.memory_space<vmem>>
    %dma_start3A_207 = tpu.memref_slice %arg2[%dma_start3A_200, %mul3A_2] : memref<26x16384xi32, #tpu.memory_space<hbm>> -> memref<1x512xi32, #tpu.memory_space<hbm>>
    %dma_start3A_208 = tpu.memref_squeeze %dma_start3A_207 : memref<1x512xi32, #tpu.memory_space<hbm>> -> memref<512xi32, #tpu.memory_space<hbm>>
    tpu.enqueue_dma source(%dma_start3A_208 : memref<512xi32, #tpu.memory_space<hbm>>) target(%dma_start3A_206 : memref<512xi32, #tpu.memory_space<vmem>>) target_semaphore(%arg10 : memref<!tpu.dma_semaphore, #tpu.memory_space<semaphore_mem>>)
    %dma_start3A_209 = arith.constant 23 : i32
    %dma_start3A_210 = arith.constant 11776 : i32
    %dma_start3A_211 = tpu.memref_slice %arg6[%dma_start3A_210] : memref<13312xi32, #tpu.memory_space<vmem>> -> memref<512xi32, #tpu.memory_space<vmem>>
    %dma_start3A_212 = tpu.memref_slice %arg2[%dma_start3A_209, %mul3A_2] : memref<26x16384xi32, #tpu.memory_space<hbm>> -> memref<1x512xi32, #tpu.memory_space<hbm>>
    %dma_start3A_213 = tpu.memref_squeeze %dma_start3A_212 : memref<1x512xi32, #tpu.memory_space<hbm>> -> memref<512xi32, #tpu.memory_space<hbm>>
    %dma_start3A_214 = arith.constant 11776 : i32
    %dma_start3A_215 = tpu.memref_slice %arg6[%dma_start3A_214] : memref<13312xi32, #tpu.memory_space<vmem>> -> memref<512xi32, #tpu.memory_space<vmem>>
    %dma_start3A_216 = tpu.memref_slice %arg2[%dma_start3A_209, %mul3A_2] : memref<26x16384xi32, #tpu.memory_space<hbm>> -> memref<1x512xi32, #tpu.memory_space<hbm>>
    %dma_start3A_217 = tpu.memref_squeeze %dma_start3A_216 : memref<1x512xi32, #tpu.memory_space<hbm>> -> memref<512xi32, #tpu.memory_space<hbm>>
    tpu.enqueue_dma source(%dma_start3A_217 : memref<512xi32, #tpu.memory_space<hbm>>) target(%dma_start3A_215 : memref<512xi32, #tpu.memory_space<vmem>>) target_semaphore(%arg10 : memref<!tpu.dma_semaphore, #tpu.memory_space<semaphore_mem>>)
    %dma_start3A_218 = arith.constant 24 : i32
    %dma_start3A_219 = arith.constant 12288 : i32
    %dma_start3A_220 = tpu.memref_slice %arg6[%dma_start3A_219] : memref<13312xi32, #tpu.memory_space<vmem>> -> memref<512xi32, #tpu.memory_space<vmem>>
    %dma_start3A_221 = tpu.memref_slice %arg2[%dma_start3A_218, %mul3A_2] : memref<26x16384xi32, #tpu.memory_space<hbm>> -> memref<1x512xi32, #tpu.memory_space<hbm>>
    %dma_start3A_222 = tpu.memref_squeeze %dma_start3A_221 : memref<1x512xi32, #tpu.memory_space<hbm>> -> memref<512xi32, #tpu.memory_space<hbm>>
    %dma_start3A_223 = arith.constant 12288 : i32
    %dma_start3A_224 = tpu.memref_slice %arg6[%dma_start3A_223] : memref<13312xi32, #tpu.memory_space<vmem>> -> memref<512xi32, #tpu.memory_space<vmem>>
    %dma_start3A_225 = tpu.memref_slice %arg2[%dma_start3A_218, %mul3A_2] : memref<26x16384xi32, #tpu.memory_space<hbm>> -> memref<1x512xi32, #tpu.memory_space<hbm>>
    %dma_start3A_226 = tpu.memref_squeeze %dma_start3A_225 : memref<1x512xi32, #tpu.memory_space<hbm>> -> memref<512xi32, #tpu.memory_space<hbm>>
    tpu.enqueue_dma source(%dma_start3A_226 : memref<512xi32, #tpu.memory_space<hbm>>) target(%dma_start3A_224 : memref<512xi32, #tpu.memory_space<vmem>>) target_semaphore(%arg10 : memref<!tpu.dma_semaphore, #tpu.memory_space<semaphore_mem>>)
    %dma_start3A_227 = arith.constant 25 : i32
    %dma_start3A_228 = arith.constant 12800 : i32
    %dma_start3A_229 = tpu.memref_slice %arg6[%dma_start3A_228] : memref<13312xi32, #tpu.memory_space<vmem>> -> memref<512xi32, #tpu.memory_space<vmem>>
    %dma_start3A_230 = tpu.memref_slice %arg2[%dma_start3A_227, %mul3A_2] : memref<26x16384xi32, #tpu.memory_space<hbm>> -> memref<1x512xi32, #tpu.memory_space<hbm>>
    %dma_start3A_231 = tpu.memref_squeeze %dma_start3A_230 : memref<1x512xi32, #tpu.memory_space<hbm>> -> memref<512xi32, #tpu.memory_space<hbm>>
    %dma_start3A_232 = arith.constant 12800 : i32
    %dma_start3A_233 = tpu.memref_slice %arg6[%dma_start3A_232] : memref<13312xi32, #tpu.memory_space<vmem>> -> memref<512xi32, #tpu.memory_space<vmem>>
    %dma_start3A_234 = tpu.memref_slice %arg2[%dma_start3A_227, %mul3A_2] : memref<26x16384xi32, #tpu.memory_space<hbm>> -> memref<1x512xi32, #tpu.memory_space<hbm>>
    %dma_start3A_235 = tpu.memref_squeeze %dma_start3A_234 : memref<1x512xi32, #tpu.memory_space<hbm>> -> memref<512xi32, #tpu.memory_space<hbm>>
    tpu.enqueue_dma source(%dma_start3A_235 : memref<512xi32, #tpu.memory_space<hbm>>) target(%dma_start3A_233 : memref<512xi32, #tpu.memory_space<vmem>>) target_semaphore(%arg10 : memref<!tpu.dma_semaphore, #tpu.memory_space<semaphore_mem>>)
    %dma_start3A_236 = arith.constant 0 : i32
    %dma_start3A_237 = tpu.memref_slice %arg9[%dma_start3A_236] : memref<16xf32, #tpu.memory_space<vmem>> -> memref<1xf32, #tpu.memory_space<vmem>>
    %dma_start3A_238 = arith.constant 0 : i32
    %dma_start3A_239 = tpu.memref_slice %arg9[%dma_start3A_238] : memref<16xf32, #tpu.memory_space<vmem>> -> memref<1xf32, #tpu.memory_space<vmem>>
    tpu.enqueue_dma source(%arg4 : memref<1xf32, #tpu.memory_space<hbm>>) target(%dma_start3A_239 : memref<1xf32, #tpu.memory_space<vmem>>) target_semaphore(%arg10 : memref<!tpu.dma_semaphore, #tpu.memory_space<semaphore_mem>>)
    %dma_wait3A = arith.constant 0 : i32
    %dma_wait3A_240 = arith.constant 0 : i32
    %dma_wait3A_241 = tpu.memref_slice %arg6[%dma_wait3A_240] : memref<13312xi32, #tpu.memory_space<vmem>> -> memref<512xi32, #tpu.memory_space<vmem>>
    %dma_wait3A_242 = tpu.memref_slice %arg2[%dma_wait3A, %mul3A_2] : memref<26x16384xi32, #tpu.memory_space<hbm>> -> memref<1x512xi32, #tpu.memory_space<hbm>>
    %dma_wait3A_243 = tpu.memref_squeeze %dma_wait3A_242 : memref<1x512xi32, #tpu.memory_space<hbm>> -> memref<512xi32, #tpu.memory_space<hbm>>
    %dma_wait3A_244 = arith.constant 0 : i32
    %dma_wait3A_245 = tpu.memref_slice %arg6[%dma_wait3A_244] : memref<13312xi32, #tpu.memory_space<vmem>> -> memref<512xi32, #tpu.memory_space<vmem>>
    %dma_wait3A_246 = tpu.memref_slice %arg2[%dma_wait3A, %mul3A_2] : memref<26x16384xi32, #tpu.memory_space<hbm>> -> memref<1x512xi32, #tpu.memory_space<hbm>>
    %dma_wait3A_247 = tpu.memref_squeeze %dma_wait3A_246 : memref<1x512xi32, #tpu.memory_space<hbm>> -> memref<512xi32, #tpu.memory_space<hbm>>
    tpu.wait_dma2 semaphore(%arg10 : memref<!tpu.dma_semaphore, #tpu.memory_space<semaphore_mem>>) src(%dma_wait3A_247 : memref<512xi32, #tpu.memory_space<hbm>>) dst(%dma_wait3A_245 : memref<512xi32, #tpu.memory_space<vmem>>)
    %dma_start3A_248 = arith.constant 0 : i32
    %dma_start3A_249 = arith.constant 0 : i32
    %dma_start3A_250 = tpu.memref_slice %arg7[%dma_start3A_249] : memref<13312xf32, #tpu.memory_space<vmem>> -> memref<512xf32, #tpu.memory_space<vmem>>
    %dma_start3A_251 = arith.constant 0 : i32
    %dma_start3A_252 = tpu.memref_slice %arg6[%dma_start3A_251] : memref<13312xi32, #tpu.memory_space<vmem>> -> memref<512xi32, #tpu.memory_space<vmem>>
    %dma_start3A_253 = arith.constant 0 : i32
    %dma_start3A_254 = tpu.memref_slice %arg3[%dma_start3A_248, %dma_start3A_253] : memref<1x2600000xf32, #tpu.memory_space<hbm>> -> memref<1x2600000xf32, #tpu.memory_space<hbm>>
    %dma_start3A_255 = tpu.memref_squeeze %dma_start3A_254 : memref<1x2600000xf32, #tpu.memory_space<hbm>> -> memref<2600000xf32, #tpu.memory_space<hbm>>
    %dma_start3A_256 = arith.constant 0 : i32
    %dma_start3A_257 = tpu.memref_slice %dma_start3A_255[%dma_start3A_256] : memref<2600000xf32, #tpu.memory_space<hbm>> -> memref<100000xf32, #tpu.memory_space<hbm>>
    %dma_start3A_258 = arith.constant 0 : i32
    %dma_start3A_259 = tpu.memref_slice %dma_start3A_257[%dma_start3A_258] : memref<100000xf32, #tpu.memory_space<hbm>> -> memref<100000xf32, #tpu.memory_space<hbm>>
    tpu.enqueue_indirect_dma source(%dma_start3A_259 : memref<100000xf32, #tpu.memory_space<hbm>>) target(%dma_start3A_250 : memref<512xf32, #tpu.memory_space<vmem>>) offsets(%dma_start3A_252 : memref<512xi32, #tpu.memory_space<vmem>>) semaphore(%arg11 : memref<!tpu.dma_semaphore, #tpu.memory_space<semaphore_mem>>)
    %dma_wait3A_260 = arith.constant 1 : i32
    %dma_wait3A_261 = arith.constant 512 : i32
    %dma_wait3A_262 = tpu.memref_slice %arg6[%dma_wait3A_261] : memref<13312xi32, #tpu.memory_space<vmem>> -> memref<512xi32, #tpu.memory_space<vmem>>
    %dma_wait3A_263 = tpu.memref_slice %arg2[%dma_wait3A_260, %mul3A_2] : memref<26x16384xi32, #tpu.memory_space<hbm>> -> memref<1x512xi32, #tpu.memory_space<hbm>>
    %dma_wait3A_264 = tpu.memref_squeeze %dma_wait3A_263 : memref<1x512xi32, #tpu.memory_space<hbm>> -> memref<512xi32, #tpu.memory_space<hbm>>
    %dma_wait3A_265 = arith.constant 512 : i32
    %dma_wait3A_266 = tpu.memref_slice %arg6[%dma_wait3A_265] : memref<13312xi32, #tpu.memory_space<vmem>> -> memref<512xi32, #tpu.memory_space<vmem>>
    %dma_wait3A_267 = tpu.memref_slice %arg2[%dma_wait3A_260, %mul3A_2] : memref<26x16384xi32, #tpu.memory_space<hbm>> -> memref<1x512xi32, #tpu.memory_space<hbm>>
    %dma_wait3A_268 = tpu.memref_squeeze %dma_wait3A_267 : memref<1x512xi32, #tpu.memory_space<hbm>> -> memref<512xi32, #tpu.memory_space<hbm>>
    tpu.wait_dma2 semaphore(%arg10 : memref<!tpu.dma_semaphore, #tpu.memory_space<semaphore_mem>>) src(%dma_wait3A_268 : memref<512xi32, #tpu.memory_space<hbm>>) dst(%dma_wait3A_266 : memref<512xi32, #tpu.memory_space<vmem>>)
    %dma_start3A_269 = arith.constant 0 : i32
    %dma_start3A_270 = arith.constant 512 : i32
    %dma_start3A_271 = tpu.memref_slice %arg7[%dma_start3A_270] : memref<13312xf32, #tpu.memory_space<vmem>> -> memref<512xf32, #tpu.memory_space<vmem>>
    %dma_start3A_272 = arith.constant 512 : i32
    %dma_start3A_273 = tpu.memref_slice %arg6[%dma_start3A_272] : memref<13312xi32, #tpu.memory_space<vmem>> -> memref<512xi32, #tpu.memory_space<vmem>>
    %dma_start3A_274 = arith.constant 0 : i32
    %dma_start3A_275 = tpu.memref_slice %arg3[%dma_start3A_269, %dma_start3A_274] : memref<1x2600000xf32, #tpu.memory_space<hbm>> -> memref<1x2600000xf32, #tpu.memory_space<hbm>>
    %dma_start3A_276 = tpu.memref_squeeze %dma_start3A_275 : memref<1x2600000xf32, #tpu.memory_space<hbm>> -> memref<2600000xf32, #tpu.memory_space<hbm>>
    %dma_start3A_277 = arith.constant 100000 : i32
    %dma_start3A_278 = tpu.memref_slice %dma_start3A_276[%dma_start3A_277] : memref<2600000xf32, #tpu.memory_space<hbm>> -> memref<100000xf32, #tpu.memory_space<hbm>>
    %dma_start3A_279 = arith.constant 0 : i32
    %dma_start3A_280 = tpu.memref_slice %dma_start3A_278[%dma_start3A_279] : memref<100000xf32, #tpu.memory_space<hbm>> -> memref<100000xf32, #tpu.memory_space<hbm>>
    tpu.enqueue_indirect_dma source(%dma_start3A_280 : memref<100000xf32, #tpu.memory_space<hbm>>) target(%dma_start3A_271 : memref<512xf32, #tpu.memory_space<vmem>>) offsets(%dma_start3A_273 : memref<512xi32, #tpu.memory_space<vmem>>) semaphore(%arg11 : memref<!tpu.dma_semaphore, #tpu.memory_space<semaphore_mem>>)
    %dma_wait3A_281 = arith.constant 2 : i32
    %dma_wait3A_282 = arith.constant 1024 : i32
    %dma_wait3A_283 = tpu.memref_slice %arg6[%dma_wait3A_282] : memref<13312xi32, #tpu.memory_space<vmem>> -> memref<512xi32, #tpu.memory_space<vmem>>
    %dma_wait3A_284 = tpu.memref_slice %arg2[%dma_wait3A_281, %mul3A_2] : memref<26x16384xi32, #tpu.memory_space<hbm>> -> memref<1x512xi32, #tpu.memory_space<hbm>>
    %dma_wait3A_285 = tpu.memref_squeeze %dma_wait3A_284 : memref<1x512xi32, #tpu.memory_space<hbm>> -> memref<512xi32, #tpu.memory_space<hbm>>
    %dma_wait3A_286 = arith.constant 1024 : i32
    %dma_wait3A_287 = tpu.memref_slice %arg6[%dma_wait3A_286] : memref<13312xi32, #tpu.memory_space<vmem>> -> memref<512xi32, #tpu.memory_space<vmem>>
    %dma_wait3A_288 = tpu.memref_slice %arg2[%dma_wait3A_281, %mul3A_2] : memref<26x16384xi32, #tpu.memory_space<hbm>> -> memref<1x512xi32, #tpu.memory_space<hbm>>
    %dma_wait3A_289 = tpu.memref_squeeze %dma_wait3A_288 : memref<1x512xi32, #tpu.memory_space<hbm>> -> memref<512xi32, #tpu.memory_space<hbm>>
    tpu.wait_dma2 semaphore(%arg10 : memref<!tpu.dma_semaphore, #tpu.memory_space<semaphore_mem>>) src(%dma_wait3A_289 : memref<512xi32, #tpu.memory_space<hbm>>) dst(%dma_wait3A_287 : memref<512xi32, #tpu.memory_space<vmem>>)
    %dma_start3A_290 = arith.constant 0 : i32
    %dma_start3A_291 = arith.constant 1024 : i32
    %dma_start3A_292 = tpu.memref_slice %arg7[%dma_start3A_291] : memref<13312xf32, #tpu.memory_space<vmem>> -> memref<512xf32, #tpu.memory_space<vmem>>
    %dma_start3A_293 = arith.constant 1024 : i32
    %dma_start3A_294 = tpu.memref_slice %arg6[%dma_start3A_293] : memref<13312xi32, #tpu.memory_space<vmem>> -> memref<512xi32, #tpu.memory_space<vmem>>
    %dma_start3A_295 = arith.constant 0 : i32
    %dma_start3A_296 = tpu.memref_slice %arg3[%dma_start3A_290, %dma_start3A_295] : memref<1x2600000xf32, #tpu.memory_space<hbm>> -> memref<1x2600000xf32, #tpu.memory_space<hbm>>
    %dma_start3A_297 = tpu.memref_squeeze %dma_start3A_296 : memref<1x2600000xf32, #tpu.memory_space<hbm>> -> memref<2600000xf32, #tpu.memory_space<hbm>>
    %dma_start3A_298 = arith.constant 200000 : i32
    %dma_start3A_299 = tpu.memref_slice %dma_start3A_297[%dma_start3A_298] : memref<2600000xf32, #tpu.memory_space<hbm>> -> memref<100000xf32, #tpu.memory_space<hbm>>
    %dma_start3A_300 = arith.constant 0 : i32
    %dma_start3A_301 = tpu.memref_slice %dma_start3A_299[%dma_start3A_300] : memref<100000xf32, #tpu.memory_space<hbm>> -> memref<100000xf32, #tpu.memory_space<hbm>>
    tpu.enqueue_indirect_dma source(%dma_start3A_301 : memref<100000xf32, #tpu.memory_space<hbm>>) target(%dma_start3A_292 : memref<512xf32, #tpu.memory_space<vmem>>) offsets(%dma_start3A_294 : memref<512xi32, #tpu.memory_space<vmem>>) semaphore(%arg11 : memref<!tpu.dma_semaphore, #tpu.memory_space<semaphore_mem>>)
    %dma_wait3A_302 = arith.constant 3 : i32
    %dma_wait3A_303 = arith.constant 1536 : i32
    %dma_wait3A_304 = tpu.memref_slice %arg6[%dma_wait3A_303] : memref<13312xi32, #tpu.memory_space<vmem>> -> memref<512xi32, #tpu.memory_space<vmem>>
    %dma_wait3A_305 = tpu.memref_slice %arg2[%dma_wait3A_302, %mul3A_2] : memref<26x16384xi32, #tpu.memory_space<hbm>> -> memref<1x512xi32, #tpu.memory_space<hbm>>
    %dma_wait3A_306 = tpu.memref_squeeze %dma_wait3A_305 : memref<1x512xi32, #tpu.memory_space<hbm>> -> memref<512xi32, #tpu.memory_space<hbm>>
    %dma_wait3A_307 = arith.constant 1536 : i32
    %dma_wait3A_308 = tpu.memref_slice %arg6[%dma_wait3A_307] : memref<13312xi32, #tpu.memory_space<vmem>> -> memref<512xi32, #tpu.memory_space<vmem>>
    %dma_wait3A_309 = tpu.memref_slice %arg2[%dma_wait3A_302, %mul3A_2] : memref<26x16384xi32, #tpu.memory_space<hbm>> -> memref<1x512xi32, #tpu.memory_space<hbm>>
    %dma_wait3A_310 = tpu.memref_squeeze %dma_wait3A_309 : memref<1x512xi32, #tpu.memory_space<hbm>> -> memref<512xi32, #tpu.memory_space<hbm>>
    tpu.wait_dma2 semaphore(%arg10 : memref<!tpu.dma_semaphore, #tpu.memory_space<semaphore_mem>>) src(%dma_wait3A_310 : memref<512xi32, #tpu.memory_space<hbm>>) dst(%dma_wait3A_308 : memref<512xi32, #tpu.memory_space<vmem>>)
    %dma_start3A_311 = arith.constant 0 : i32
    %dma_start3A_312 = arith.constant 1536 : i32
    %dma_start3A_313 = tpu.memref_slice %arg7[%dma_start3A_312] : memref<13312xf32, #tpu.memory_space<vmem>> -> memref<512xf32, #tpu.memory_space<vmem>>
    %dma_start3A_314 = arith.constant 1536 : i32
    %dma_start3A_315 = tpu.memref_slice %arg6[%dma_start3A_314] : memref<13312xi32, #tpu.memory_space<vmem>> -> memref<512xi32, #tpu.memory_space<vmem>>
    %dma_start3A_316 = arith.constant 0 : i32
    %dma_start3A_317 = tpu.memref_slice %arg3[%dma_start3A_311, %dma_start3A_316] : memref<1x2600000xf32, #tpu.memory_space<hbm>> -> memref<1x2600000xf32, #tpu.memory_space<hbm>>
    %dma_start3A_318 = tpu.memref_squeeze %dma_start3A_317 : memref<1x2600000xf32, #tpu.memory_space<hbm>> -> memref<2600000xf32, #tpu.memory_space<hbm>>
    %dma_start3A_319 = arith.constant 300000 : i32
    %dma_start3A_320 = tpu.memref_slice %dma_start3A_318[%dma_start3A_319] : memref<2600000xf32, #tpu.memory_space<hbm>> -> memref<100000xf32, #tpu.memory_space<hbm>>
    %dma_start3A_321 = arith.constant 0 : i32
    %dma_start3A_322 = tpu.memref_slice %dma_start3A_320[%dma_start3A_321] : memref<100000xf32, #tpu.memory_space<hbm>> -> memref<100000xf32, #tpu.memory_space<hbm>>
    tpu.enqueue_indirect_dma source(%dma_start3A_322 : memref<100000xf32, #tpu.memory_space<hbm>>) target(%dma_start3A_313 : memref<512xf32, #tpu.memory_space<vmem>>) offsets(%dma_start3A_315 : memref<512xi32, #tpu.memory_space<vmem>>) semaphore(%arg11 : memref<!tpu.dma_semaphore, #tpu.memory_space<semaphore_mem>>)
    %dma_wait3A_323 = arith.constant 4 : i32
    %dma_wait3A_324 = arith.constant 2048 : i32
    %dma_wait3A_325 = tpu.memref_slice %arg6[%dma_wait3A_324] : memref<13312xi32, #tpu.memory_space<vmem>> -> memref<512xi32, #tpu.memory_space<vmem>>
    %dma_wait3A_326 = tpu.memref_slice %arg2[%dma_wait3A_323, %mul3A_2] : memref<26x16384xi32, #tpu.memory_space<hbm>> -> memref<1x512xi32, #tpu.memory_space<hbm>>
    %dma_wait3A_327 = tpu.memref_squeeze %dma_wait3A_326 : memref<1x512xi32, #tpu.memory_space<hbm>> -> memref<512xi32, #tpu.memory_space<hbm>>
    %dma_wait3A_328 = arith.constant 2048 : i32
    %dma_wait3A_329 = tpu.memref_slice %arg6[%dma_wait3A_328] : memref<13312xi32, #tpu.memory_space<vmem>> -> memref<512xi32, #tpu.memory_space<vmem>>
    %dma_wait3A_330 = tpu.memref_slice %arg2[%dma_wait3A_323, %mul3A_2] : memref<26x16384xi32, #tpu.memory_space<hbm>> -> memref<1x512xi32, #tpu.memory_space<hbm>>
    %dma_wait3A_331 = tpu.memref_squeeze %dma_wait3A_330 : memref<1x512xi32, #tpu.memory_space<hbm>> -> memref<512xi32, #tpu.memory_space<hbm>>
    tpu.wait_dma2 semaphore(%arg10 : memref<!tpu.dma_semaphore, #tpu.memory_space<semaphore_mem>>) src(%dma_wait3A_331 : memref<512xi32, #tpu.memory_space<hbm>>) dst(%dma_wait3A_329 : memref<512xi32, #tpu.memory_space<vmem>>)
    %dma_start3A_332 = arith.constant 0 : i32
    %dma_start3A_333 = arith.constant 2048 : i32
    %dma_start3A_334 = tpu.memref_slice %arg7[%dma_start3A_333] : memref<13312xf32, #tpu.memory_space<vmem>> -> memref<512xf32, #tpu.memory_space<vmem>>
    %dma_start3A_335 = arith.constant 2048 : i32
    %dma_start3A_336 = tpu.memref_slice %arg6[%dma_start3A_335] : memref<13312xi32, #tpu.memory_space<vmem>> -> memref<512xi32, #tpu.memory_space<vmem>>
    %dma_start3A_337 = arith.constant 0 : i32
    %dma_start3A_338 = tpu.memref_slice %arg3[%dma_start3A_332, %dma_start3A_337] : memref<1x2600000xf32, #tpu.memory_space<hbm>> -> memref<1x2600000xf32, #tpu.memory_space<hbm>>
    %dma_start3A_339 = tpu.memref_squeeze %dma_start3A_338 : memref<1x2600000xf32, #tpu.memory_space<hbm>> -> memref<2600000xf32, #tpu.memory_space<hbm>>
    %dma_start3A_340 = arith.constant 400000 : i32
    %dma_start3A_341 = tpu.memref_slice %dma_start3A_339[%dma_start3A_340] : memref<2600000xf32, #tpu.memory_space<hbm>> -> memref<100000xf32, #tpu.memory_space<hbm>>
    %dma_start3A_342 = arith.constant 0 : i32
    %dma_start3A_343 = tpu.memref_slice %dma_start3A_341[%dma_start3A_342] : memref<100000xf32, #tpu.memory_space<hbm>> -> memref<100000xf32, #tpu.memory_space<hbm>>
    tpu.enqueue_indirect_dma source(%dma_start3A_343 : memref<100000xf32, #tpu.memory_space<hbm>>) target(%dma_start3A_334 : memref<512xf32, #tpu.memory_space<vmem>>) offsets(%dma_start3A_336 : memref<512xi32, #tpu.memory_space<vmem>>) semaphore(%arg11 : memref<!tpu.dma_semaphore, #tpu.memory_space<semaphore_mem>>)
    %dma_wait3A_344 = arith.constant 5 : i32
    %dma_wait3A_345 = arith.constant 2560 : i32
    %dma_wait3A_346 = tpu.memref_slice %arg6[%dma_wait3A_345] : memref<13312xi32, #tpu.memory_space<vmem>> -> memref<512xi32, #tpu.memory_space<vmem>>
    %dma_wait3A_347 = tpu.memref_slice %arg2[%dma_wait3A_344, %mul3A_2] : memref<26x16384xi32, #tpu.memory_space<hbm>> -> memref<1x512xi32, #tpu.memory_space<hbm>>
    %dma_wait3A_348 = tpu.memref_squeeze %dma_wait3A_347 : memref<1x512xi32, #tpu.memory_space<hbm>> -> memref<512xi32, #tpu.memory_space<hbm>>
    %dma_wait3A_349 = arith.constant 2560 : i32
    %dma_wait3A_350 = tpu.memref_slice %arg6[%dma_wait3A_349] : memref<13312xi32, #tpu.memory_space<vmem>> -> memref<512xi32, #tpu.memory_space<vmem>>
    %dma_wait3A_351 = tpu.memref_slice %arg2[%dma_wait3A_344, %mul3A_2] : memref<26x16384xi32, #tpu.memory_space<hbm>> -> memref<1x512xi32, #tpu.memory_space<hbm>>
    %dma_wait3A_352 = tpu.memref_squeeze %dma_wait3A_351 : memref<1x512xi32, #tpu.memory_space<hbm>> -> memref<512xi32, #tpu.memory_space<hbm>>
    tpu.wait_dma2 semaphore(%arg10 : memref<!tpu.dma_semaphore, #tpu.memory_space<semaphore_mem>>) src(%dma_wait3A_352 : memref<512xi32, #tpu.memory_space<hbm>>) dst(%dma_wait3A_350 : memref<512xi32, #tpu.memory_space<vmem>>)
    %dma_start3A_353 = arith.constant 0 : i32
    %dma_start3A_354 = arith.constant 2560 : i32
    %dma_start3A_355 = tpu.memref_slice %arg7[%dma_start3A_354] : memref<13312xf32, #tpu.memory_space<vmem>> -> memref<512xf32, #tpu.memory_space<vmem>>
    %dma_start3A_356 = arith.constant 2560 : i32
    %dma_start3A_357 = tpu.memref_slice %arg6[%dma_start3A_356] : memref<13312xi32, #tpu.memory_space<vmem>> -> memref<512xi32, #tpu.memory_space<vmem>>
    %dma_start3A_358 = arith.constant 0 : i32
    %dma_start3A_359 = tpu.memref_slice %arg3[%dma_start3A_353, %dma_start3A_358] : memref<1x2600000xf32, #tpu.memory_space<hbm>> -> memref<1x2600000xf32, #tpu.memory_space<hbm>>
    %dma_start3A_360 = tpu.memref_squeeze %dma_start3A_359 : memref<1x2600000xf32, #tpu.memory_space<hbm>> -> memref<2600000xf32, #tpu.memory_space<hbm>>
    %dma_start3A_361 = arith.constant 500000 : i32
    %dma_start3A_362 = tpu.memref_slice %dma_start3A_360[%dma_start3A_361] : memref<2600000xf32, #tpu.memory_space<hbm>> -> memref<100000xf32, #tpu.memory_space<hbm>>
    %dma_start3A_363 = arith.constant 0 : i32
    %dma_start3A_364 = tpu.memref_slice %dma_start3A_362[%dma_start3A_363] : memref<100000xf32, #tpu.memory_space<hbm>> -> memref<100000xf32, #tpu.memory_space<hbm>>
    tpu.enqueue_indirect_dma source(%dma_start3A_364 : memref<100000xf32, #tpu.memory_space<hbm>>) target(%dma_start3A_355 : memref<512xf32, #tpu.memory_space<vmem>>) offsets(%dma_start3A_357 : memref<512xi32, #tpu.memory_space<vmem>>) semaphore(%arg11 : memref<!tpu.dma_semaphore, #tpu.memory_space<semaphore_mem>>)
    %dma_wait3A_365 = arith.constant 6 : i32
    %dma_wait3A_366 = arith.constant 3072 : i32
    %dma_wait3A_367 = tpu.memref_slice %arg6[%dma_wait3A_366] : memref<13312xi32, #tpu.memory_space<vmem>> -> memref<512xi32, #tpu.memory_space<vmem>>
    %dma_wait3A_368 = tpu.memref_slice %arg2[%dma_wait3A_365, %mul3A_2] : memref<26x16384xi32, #tpu.memory_space<hbm>> -> memref<1x512xi32, #tpu.memory_space<hbm>>
    %dma_wait3A_369 = tpu.memref_squeeze %dma_wait3A_368 : memref<1x512xi32, #tpu.memory_space<hbm>> -> memref<512xi32, #tpu.memory_space<hbm>>
    %dma_wait3A_370 = arith.constant 3072 : i32
    %dma_wait3A_371 = tpu.memref_slice %arg6[%dma_wait3A_370] : memref<13312xi32, #tpu.memory_space<vmem>> -> memref<512xi32, #tpu.memory_space<vmem>>
    %dma_wait3A_372 = tpu.memref_slice %arg2[%dma_wait3A_365, %mul3A_2] : memref<26x16384xi32, #tpu.memory_space<hbm>> -> memref<1x512xi32, #tpu.memory_space<hbm>>
    %dma_wait3A_373 = tpu.memref_squeeze %dma_wait3A_372 : memref<1x512xi32, #tpu.memory_space<hbm>> -> memref<512xi32, #tpu.memory_space<hbm>>
    tpu.wait_dma2 semaphore(%arg10 : memref<!tpu.dma_semaphore, #tpu.memory_space<semaphore_mem>>) src(%dma_wait3A_373 : memref<512xi32, #tpu.memory_space<hbm>>) dst(%dma_wait3A_371 : memref<512xi32, #tpu.memory_space<vmem>>)
    %dma_start3A_374 = arith.constant 0 : i32
    %dma_start3A_375 = arith.constant 3072 : i32
    %dma_start3A_376 = tpu.memref_slice %arg7[%dma_start3A_375] : memref<13312xf32, #tpu.memory_space<vmem>> -> memref<512xf32, #tpu.memory_space<vmem>>
    %dma_start3A_377 = arith.constant 3072 : i32
    %dma_start3A_378 = tpu.memref_slice %arg6[%dma_start3A_377] : memref<13312xi32, #tpu.memory_space<vmem>> -> memref<512xi32, #tpu.memory_space<vmem>>
    %dma_start3A_379 = arith.constant 0 : i32
    %dma_start3A_380 = tpu.memref_slice %arg3[%dma_start3A_374, %dma_start3A_379] : memref<1x2600000xf32, #tpu.memory_space<hbm>> -> memref<1x2600000xf32, #tpu.memory_space<hbm>>
    %dma_start3A_381 = tpu.memref_squeeze %dma_start3A_380 : memref<1x2600000xf32, #tpu.memory_space<hbm>> -> memref<2600000xf32, #tpu.memory_space<hbm>>
    %dma_start3A_382 = arith.constant 600000 : i32
    %dma_start3A_383 = tpu.memref_slice %dma_start3A_381[%dma_start3A_382] : memref<2600000xf32, #tpu.memory_space<hbm>> -> memref<100000xf32, #tpu.memory_space<hbm>>
    %dma_start3A_384 = arith.constant 0 : i32
    %dma_start3A_385 = tpu.memref_slice %dma_start3A_383[%dma_start3A_384] : memref<100000xf32, #tpu.memory_space<hbm>> -> memref<100000xf32, #tpu.memory_space<hbm>>
    tpu.enqueue_indirect_dma source(%dma_start3A_385 : memref<100000xf32, #tpu.memory_space<hbm>>) target(%dma_start3A_376 : memref<512xf32, #tpu.memory_space<vmem>>) offsets(%dma_start3A_378 : memref<512xi32, #tpu.memory_space<vmem>>) semaphore(%arg11 : memref<!tpu.dma_semaphore, #tpu.memory_space<semaphore_mem>>)
    %dma_wait3A_386 = arith.constant 7 : i32
    %dma_wait3A_387 = arith.constant 3584 : i32
    %dma_wait3A_388 = tpu.memref_slice %arg6[%dma_wait3A_387] : memref<13312xi32, #tpu.memory_space<vmem>> -> memref<512xi32, #tpu.memory_space<vmem>>
    %dma_wait3A_389 = tpu.memref_slice %arg2[%dma_wait3A_386, %mul3A_2] : memref<26x16384xi32, #tpu.memory_space<hbm>> -> memref<1x512xi32, #tpu.memory_space<hbm>>
    %dma_wait3A_390 = tpu.memref_squeeze %dma_wait3A_389 : memref<1x512xi32, #tpu.memory_space<hbm>> -> memref<512xi32, #tpu.memory_space<hbm>>
    %dma_wait3A_391 = arith.constant 3584 : i32
    %dma_wait3A_392 = tpu.memref_slice %arg6[%dma_wait3A_391] : memref<13312xi32, #tpu.memory_space<vmem>> -> memref<512xi32, #tpu.memory_space<vmem>>
    %dma_wait3A_393 = tpu.memref_slice %arg2[%dma_wait3A_386, %mul3A_2] : memref<26x16384xi32, #tpu.memory_space<hbm>> -> memref<1x512xi32, #tpu.memory_space<hbm>>
    %dma_wait3A_394 = tpu.memref_squeeze %dma_wait3A_393 : memref<1x512xi32, #tpu.memory_space<hbm>> -> memref<512xi32, #tpu.memory_space<hbm>>
    tpu.wait_dma2 semaphore(%arg10 : memref<!tpu.dma_semaphore, #tpu.memory_space<semaphore_mem>>) src(%dma_wait3A_394 : memref<512xi32, #tpu.memory_space<hbm>>) dst(%dma_wait3A_392 : memref<512xi32, #tpu.memory_space<vmem>>)
    %dma_start3A_395 = arith.constant 0 : i32
    %dma_start3A_396 = arith.constant 3584 : i32
    %dma_start3A_397 = tpu.memref_slice %arg7[%dma_start3A_396] : memref<13312xf32, #tpu.memory_space<vmem>> -> memref<512xf32, #tpu.memory_space<vmem>>
    %dma_start3A_398 = arith.constant 3584 : i32
    %dma_start3A_399 = tpu.memref_slice %arg6[%dma_start3A_398] : memref<13312xi32, #tpu.memory_space<vmem>> -> memref<512xi32, #tpu.memory_space<vmem>>
    %dma_start3A_400 = arith.constant 0 : i32
    %dma_start3A_401 = tpu.memref_slice %arg3[%dma_start3A_395, %dma_start3A_400] : memref<1x2600000xf32, #tpu.memory_space<hbm>> -> memref<1x2600000xf32, #tpu.memory_space<hbm>>
    %dma_start3A_402 = tpu.memref_squeeze %dma_start3A_401 : memref<1x2600000xf32, #tpu.memory_space<hbm>> -> memref<2600000xf32, #tpu.memory_space<hbm>>
    %dma_start3A_403 = arith.constant 700000 : i32
    %dma_start3A_404 = tpu.memref_slice %dma_start3A_402[%dma_start3A_403] : memref<2600000xf32, #tpu.memory_space<hbm>> -> memref<100000xf32, #tpu.memory_space<hbm>>
    %dma_start3A_405 = arith.constant 0 : i32
    %dma_start3A_406 = tpu.memref_slice %dma_start3A_404[%dma_start3A_405] : memref<100000xf32, #tpu.memory_space<hbm>> -> memref<100000xf32, #tpu.memory_space<hbm>>
    tpu.enqueue_indirect_dma source(%dma_start3A_406 : memref<100000xf32, #tpu.memory_space<hbm>>) target(%dma_start3A_397 : memref<512xf32, #tpu.memory_space<vmem>>) offsets(%dma_start3A_399 : memref<512xi32, #tpu.memory_space<vmem>>) semaphore(%arg11 : memref<!tpu.dma_semaphore, #tpu.memory_space<semaphore_mem>>)
    %dma_wait3A_407 = arith.constant 8 : i32
    %dma_wait3A_408 = arith.constant 4096 : i32
    %dma_wait3A_409 = tpu.memref_slice %arg6[%dma_wait3A_408] : memref<13312xi32, #tpu.memory_space<vmem>> -> memref<512xi32, #tpu.memory_space<vmem>>
    %dma_wait3A_410 = tpu.memref_slice %arg2[%dma_wait3A_407, %mul3A_2] : memref<26x16384xi32, #tpu.memory_space<hbm>> -> memref<1x512xi32, #tpu.memory_space<hbm>>
    %dma_wait3A_411 = tpu.memref_squeeze %dma_wait3A_410 : memref<1x512xi32, #tpu.memory_space<hbm>> -> memref<512xi32, #tpu.memory_space<hbm>>
    %dma_wait3A_412 = arith.constant 4096 : i32
    %dma_wait3A_413 = tpu.memref_slice %arg6[%dma_wait3A_412] : memref<13312xi32, #tpu.memory_space<vmem>> -> memref<512xi32, #tpu.memory_space<vmem>>
    %dma_wait3A_414 = tpu.memref_slice %arg2[%dma_wait3A_407, %mul3A_2] : memref<26x16384xi32, #tpu.memory_space<hbm>> -> memref<1x512xi32, #tpu.memory_space<hbm>>
    %dma_wait3A_415 = tpu.memref_squeeze %dma_wait3A_414 : memref<1x512xi32, #tpu.memory_space<hbm>> -> memref<512xi32, #tpu.memory_space<hbm>>
    tpu.wait_dma2 semaphore(%arg10 : memref<!tpu.dma_semaphore, #tpu.memory_space<semaphore_mem>>) src(%dma_wait3A_415 : memref<512xi32, #tpu.memory_space<hbm>>) dst(%dma_wait3A_413 : memref<512xi32, #tpu.memory_space<vmem>>)
    %dma_start3A_416 = arith.constant 0 : i32
    %dma_start3A_417 = arith.constant 4096 : i32
    %dma_start3A_418 = tpu.memref_slice %arg7[%dma_start3A_417] : memref<13312xf32, #tpu.memory_space<vmem>> -> memref<512xf32, #tpu.memory_space<vmem>>
    %dma_start3A_419 = arith.constant 4096 : i32
    %dma_start3A_420 = tpu.memref_slice %arg6[%dma_start3A_419] : memref<13312xi32, #tpu.memory_space<vmem>> -> memref<512xi32, #tpu.memory_space<vmem>>
    %dma_start3A_421 = arith.constant 0 : i32
    %dma_start3A_422 = tpu.memref_slice %arg3[%dma_start3A_416, %dma_start3A_421] : memref<1x2600000xf32, #tpu.memory_space<hbm>> -> memref<1x2600000xf32, #tpu.memory_space<hbm>>
    %dma_start3A_423 = tpu.memref_squeeze %dma_start3A_422 : memref<1x2600000xf32, #tpu.memory_space<hbm>> -> memref<2600000xf32, #tpu.memory_space<hbm>>
    %dma_start3A_424 = arith.constant 800000 : i32
    %dma_start3A_425 = tpu.memref_slice %dma_start3A_423[%dma_start3A_424] : memref<2600000xf32, #tpu.memory_space<hbm>> -> memref<100000xf32, #tpu.memory_space<hbm>>
    %dma_start3A_426 = arith.constant 0 : i32
    %dma_start3A_427 = tpu.memref_slice %dma_start3A_425[%dma_start3A_426] : memref<100000xf32, #tpu.memory_space<hbm>> -> memref<100000xf32, #tpu.memory_space<hbm>>
    tpu.enqueue_indirect_dma source(%dma_start3A_427 : memref<100000xf32, #tpu.memory_space<hbm>>) target(%dma_start3A_418 : memref<512xf32, #tpu.memory_space<vmem>>) offsets(%dma_start3A_420 : memref<512xi32, #tpu.memory_space<vmem>>) semaphore(%arg11 : memref<!tpu.dma_semaphore, #tpu.memory_space<semaphore_mem>>)
    %dma_wait3A_428 = arith.constant 9 : i32
    %dma_wait3A_429 = arith.constant 4608 : i32
    %dma_wait3A_430 = tpu.memref_slice %arg6[%dma_wait3A_429] : memref<13312xi32, #tpu.memory_space<vmem>> -> memref<512xi32, #tpu.memory_space<vmem>>
    %dma_wait3A_431 = tpu.memref_slice %arg2[%dma_wait3A_428, %mul3A_2] : memref<26x16384xi32, #tpu.memory_space<hbm>> -> memref<1x512xi32, #tpu.memory_space<hbm>>
    %dma_wait3A_432 = tpu.memref_squeeze %dma_wait3A_431 : memref<1x512xi32, #tpu.memory_space<hbm>> -> memref<512xi32, #tpu.memory_space<hbm>>
    %dma_wait3A_433 = arith.constant 4608 : i32
    %dma_wait3A_434 = tpu.memref_slice %arg6[%dma_wait3A_433] : memref<13312xi32, #tpu.memory_space<vmem>> -> memref<512xi32, #tpu.memory_space<vmem>>
    %dma_wait3A_435 = tpu.memref_slice %arg2[%dma_wait3A_428, %mul3A_2] : memref<26x16384xi32, #tpu.memory_space<hbm>> -> memref<1x512xi32, #tpu.memory_space<hbm>>
    %dma_wait3A_436 = tpu.memref_squeeze %dma_wait3A_435 : memref<1x512xi32, #tpu.memory_space<hbm>> -> memref<512xi32, #tpu.memory_space<hbm>>
    tpu.wait_dma2 semaphore(%arg10 : memref<!tpu.dma_semaphore, #tpu.memory_space<semaphore_mem>>) src(%dma_wait3A_436 : memref<512xi32, #tpu.memory_space<hbm>>) dst(%dma_wait3A_434 : memref<512xi32, #tpu.memory_space<vmem>>)
    %dma_start3A_437 = arith.constant 0 : i32
    %dma_start3A_438 = arith.constant 4608 : i32
    %dma_start3A_439 = tpu.memref_slice %arg7[%dma_start3A_438] : memref<13312xf32, #tpu.memory_space<vmem>> -> memref<512xf32, #tpu.memory_space<vmem>>
    %dma_start3A_440 = arith.constant 4608 : i32
    %dma_start3A_441 = tpu.memref_slice %arg6[%dma_start3A_440] : memref<13312xi32, #tpu.memory_space<vmem>> -> memref<512xi32, #tpu.memory_space<vmem>>
    %dma_start3A_442 = arith.constant 0 : i32
    %dma_start3A_443 = tpu.memref_slice %arg3[%dma_start3A_437, %dma_start3A_442] : memref<1x2600000xf32, #tpu.memory_space<hbm>> -> memref<1x2600000xf32, #tpu.memory_space<hbm>>
    %dma_start3A_444 = tpu.memref_squeeze %dma_start3A_443 : memref<1x2600000xf32, #tpu.memory_space<hbm>> -> memref<2600000xf32, #tpu.memory_space<hbm>>
    %dma_start3A_445 = arith.constant 900000 : i32
    %dma_start3A_446 = tpu.memref_slice %dma_start3A_444[%dma_start3A_445] : memref<2600000xf32, #tpu.memory_space<hbm>> -> memref<100000xf32, #tpu.memory_space<hbm>>
    %dma_start3A_447 = arith.constant 0 : i32
    %dma_start3A_448 = tpu.memref_slice %dma_start3A_446[%dma_start3A_447] : memref<100000xf32, #tpu.memory_space<hbm>> -> memref<100000xf32, #tpu.memory_space<hbm>>
    tpu.enqueue_indirect_dma source(%dma_start3A_448 : memref<100000xf32, #tpu.memory_space<hbm>>) target(%dma_start3A_439 : memref<512xf32, #tpu.memory_space<vmem>>) offsets(%dma_start3A_441 : memref<512xi32, #tpu.memory_space<vmem>>) semaphore(%arg11 : memref<!tpu.dma_semaphore, #tpu.memory_space<semaphore_mem>>)
    %dma_wait3A_449 = arith.constant 10 : i32
    %dma_wait3A_450 = arith.constant 5120 : i32
    %dma_wait3A_451 = tpu.memref_slice %arg6[%dma_wait3A_450] : memref<13312xi32, #tpu.memory_space<vmem>> -> memref<512xi32, #tpu.memory_space<vmem>>
    %dma_wait3A_452 = tpu.memref_slice %arg2[%dma_wait3A_449, %mul3A_2] : memref<26x16384xi32, #tpu.memory_space<hbm>> -> memref<1x512xi32, #tpu.memory_space<hbm>>
    %dma_wait3A_453 = tpu.memref_squeeze %dma_wait3A_452 : memref<1x512xi32, #tpu.memory_space<hbm>> -> memref<512xi32, #tpu.memory_space<hbm>>
    %dma_wait3A_454 = arith.constant 5120 : i32
    %dma_wait3A_455 = tpu.memref_slice %arg6[%dma_wait3A_454] : memref<13312xi32, #tpu.memory_space<vmem>> -> memref<512xi32, #tpu.memory_space<vmem>>
    %dma_wait3A_456 = tpu.memref_slice %arg2[%dma_wait3A_449, %mul3A_2] : memref<26x16384xi32, #tpu.memory_space<hbm>> -> memref<1x512xi32, #tpu.memory_space<hbm>>
    %dma_wait3A_457 = tpu.memref_squeeze %dma_wait3A_456 : memref<1x512xi32, #tpu.memory_space<hbm>> -> memref<512xi32, #tpu.memory_space<hbm>>
    tpu.wait_dma2 semaphore(%arg10 : memref<!tpu.dma_semaphore, #tpu.memory_space<semaphore_mem>>) src(%dma_wait3A_457 : memref<512xi32, #tpu.memory_space<hbm>>) dst(%dma_wait3A_455 : memref<512xi32, #tpu.memory_space<vmem>>)
    %dma_start3A_458 = arith.constant 0 : i32
    %dma_start3A_459 = arith.constant 5120 : i32
    %dma_start3A_460 = tpu.memref_slice %arg7[%dma_start3A_459] : memref<13312xf32, #tpu.memory_space<vmem>> -> memref<512xf32, #tpu.memory_space<vmem>>
    %dma_start3A_461 = arith.constant 5120 : i32
    %dma_start3A_462 = tpu.memref_slice %arg6[%dma_start3A_461] : memref<13312xi32, #tpu.memory_space<vmem>> -> memref<512xi32, #tpu.memory_space<vmem>>
    %dma_start3A_463 = arith.constant 0 : i32
    %dma_start3A_464 = tpu.memref_slice %arg3[%dma_start3A_458, %dma_start3A_463] : memref<1x2600000xf32, #tpu.memory_space<hbm>> -> memref<1x2600000xf32, #tpu.memory_space<hbm>>
    %dma_start3A_465 = tpu.memref_squeeze %dma_start3A_464 : memref<1x2600000xf32, #tpu.memory_space<hbm>> -> memref<2600000xf32, #tpu.memory_space<hbm>>
    %dma_start3A_466 = arith.constant 1000000 : i32
    %dma_start3A_467 = tpu.memref_slice %dma_start3A_465[%dma_start3A_466] : memref<2600000xf32, #tpu.memory_space<hbm>> -> memref<100000xf32, #tpu.memory_space<hbm>>
    %dma_start3A_468 = arith.constant 0 : i32
    %dma_start3A_469 = tpu.memref_slice %dma_start3A_467[%dma_start3A_468] : memref<100000xf32, #tpu.memory_space<hbm>> -> memref<100000xf32, #tpu.memory_space<hbm>>
    tpu.enqueue_indirect_dma source(%dma_start3A_469 : memref<100000xf32, #tpu.memory_space<hbm>>) target(%dma_start3A_460 : memref<512xf32, #tpu.memory_space<vmem>>) offsets(%dma_start3A_462 : memref<512xi32, #tpu.memory_space<vmem>>) semaphore(%arg11 : memref<!tpu.dma_semaphore, #tpu.memory_space<semaphore_mem>>)
    %dma_wait3A_470 = arith.constant 11 : i32
    %dma_wait3A_471 = arith.constant 5632 : i32
    %dma_wait3A_472 = tpu.memref_slice %arg6[%dma_wait3A_471] : memref<13312xi32, #tpu.memory_space<vmem>> -> memref<512xi32, #tpu.memory_space<vmem>>
    %dma_wait3A_473 = tpu.memref_slice %arg2[%dma_wait3A_470, %mul3A_2] : memref<26x16384xi32, #tpu.memory_space<hbm>> -> memref<1x512xi32, #tpu.memory_space<hbm>>
    %dma_wait3A_474 = tpu.memref_squeeze %dma_wait3A_473 : memref<1x512xi32, #tpu.memory_space<hbm>> -> memref<512xi32, #tpu.memory_space<hbm>>
    %dma_wait3A_475 = arith.constant 5632 : i32
    %dma_wait3A_476 = tpu.memref_slice %arg6[%dma_wait3A_475] : memref<13312xi32, #tpu.memory_space<vmem>> -> memref<512xi32, #tpu.memory_space<vmem>>
    %dma_wait3A_477 = tpu.memref_slice %arg2[%dma_wait3A_470, %mul3A_2] : memref<26x16384xi32, #tpu.memory_space<hbm>> -> memref<1x512xi32, #tpu.memory_space<hbm>>
    %dma_wait3A_478 = tpu.memref_squeeze %dma_wait3A_477 : memref<1x512xi32, #tpu.memory_space<hbm>> -> memref<512xi32, #tpu.memory_space<hbm>>
    tpu.wait_dma2 semaphore(%arg10 : memref<!tpu.dma_semaphore, #tpu.memory_space<semaphore_mem>>) src(%dma_wait3A_478 : memref<512xi32, #tpu.memory_space<hbm>>) dst(%dma_wait3A_476 : memref<512xi32, #tpu.memory_space<vmem>>)
    %dma_start3A_479 = arith.constant 0 : i32
    %dma_start3A_480 = arith.constant 5632 : i32
    %dma_start3A_481 = tpu.memref_slice %arg7[%dma_start3A_480] : memref<13312xf32, #tpu.memory_space<vmem>> -> memref<512xf32, #tpu.memory_space<vmem>>
    %dma_start3A_482 = arith.constant 5632 : i32
    %dma_start3A_483 = tpu.memref_slice %arg6[%dma_start3A_482] : memref<13312xi32, #tpu.memory_space<vmem>> -> memref<512xi32, #tpu.memory_space<vmem>>
    %dma_start3A_484 = arith.constant 0 : i32
    %dma_start3A_485 = tpu.memref_slice %arg3[%dma_start3A_479, %dma_start3A_484] : memref<1x2600000xf32, #tpu.memory_space<hbm>> -> memref<1x2600000xf32, #tpu.memory_space<hbm>>
    %dma_start3A_486 = tpu.memref_squeeze %dma_start3A_485 : memref<1x2600000xf32, #tpu.memory_space<hbm>> -> memref<2600000xf32, #tpu.memory_space<hbm>>
    %dma_start3A_487 = arith.constant 1100000 : i32
    %dma_start3A_488 = tpu.memref_slice %dma_start3A_486[%dma_start3A_487] : memref<2600000xf32, #tpu.memory_space<hbm>> -> memref<100000xf32, #tpu.memory_space<hbm>>
    %dma_start3A_489 = arith.constant 0 : i32
    %dma_start3A_490 = tpu.memref_slice %dma_start3A_488[%dma_start3A_489] : memref<100000xf32, #tpu.memory_space<hbm>> -> memref<100000xf32, #tpu.memory_space<hbm>>
    tpu.enqueue_indirect_dma source(%dma_start3A_490 : memref<100000xf32, #tpu.memory_space<hbm>>) target(%dma_start3A_481 : memref<512xf32, #tpu.memory_space<vmem>>) offsets(%dma_start3A_483 : memref<512xi32, #tpu.memory_space<vmem>>) semaphore(%arg11 : memref<!tpu.dma_semaphore, #tpu.memory_space<semaphore_mem>>)
    %dma_wait3A_491 = arith.constant 12 : i32
    %dma_wait3A_492 = arith.constant 6144 : i32
    %dma_wait3A_493 = tpu.memref_slice %arg6[%dma_wait3A_492] : memref<13312xi32, #tpu.memory_space<vmem>> -> memref<512xi32, #tpu.memory_space<vmem>>
    %dma_wait3A_494 = tpu.memref_slice %arg2[%dma_wait3A_491, %mul3A_2] : memref<26x16384xi32, #tpu.memory_space<hbm>> -> memref<1x512xi32, #tpu.memory_space<hbm>>
    %dma_wait3A_495 = tpu.memref_squeeze %dma_wait3A_494 : memref<1x512xi32, #tpu.memory_space<hbm>> -> memref<512xi32, #tpu.memory_space<hbm>>
    %dma_wait3A_496 = arith.constant 6144 : i32
    %dma_wait3A_497 = tpu.memref_slice %arg6[%dma_wait3A_496] : memref<13312xi32, #tpu.memory_space<vmem>> -> memref<512xi32, #tpu.memory_space<vmem>>
    %dma_wait3A_498 = tpu.memref_slice %arg2[%dma_wait3A_491, %mul3A_2] : memref<26x16384xi32, #tpu.memory_space<hbm>> -> memref<1x512xi32, #tpu.memory_space<hbm>>
    %dma_wait3A_499 = tpu.memref_squeeze %dma_wait3A_498 : memref<1x512xi32, #tpu.memory_space<hbm>> -> memref<512xi32, #tpu.memory_space<hbm>>
    tpu.wait_dma2 semaphore(%arg10 : memref<!tpu.dma_semaphore, #tpu.memory_space<semaphore_mem>>) src(%dma_wait3A_499 : memref<512xi32, #tpu.memory_space<hbm>>) dst(%dma_wait3A_497 : memref<512xi32, #tpu.memory_space<vmem>>)
    %dma_start3A_500 = arith.constant 0 : i32
    %dma_start3A_501 = arith.constant 6144 : i32
    %dma_start3A_502 = tpu.memref_slice %arg7[%dma_start3A_501] : memref<13312xf32, #tpu.memory_space<vmem>> -> memref<512xf32, #tpu.memory_space<vmem>>
    %dma_start3A_503 = arith.constant 6144 : i32
    %dma_start3A_504 = tpu.memref_slice %arg6[%dma_start3A_503] : memref<13312xi32, #tpu.memory_space<vmem>> -> memref<512xi32, #tpu.memory_space<vmem>>
    %dma_start3A_505 = arith.constant 0 : i32
    %dma_start3A_506 = tpu.memref_slice %arg3[%dma_start3A_500, %dma_start3A_505] : memref<1x2600000xf32, #tpu.memory_space<hbm>> -> memref<1x2600000xf32, #tpu.memory_space<hbm>>
    %dma_start3A_507 = tpu.memref_squeeze %dma_start3A_506 : memref<1x2600000xf32, #tpu.memory_space<hbm>> -> memref<2600000xf32, #tpu.memory_space<hbm>>
    %dma_start3A_508 = arith.constant 1200000 : i32
    %dma_start3A_509 = tpu.memref_slice %dma_start3A_507[%dma_start3A_508] : memref<2600000xf32, #tpu.memory_space<hbm>> -> memref<100000xf32, #tpu.memory_space<hbm>>
    %dma_start3A_510 = arith.constant 0 : i32
    %dma_start3A_511 = tpu.memref_slice %dma_start3A_509[%dma_start3A_510] : memref<100000xf32, #tpu.memory_space<hbm>> -> memref<100000xf32, #tpu.memory_space<hbm>>
    tpu.enqueue_indirect_dma source(%dma_start3A_511 : memref<100000xf32, #tpu.memory_space<hbm>>) target(%dma_start3A_502 : memref<512xf32, #tpu.memory_space<vmem>>) offsets(%dma_start3A_504 : memref<512xi32, #tpu.memory_space<vmem>>) semaphore(%arg11 : memref<!tpu.dma_semaphore, #tpu.memory_space<semaphore_mem>>)
    %dma_wait3A_512 = arith.constant 13 : i32
    %dma_wait3A_513 = arith.constant 6656 : i32
    %dma_wait3A_514 = tpu.memref_slice %arg6[%dma_wait3A_513] : memref<13312xi32, #tpu.memory_space<vmem>> -> memref<512xi32, #tpu.memory_space<vmem>>
    %dma_wait3A_515 = tpu.memref_slice %arg2[%dma_wait3A_512, %mul3A_2] : memref<26x16384xi32, #tpu.memory_space<hbm>> -> memref<1x512xi32, #tpu.memory_space<hbm>>
    %dma_wait3A_516 = tpu.memref_squeeze %dma_wait3A_515 : memref<1x512xi32, #tpu.memory_space<hbm>> -> memref<512xi32, #tpu.memory_space<hbm>>
    %dma_wait3A_517 = arith.constant 6656 : i32
    %dma_wait3A_518 = tpu.memref_slice %arg6[%dma_wait3A_517] : memref<13312xi32, #tpu.memory_space<vmem>> -> memref<512xi32, #tpu.memory_space<vmem>>
    %dma_wait3A_519 = tpu.memref_slice %arg2[%dma_wait3A_512, %mul3A_2] : memref<26x16384xi32, #tpu.memory_space<hbm>> -> memref<1x512xi32, #tpu.memory_space<hbm>>
    %dma_wait3A_520 = tpu.memref_squeeze %dma_wait3A_519 : memref<1x512xi32, #tpu.memory_space<hbm>> -> memref<512xi32, #tpu.memory_space<hbm>>
    tpu.wait_dma2 semaphore(%arg10 : memref<!tpu.dma_semaphore, #tpu.memory_space<semaphore_mem>>) src(%dma_wait3A_520 : memref<512xi32, #tpu.memory_space<hbm>>) dst(%dma_wait3A_518 : memref<512xi32, #tpu.memory_space<vmem>>)
    %dma_start3A_521 = arith.constant 0 : i32
    %dma_start3A_522 = arith.constant 6656 : i32
    %dma_start3A_523 = tpu.memref_slice %arg7[%dma_start3A_522] : memref<13312xf32, #tpu.memory_space<vmem>> -> memref<512xf32, #tpu.memory_space<vmem>>
    %dma_start3A_524 = arith.constant 6656 : i32
    %dma_start3A_525 = tpu.memref_slice %arg6[%dma_start3A_524] : memref<13312xi32, #tpu.memory_space<vmem>> -> memref<512xi32, #tpu.memory_space<vmem>>
    %dma_start3A_526 = arith.constant 0 : i32
    %dma_start3A_527 = tpu.memref_slice %arg3[%dma_start3A_521, %dma_start3A_526] : memref<1x2600000xf32, #tpu.memory_space<hbm>> -> memref<1x2600000xf32, #tpu.memory_space<hbm>>
    %dma_start3A_528 = tpu.memref_squeeze %dma_start3A_527 : memref<1x2600000xf32, #tpu.memory_space<hbm>> -> memref<2600000xf32, #tpu.memory_space<hbm>>
    %dma_start3A_529 = arith.constant 1300000 : i32
    %dma_start3A_530 = tpu.memref_slice %dma_start3A_528[%dma_start3A_529] : memref<2600000xf32, #tpu.memory_space<hbm>> -> memref<100000xf32, #tpu.memory_space<hbm>>
    %dma_start3A_531 = arith.constant 0 : i32
    %dma_start3A_532 = tpu.memref_slice %dma_start3A_530[%dma_start3A_531] : memref<100000xf32, #tpu.memory_space<hbm>> -> memref<100000xf32, #tpu.memory_space<hbm>>
    tpu.enqueue_indirect_dma source(%dma_start3A_532 : memref<100000xf32, #tpu.memory_space<hbm>>) target(%dma_start3A_523 : memref<512xf32, #tpu.memory_space<vmem>>) offsets(%dma_start3A_525 : memref<512xi32, #tpu.memory_space<vmem>>) semaphore(%arg11 : memref<!tpu.dma_semaphore, #tpu.memory_space<semaphore_mem>>)
    %dma_wait3A_533 = arith.constant 14 : i32
    %dma_wait3A_534 = arith.constant 7168 : i32
    %dma_wait3A_535 = tpu.memref_slice %arg6[%dma_wait3A_534] : memref<13312xi32, #tpu.memory_space<vmem>> -> memref<512xi32, #tpu.memory_space<vmem>>
    %dma_wait3A_536 = tpu.memref_slice %arg2[%dma_wait3A_533, %mul3A_2] : memref<26x16384xi32, #tpu.memory_space<hbm>> -> memref<1x512xi32, #tpu.memory_space<hbm>>
    %dma_wait3A_537 = tpu.memref_squeeze %dma_wait3A_536 : memref<1x512xi32, #tpu.memory_space<hbm>> -> memref<512xi32, #tpu.memory_space<hbm>>
    %dma_wait3A_538 = arith.constant 7168 : i32
    %dma_wait3A_539 = tpu.memref_slice %arg6[%dma_wait3A_538] : memref<13312xi32, #tpu.memory_space<vmem>> -> memref<512xi32, #tpu.memory_space<vmem>>
    %dma_wait3A_540 = tpu.memref_slice %arg2[%dma_wait3A_533, %mul3A_2] : memref<26x16384xi32, #tpu.memory_space<hbm>> -> memref<1x512xi32, #tpu.memory_space<hbm>>
    %dma_wait3A_541 = tpu.memref_squeeze %dma_wait3A_540 : memref<1x512xi32, #tpu.memory_space<hbm>> -> memref<512xi32, #tpu.memory_space<hbm>>
    tpu.wait_dma2 semaphore(%arg10 : memref<!tpu.dma_semaphore, #tpu.memory_space<semaphore_mem>>) src(%dma_wait3A_541 : memref<512xi32, #tpu.memory_space<hbm>>) dst(%dma_wait3A_539 : memref<512xi32, #tpu.memory_space<vmem>>)
    %dma_start3A_542 = arith.constant 0 : i32
    %dma_start3A_543 = arith.constant 7168 : i32
    %dma_start3A_544 = tpu.memref_slice %arg7[%dma_start3A_543] : memref<13312xf32, #tpu.memory_space<vmem>> -> memref<512xf32, #tpu.memory_space<vmem>>
    %dma_start3A_545 = arith.constant 7168 : i32
    %dma_start3A_546 = tpu.memref_slice %arg6[%dma_start3A_545] : memref<13312xi32, #tpu.memory_space<vmem>> -> memref<512xi32, #tpu.memory_space<vmem>>
    %dma_start3A_547 = arith.constant 0 : i32
    %dma_start3A_548 = tpu.memref_slice %arg3[%dma_start3A_542, %dma_start3A_547] : memref<1x2600000xf32, #tpu.memory_space<hbm>> -> memref<1x2600000xf32, #tpu.memory_space<hbm>>
    %dma_start3A_549 = tpu.memref_squeeze %dma_start3A_548 : memref<1x2600000xf32, #tpu.memory_space<hbm>> -> memref<2600000xf32, #tpu.memory_space<hbm>>
    %dma_start3A_550 = arith.constant 1400000 : i32
    %dma_start3A_551 = tpu.memref_slice %dma_start3A_549[%dma_start3A_550] : memref<2600000xf32, #tpu.memory_space<hbm>> -> memref<100000xf32, #tpu.memory_space<hbm>>
    %dma_start3A_552 = arith.constant 0 : i32
    %dma_start3A_553 = tpu.memref_slice %dma_start3A_551[%dma_start3A_552] : memref<100000xf32, #tpu.memory_space<hbm>> -> memref<100000xf32, #tpu.memory_space<hbm>>
    tpu.enqueue_indirect_dma source(%dma_start3A_553 : memref<100000xf32, #tpu.memory_space<hbm>>) target(%dma_start3A_544 : memref<512xf32, #tpu.memory_space<vmem>>) offsets(%dma_start3A_546 : memref<512xi32, #tpu.memory_space<vmem>>) semaphore(%arg11 : memref<!tpu.dma_semaphore, #tpu.memory_space<semaphore_mem>>)
    %dma_wait3A_554 = arith.constant 15 : i32
    %dma_wait3A_555 = arith.constant 7680 : i32
    %dma_wait3A_556 = tpu.memref_slice %arg6[%dma_wait3A_555] : memref<13312xi32, #tpu.memory_space<vmem>> -> memref<512xi32, #tpu.memory_space<vmem>>
    %dma_wait3A_557 = tpu.memref_slice %arg2[%dma_wait3A_554, %mul3A_2] : memref<26x16384xi32, #tpu.memory_space<hbm>> -> memref<1x512xi32, #tpu.memory_space<hbm>>
    %dma_wait3A_558 = tpu.memref_squeeze %dma_wait3A_557 : memref<1x512xi32, #tpu.memory_space<hbm>> -> memref<512xi32, #tpu.memory_space<hbm>>
    %dma_wait3A_559 = arith.constant 7680 : i32
    %dma_wait3A_560 = tpu.memref_slice %arg6[%dma_wait3A_559] : memref<13312xi32, #tpu.memory_space<vmem>> -> memref<512xi32, #tpu.memory_space<vmem>>
    %dma_wait3A_561 = tpu.memref_slice %arg2[%dma_wait3A_554, %mul3A_2] : memref<26x16384xi32, #tpu.memory_space<hbm>> -> memref<1x512xi32, #tpu.memory_space<hbm>>
    %dma_wait3A_562 = tpu.memref_squeeze %dma_wait3A_561 : memref<1x512xi32, #tpu.memory_space<hbm>> -> memref<512xi32, #tpu.memory_space<hbm>>
    tpu.wait_dma2 semaphore(%arg10 : memref<!tpu.dma_semaphore, #tpu.memory_space<semaphore_mem>>) src(%dma_wait3A_562 : memref<512xi32, #tpu.memory_space<hbm>>) dst(%dma_wait3A_560 : memref<512xi32, #tpu.memory_space<vmem>>)
    %dma_start3A_563 = arith.constant 0 : i32
    %dma_start3A_564 = arith.constant 7680 : i32
    %dma_start3A_565 = tpu.memref_slice %arg7[%dma_start3A_564] : memref<13312xf32, #tpu.memory_space<vmem>> -> memref<512xf32, #tpu.memory_space<vmem>>
    %dma_start3A_566 = arith.constant 7680 : i32
    %dma_start3A_567 = tpu.memref_slice %arg6[%dma_start3A_566] : memref<13312xi32, #tpu.memory_space<vmem>> -> memref<512xi32, #tpu.memory_space<vmem>>
    %dma_start3A_568 = arith.constant 0 : i32
    %dma_start3A_569 = tpu.memref_slice %arg3[%dma_start3A_563, %dma_start3A_568] : memref<1x2600000xf32, #tpu.memory_space<hbm>> -> memref<1x2600000xf32, #tpu.memory_space<hbm>>
    %dma_start3A_570 = tpu.memref_squeeze %dma_start3A_569 : memref<1x2600000xf32, #tpu.memory_space<hbm>> -> memref<2600000xf32, #tpu.memory_space<hbm>>
    %dma_start3A_571 = arith.constant 1500000 : i32
    %dma_start3A_572 = tpu.memref_slice %dma_start3A_570[%dma_start3A_571] : memref<2600000xf32, #tpu.memory_space<hbm>> -> memref<100000xf32, #tpu.memory_space<hbm>>
    %dma_start3A_573 = arith.constant 0 : i32
    %dma_start3A_574 = tpu.memref_slice %dma_start3A_572[%dma_start3A_573] : memref<100000xf32, #tpu.memory_space<hbm>> -> memref<100000xf32, #tpu.memory_space<hbm>>
    tpu.enqueue_indirect_dma source(%dma_start3A_574 : memref<100000xf32, #tpu.memory_space<hbm>>) target(%dma_start3A_565 : memref<512xf32, #tpu.memory_space<vmem>>) offsets(%dma_start3A_567 : memref<512xi32, #tpu.memory_space<vmem>>) semaphore(%arg11 : memref<!tpu.dma_semaphore, #tpu.memory_space<semaphore_mem>>)
    %dma_wait3A_575 = arith.constant 16 : i32
    %dma_wait3A_576 = arith.constant 8192 : i32
    %dma_wait3A_577 = tpu.memref_slice %arg6[%dma_wait3A_576] : memref<13312xi32, #tpu.memory_space<vmem>> -> memref<512xi32, #tpu.memory_space<vmem>>
    %dma_wait3A_578 = tpu.memref_slice %arg2[%dma_wait3A_575, %mul3A_2] : memref<26x16384xi32, #tpu.memory_space<hbm>> -> memref<1x512xi32, #tpu.memory_space<hbm>>
    %dma_wait3A_579 = tpu.memref_squeeze %dma_wait3A_578 : memref<1x512xi32, #tpu.memory_space<hbm>> -> memref<512xi32, #tpu.memory_space<hbm>>
    %dma_wait3A_580 = arith.constant 8192 : i32
    %dma_wait3A_581 = tpu.memref_slice %arg6[%dma_wait3A_580] : memref<13312xi32, #tpu.memory_space<vmem>> -> memref<512xi32, #tpu.memory_space<vmem>>
    %dma_wait3A_582 = tpu.memref_slice %arg2[%dma_wait3A_575, %mul3A_2] : memref<26x16384xi32, #tpu.memory_space<hbm>> -> memref<1x512xi32, #tpu.memory_space<hbm>>
    %dma_wait3A_583 = tpu.memref_squeeze %dma_wait3A_582 : memref<1x512xi32, #tpu.memory_space<hbm>> -> memref<512xi32, #tpu.memory_space<hbm>>
    tpu.wait_dma2 semaphore(%arg10 : memref<!tpu.dma_semaphore, #tpu.memory_space<semaphore_mem>>) src(%dma_wait3A_583 : memref<512xi32, #tpu.memory_space<hbm>>) dst(%dma_wait3A_581 : memref<512xi32, #tpu.memory_space<vmem>>)
    %dma_start3A_584 = arith.constant 0 : i32
    %dma_start3A_585 = arith.constant 8192 : i32
    %dma_start3A_586 = tpu.memref_slice %arg7[%dma_start3A_585] : memref<13312xf32, #tpu.memory_space<vmem>> -> memref<512xf32, #tpu.memory_space<vmem>>
    %dma_start3A_587 = arith.constant 8192 : i32
    %dma_start3A_588 = tpu.memref_slice %arg6[%dma_start3A_587] : memref<13312xi32, #tpu.memory_space<vmem>> -> memref<512xi32, #tpu.memory_space<vmem>>
    %dma_start3A_589 = arith.constant 0 : i32
    %dma_start3A_590 = tpu.memref_slice %arg3[%dma_start3A_584, %dma_start3A_589] : memref<1x2600000xf32, #tpu.memory_space<hbm>> -> memref<1x2600000xf32, #tpu.memory_space<hbm>>
    %dma_start3A_591 = tpu.memref_squeeze %dma_start3A_590 : memref<1x2600000xf32, #tpu.memory_space<hbm>> -> memref<2600000xf32, #tpu.memory_space<hbm>>
    %dma_start3A_592 = arith.constant 1600000 : i32
    %dma_start3A_593 = tpu.memref_slice %dma_start3A_591[%dma_start3A_592] : memref<2600000xf32, #tpu.memory_space<hbm>> -> memref<100000xf32, #tpu.memory_space<hbm>>
    %dma_start3A_594 = arith.constant 0 : i32
    %dma_start3A_595 = tpu.memref_slice %dma_start3A_593[%dma_start3A_594] : memref<100000xf32, #tpu.memory_space<hbm>> -> memref<100000xf32, #tpu.memory_space<hbm>>
    tpu.enqueue_indirect_dma source(%dma_start3A_595 : memref<100000xf32, #tpu.memory_space<hbm>>) target(%dma_start3A_586 : memref<512xf32, #tpu.memory_space<vmem>>) offsets(%dma_start3A_588 : memref<512xi32, #tpu.memory_space<vmem>>) semaphore(%arg11 : memref<!tpu.dma_semaphore, #tpu.memory_space<semaphore_mem>>)
    %dma_wait3A_596 = arith.constant 17 : i32
    %dma_wait3A_597 = arith.constant 8704 : i32
    %dma_wait3A_598 = tpu.memref_slice %arg6[%dma_wait3A_597] : memref<13312xi32, #tpu.memory_space<vmem>> -> memref<512xi32, #tpu.memory_space<vmem>>
    %dma_wait3A_599 = tpu.memref_slice %arg2[%dma_wait3A_596, %mul3A_2] : memref<26x16384xi32, #tpu.memory_space<hbm>> -> memref<1x512xi32, #tpu.memory_space<hbm>>
    %dma_wait3A_600 = tpu.memref_squeeze %dma_wait3A_599 : memref<1x512xi32, #tpu.memory_space<hbm>> -> memref<512xi32, #tpu.memory_space<hbm>>
    %dma_wait3A_601 = arith.constant 8704 : i32
    %dma_wait3A_602 = tpu.memref_slice %arg6[%dma_wait3A_601] : memref<13312xi32, #tpu.memory_space<vmem>> -> memref<512xi32, #tpu.memory_space<vmem>>
    %dma_wait3A_603 = tpu.memref_slice %arg2[%dma_wait3A_596, %mul3A_2] : memref<26x16384xi32, #tpu.memory_space<hbm>> -> memref<1x512xi32, #tpu.memory_space<hbm>>
    %dma_wait3A_604 = tpu.memref_squeeze %dma_wait3A_603 : memref<1x512xi32, #tpu.memory_space<hbm>> -> memref<512xi32, #tpu.memory_space<hbm>>
    tpu.wait_dma2 semaphore(%arg10 : memref<!tpu.dma_semaphore, #tpu.memory_space<semaphore_mem>>) src(%dma_wait3A_604 : memref<512xi32, #tpu.memory_space<hbm>>) dst(%dma_wait3A_602 : memref<512xi32, #tpu.memory_space<vmem>>)
    %dma_start3A_605 = arith.constant 0 : i32
    %dma_start3A_606 = arith.constant 8704 : i32
    %dma_start3A_607 = tpu.memref_slice %arg7[%dma_start3A_606] : memref<13312xf32, #tpu.memory_space<vmem>> -> memref<512xf32, #tpu.memory_space<vmem>>
    %dma_start3A_608 = arith.constant 8704 : i32
    %dma_start3A_609 = tpu.memref_slice %arg6[%dma_start3A_608] : memref<13312xi32, #tpu.memory_space<vmem>> -> memref<512xi32, #tpu.memory_space<vmem>>
    %dma_start3A_610 = arith.constant 0 : i32
    %dma_start3A_611 = tpu.memref_slice %arg3[%dma_start3A_605, %dma_start3A_610] : memref<1x2600000xf32, #tpu.memory_space<hbm>> -> memref<1x2600000xf32, #tpu.memory_space<hbm>>
    %dma_start3A_612 = tpu.memref_squeeze %dma_start3A_611 : memref<1x2600000xf32, #tpu.memory_space<hbm>> -> memref<2600000xf32, #tpu.memory_space<hbm>>
    %dma_start3A_613 = arith.constant 1700000 : i32
    %dma_start3A_614 = tpu.memref_slice %dma_start3A_612[%dma_start3A_613] : memref<2600000xf32, #tpu.memory_space<hbm>> -> memref<100000xf32, #tpu.memory_space<hbm>>
    %dma_start3A_615 = arith.constant 0 : i32
    %dma_start3A_616 = tpu.memref_slice %dma_start3A_614[%dma_start3A_615] : memref<100000xf32, #tpu.memory_space<hbm>> -> memref<100000xf32, #tpu.memory_space<hbm>>
    tpu.enqueue_indirect_dma source(%dma_start3A_616 : memref<100000xf32, #tpu.memory_space<hbm>>) target(%dma_start3A_607 : memref<512xf32, #tpu.memory_space<vmem>>) offsets(%dma_start3A_609 : memref<512xi32, #tpu.memory_space<vmem>>) semaphore(%arg11 : memref<!tpu.dma_semaphore, #tpu.memory_space<semaphore_mem>>)
    %dma_wait3A_617 = arith.constant 18 : i32
    %dma_wait3A_618 = arith.constant 9216 : i32
    %dma_wait3A_619 = tpu.memref_slice %arg6[%dma_wait3A_618] : memref<13312xi32, #tpu.memory_space<vmem>> -> memref<512xi32, #tpu.memory_space<vmem>>
    %dma_wait3A_620 = tpu.memref_slice %arg2[%dma_wait3A_617, %mul3A_2] : memref<26x16384xi32, #tpu.memory_space<hbm>> -> memref<1x512xi32, #tpu.memory_space<hbm>>
    %dma_wait3A_621 = tpu.memref_squeeze %dma_wait3A_620 : memref<1x512xi32, #tpu.memory_space<hbm>> -> memref<512xi32, #tpu.memory_space<hbm>>
    %dma_wait3A_622 = arith.constant 9216 : i32
    %dma_wait3A_623 = tpu.memref_slice %arg6[%dma_wait3A_622] : memref<13312xi32, #tpu.memory_space<vmem>> -> memref<512xi32, #tpu.memory_space<vmem>>
    %dma_wait3A_624 = tpu.memref_slice %arg2[%dma_wait3A_617, %mul3A_2] : memref<26x16384xi32, #tpu.memory_space<hbm>> -> memref<1x512xi32, #tpu.memory_space<hbm>>
    %dma_wait3A_625 = tpu.memref_squeeze %dma_wait3A_624 : memref<1x512xi32, #tpu.memory_space<hbm>> -> memref<512xi32, #tpu.memory_space<hbm>>
    tpu.wait_dma2 semaphore(%arg10 : memref<!tpu.dma_semaphore, #tpu.memory_space<semaphore_mem>>) src(%dma_wait3A_625 : memref<512xi32, #tpu.memory_space<hbm>>) dst(%dma_wait3A_623 : memref<512xi32, #tpu.memory_space<vmem>>)
    %dma_start3A_626 = arith.constant 0 : i32
    %dma_start3A_627 = arith.constant 9216 : i32
    %dma_start3A_628 = tpu.memref_slice %arg7[%dma_start3A_627] : memref<13312xf32, #tpu.memory_space<vmem>> -> memref<512xf32, #tpu.memory_space<vmem>>
    %dma_start3A_629 = arith.constant 9216 : i32
    %dma_start3A_630 = tpu.memref_slice %arg6[%dma_start3A_629] : memref<13312xi32, #tpu.memory_space<vmem>> -> memref<512xi32, #tpu.memory_space<vmem>>
    %dma_start3A_631 = arith.constant 0 : i32
    %dma_start3A_632 = tpu.memref_slice %arg3[%dma_start3A_626, %dma_start3A_631] : memref<1x2600000xf32, #tpu.memory_space<hbm>> -> memref<1x2600000xf32, #tpu.memory_space<hbm>>
    %dma_start3A_633 = tpu.memref_squeeze %dma_start3A_632 : memref<1x2600000xf32, #tpu.memory_space<hbm>> -> memref<2600000xf32, #tpu.memory_space<hbm>>
    %dma_start3A_634 = arith.constant 1800000 : i32
    %dma_start3A_635 = tpu.memref_slice %dma_start3A_633[%dma_start3A_634] : memref<2600000xf32, #tpu.memory_space<hbm>> -> memref<100000xf32, #tpu.memory_space<hbm>>
    %dma_start3A_636 = arith.constant 0 : i32
    %dma_start3A_637 = tpu.memref_slice %dma_start3A_635[%dma_start3A_636] : memref<100000xf32, #tpu.memory_space<hbm>> -> memref<100000xf32, #tpu.memory_space<hbm>>
    tpu.enqueue_indirect_dma source(%dma_start3A_637 : memref<100000xf32, #tpu.memory_space<hbm>>) target(%dma_start3A_628 : memref<512xf32, #tpu.memory_space<vmem>>) offsets(%dma_start3A_630 : memref<512xi32, #tpu.memory_space<vmem>>) semaphore(%arg11 : memref<!tpu.dma_semaphore, #tpu.memory_space<semaphore_mem>>)
    %dma_wait3A_638 = arith.constant 19 : i32
    %dma_wait3A_639 = arith.constant 9728 : i32
    %dma_wait3A_640 = tpu.memref_slice %arg6[%dma_wait3A_639] : memref<13312xi32, #tpu.memory_space<vmem>> -> memref<512xi32, #tpu.memory_space<vmem>>
    %dma_wait3A_641 = tpu.memref_slice %arg2[%dma_wait3A_638, %mul3A_2] : memref<26x16384xi32, #tpu.memory_space<hbm>> -> memref<1x512xi32, #tpu.memory_space<hbm>>
    %dma_wait3A_642 = tpu.memref_squeeze %dma_wait3A_641 : memref<1x512xi32, #tpu.memory_space<hbm>> -> memref<512xi32, #tpu.memory_space<hbm>>
    %dma_wait3A_643 = arith.constant 9728 : i32
    %dma_wait3A_644 = tpu.memref_slice %arg6[%dma_wait3A_643] : memref<13312xi32, #tpu.memory_space<vmem>> -> memref<512xi32, #tpu.memory_space<vmem>>
    %dma_wait3A_645 = tpu.memref_slice %arg2[%dma_wait3A_638, %mul3A_2] : memref<26x16384xi32, #tpu.memory_space<hbm>> -> memref<1x512xi32, #tpu.memory_space<hbm>>
    %dma_wait3A_646 = tpu.memref_squeeze %dma_wait3A_645 : memref<1x512xi32, #tpu.memory_space<hbm>> -> memref<512xi32, #tpu.memory_space<hbm>>
    tpu.wait_dma2 semaphore(%arg10 : memref<!tpu.dma_semaphore, #tpu.memory_space<semaphore_mem>>) src(%dma_wait3A_646 : memref<512xi32, #tpu.memory_space<hbm>>) dst(%dma_wait3A_644 : memref<512xi32, #tpu.memory_space<vmem>>)
    %dma_start3A_647 = arith.constant 0 : i32
    %dma_start3A_648 = arith.constant 9728 : i32
    %dma_start3A_649 = tpu.memref_slice %arg7[%dma_start3A_648] : memref<13312xf32, #tpu.memory_space<vmem>> -> memref<512xf32, #tpu.memory_space<vmem>>
    %dma_start3A_650 = arith.constant 9728 : i32
    %dma_start3A_651 = tpu.memref_slice %arg6[%dma_start3A_650] : memref<13312xi32, #tpu.memory_space<vmem>> -> memref<512xi32, #tpu.memory_space<vmem>>
    %dma_start3A_652 = arith.constant 0 : i32
    %dma_start3A_653 = tpu.memref_slice %arg3[%dma_start3A_647, %dma_start3A_652] : memref<1x2600000xf32, #tpu.memory_space<hbm>> -> memref<1x2600000xf32, #tpu.memory_space<hbm>>
    %dma_start3A_654 = tpu.memref_squeeze %dma_start3A_653 : memref<1x2600000xf32, #tpu.memory_space<hbm>> -> memref<2600000xf32, #tpu.memory_space<hbm>>
    %dma_start3A_655 = arith.constant 1900000 : i32
    %dma_start3A_656 = tpu.memref_slice %dma_start3A_654[%dma_start3A_655] : memref<2600000xf32, #tpu.memory_space<hbm>> -> memref<100000xf32, #tpu.memory_space<hbm>>
    %dma_start3A_657 = arith.constant 0 : i32
    %dma_start3A_658 = tpu.memref_slice %dma_start3A_656[%dma_start3A_657] : memref<100000xf32, #tpu.memory_space<hbm>> -> memref<100000xf32, #tpu.memory_space<hbm>>
    tpu.enqueue_indirect_dma source(%dma_start3A_658 : memref<100000xf32, #tpu.memory_space<hbm>>) target(%dma_start3A_649 : memref<512xf32, #tpu.memory_space<vmem>>) offsets(%dma_start3A_651 : memref<512xi32, #tpu.memory_space<vmem>>) semaphore(%arg11 : memref<!tpu.dma_semaphore, #tpu.memory_space<semaphore_mem>>)
    %dma_wait3A_659 = arith.constant 20 : i32
    %dma_wait3A_660 = arith.constant 10240 : i32
    %dma_wait3A_661 = tpu.memref_slice %arg6[%dma_wait3A_660] : memref<13312xi32, #tpu.memory_space<vmem>> -> memref<512xi32, #tpu.memory_space<vmem>>
    %dma_wait3A_662 = tpu.memref_slice %arg2[%dma_wait3A_659, %mul3A_2] : memref<26x16384xi32, #tpu.memory_space<hbm>> -> memref<1x512xi32, #tpu.memory_space<hbm>>
    %dma_wait3A_663 = tpu.memref_squeeze %dma_wait3A_662 : memref<1x512xi32, #tpu.memory_space<hbm>> -> memref<512xi32, #tpu.memory_space<hbm>>
    %dma_wait3A_664 = arith.constant 10240 : i32
    %dma_wait3A_665 = tpu.memref_slice %arg6[%dma_wait3A_664] : memref<13312xi32, #tpu.memory_space<vmem>> -> memref<512xi32, #tpu.memory_space<vmem>>
    %dma_wait3A_666 = tpu.memref_slice %arg2[%dma_wait3A_659, %mul3A_2] : memref<26x16384xi32, #tpu.memory_space<hbm>> -> memref<1x512xi32, #tpu.memory_space<hbm>>
    %dma_wait3A_667 = tpu.memref_squeeze %dma_wait3A_666 : memref<1x512xi32, #tpu.memory_space<hbm>> -> memref<512xi32, #tpu.memory_space<hbm>>
    tpu.wait_dma2 semaphore(%arg10 : memref<!tpu.dma_semaphore, #tpu.memory_space<semaphore_mem>>) src(%dma_wait3A_667 : memref<512xi32, #tpu.memory_space<hbm>>) dst(%dma_wait3A_665 : memref<512xi32, #tpu.memory_space<vmem>>)
    %dma_start3A_668 = arith.constant 0 : i32
    %dma_start3A_669 = arith.constant 10240 : i32
    %dma_start3A_670 = tpu.memref_slice %arg7[%dma_start3A_669] : memref<13312xf32, #tpu.memory_space<vmem>> -> memref<512xf32, #tpu.memory_space<vmem>>
    %dma_start3A_671 = arith.constant 10240 : i32
    %dma_start3A_672 = tpu.memref_slice %arg6[%dma_start3A_671] : memref<13312xi32, #tpu.memory_space<vmem>> -> memref<512xi32, #tpu.memory_space<vmem>>
    %dma_start3A_673 = arith.constant 0 : i32
    %dma_start3A_674 = tpu.memref_slice %arg3[%dma_start3A_668, %dma_start3A_673] : memref<1x2600000xf32, #tpu.memory_space<hbm>> -> memref<1x2600000xf32, #tpu.memory_space<hbm>>
    %dma_start3A_675 = tpu.memref_squeeze %dma_start3A_674 : memref<1x2600000xf32, #tpu.memory_space<hbm>> -> memref<2600000xf32, #tpu.memory_space<hbm>>
    %dma_start3A_676 = arith.constant 2000000 : i32
    %dma_start3A_677 = tpu.memref_slice %dma_start3A_675[%dma_start3A_676] : memref<2600000xf32, #tpu.memory_space<hbm>> -> memref<100000xf32, #tpu.memory_space<hbm>>
    %dma_start3A_678 = arith.constant 0 : i32
    %dma_start3A_679 = tpu.memref_slice %dma_start3A_677[%dma_start3A_678] : memref<100000xf32, #tpu.memory_space<hbm>> -> memref<100000xf32, #tpu.memory_space<hbm>>
    tpu.enqueue_indirect_dma source(%dma_start3A_679 : memref<100000xf32, #tpu.memory_space<hbm>>) target(%dma_start3A_670 : memref<512xf32, #tpu.memory_space<vmem>>) offsets(%dma_start3A_672 : memref<512xi32, #tpu.memory_space<vmem>>) semaphore(%arg11 : memref<!tpu.dma_semaphore, #tpu.memory_space<semaphore_mem>>)
    %dma_wait3A_680 = arith.constant 21 : i32
    %dma_wait3A_681 = arith.constant 10752 : i32
    %dma_wait3A_682 = tpu.memref_slice %arg6[%dma_wait3A_681] : memref<13312xi32, #tpu.memory_space<vmem>> -> memref<512xi32, #tpu.memory_space<vmem>>
    %dma_wait3A_683 = tpu.memref_slice %arg2[%dma_wait3A_680, %mul3A_2] : memref<26x16384xi32, #tpu.memory_space<hbm>> -> memref<1x512xi32, #tpu.memory_space<hbm>>
    %dma_wait3A_684 = tpu.memref_squeeze %dma_wait3A_683 : memref<1x512xi32, #tpu.memory_space<hbm>> -> memref<512xi32, #tpu.memory_space<hbm>>
    %dma_wait3A_685 = arith.constant 10752 : i32
    %dma_wait3A_686 = tpu.memref_slice %arg6[%dma_wait3A_685] : memref<13312xi32, #tpu.memory_space<vmem>> -> memref<512xi32, #tpu.memory_space<vmem>>
    %dma_wait3A_687 = tpu.memref_slice %arg2[%dma_wait3A_680, %mul3A_2] : memref<26x16384xi32, #tpu.memory_space<hbm>> -> memref<1x512xi32, #tpu.memory_space<hbm>>
    %dma_wait3A_688 = tpu.memref_squeeze %dma_wait3A_687 : memref<1x512xi32, #tpu.memory_space<hbm>> -> memref<512xi32, #tpu.memory_space<hbm>>
    tpu.wait_dma2 semaphore(%arg10 : memref<!tpu.dma_semaphore, #tpu.memory_space<semaphore_mem>>) src(%dma_wait3A_688 : memref<512xi32, #tpu.memory_space<hbm>>) dst(%dma_wait3A_686 : memref<512xi32, #tpu.memory_space<vmem>>)
    %dma_start3A_689 = arith.constant 0 : i32
    %dma_start3A_690 = arith.constant 10752 : i32
    %dma_start3A_691 = tpu.memref_slice %arg7[%dma_start3A_690] : memref<13312xf32, #tpu.memory_space<vmem>> -> memref<512xf32, #tpu.memory_space<vmem>>
    %dma_start3A_692 = arith.constant 10752 : i32
    %dma_start3A_693 = tpu.memref_slice %arg6[%dma_start3A_692] : memref<13312xi32, #tpu.memory_space<vmem>> -> memref<512xi32, #tpu.memory_space<vmem>>
    %dma_start3A_694 = arith.constant 0 : i32
    %dma_start3A_695 = tpu.memref_slice %arg3[%dma_start3A_689, %dma_start3A_694] : memref<1x2600000xf32, #tpu.memory_space<hbm>> -> memref<1x2600000xf32, #tpu.memory_space<hbm>>
    %dma_start3A_696 = tpu.memref_squeeze %dma_start3A_695 : memref<1x2600000xf32, #tpu.memory_space<hbm>> -> memref<2600000xf32, #tpu.memory_space<hbm>>
    %dma_start3A_697 = arith.constant 2100000 : i32
    %dma_start3A_698 = tpu.memref_slice %dma_start3A_696[%dma_start3A_697] : memref<2600000xf32, #tpu.memory_space<hbm>> -> memref<100000xf32, #tpu.memory_space<hbm>>
    %dma_start3A_699 = arith.constant 0 : i32
    %dma_start3A_700 = tpu.memref_slice %dma_start3A_698[%dma_start3A_699] : memref<100000xf32, #tpu.memory_space<hbm>> -> memref<100000xf32, #tpu.memory_space<hbm>>
    tpu.enqueue_indirect_dma source(%dma_start3A_700 : memref<100000xf32, #tpu.memory_space<hbm>>) target(%dma_start3A_691 : memref<512xf32, #tpu.memory_space<vmem>>) offsets(%dma_start3A_693 : memref<512xi32, #tpu.memory_space<vmem>>) semaphore(%arg11 : memref<!tpu.dma_semaphore, #tpu.memory_space<semaphore_mem>>)
    %dma_wait3A_701 = arith.constant 22 : i32
    %dma_wait3A_702 = arith.constant 11264 : i32
    %dma_wait3A_703 = tpu.memref_slice %arg6[%dma_wait3A_702] : memref<13312xi32, #tpu.memory_space<vmem>> -> memref<512xi32, #tpu.memory_space<vmem>>
    %dma_wait3A_704 = tpu.memref_slice %arg2[%dma_wait3A_701, %mul3A_2] : memref<26x16384xi32, #tpu.memory_space<hbm>> -> memref<1x512xi32, #tpu.memory_space<hbm>>
    %dma_wait3A_705 = tpu.memref_squeeze %dma_wait3A_704 : memref<1x512xi32, #tpu.memory_space<hbm>> -> memref<512xi32, #tpu.memory_space<hbm>>
    %dma_wait3A_706 = arith.constant 11264 : i32
    %dma_wait3A_707 = tpu.memref_slice %arg6[%dma_wait3A_706] : memref<13312xi32, #tpu.memory_space<vmem>> -> memref<512xi32, #tpu.memory_space<vmem>>
    %dma_wait3A_708 = tpu.memref_slice %arg2[%dma_wait3A_701, %mul3A_2] : memref<26x16384xi32, #tpu.memory_space<hbm>> -> memref<1x512xi32, #tpu.memory_space<hbm>>
    %dma_wait3A_709 = tpu.memref_squeeze %dma_wait3A_708 : memref<1x512xi32, #tpu.memory_space<hbm>> -> memref<512xi32, #tpu.memory_space<hbm>>
    tpu.wait_dma2 semaphore(%arg10 : memref<!tpu.dma_semaphore, #tpu.memory_space<semaphore_mem>>) src(%dma_wait3A_709 : memref<512xi32, #tpu.memory_space<hbm>>) dst(%dma_wait3A_707 : memref<512xi32, #tpu.memory_space<vmem>>)
    %dma_start3A_710 = arith.constant 0 : i32
    %dma_start3A_711 = arith.constant 11264 : i32
    %dma_start3A_712 = tpu.memref_slice %arg7[%dma_start3A_711] : memref<13312xf32, #tpu.memory_space<vmem>> -> memref<512xf32, #tpu.memory_space<vmem>>
    %dma_start3A_713 = arith.constant 11264 : i32
    %dma_start3A_714 = tpu.memref_slice %arg6[%dma_start3A_713] : memref<13312xi32, #tpu.memory_space<vmem>> -> memref<512xi32, #tpu.memory_space<vmem>>
    %dma_start3A_715 = arith.constant 0 : i32
    %dma_start3A_716 = tpu.memref_slice %arg3[%dma_start3A_710, %dma_start3A_715] : memref<1x2600000xf32, #tpu.memory_space<hbm>> -> memref<1x2600000xf32, #tpu.memory_space<hbm>>
    %dma_start3A_717 = tpu.memref_squeeze %dma_start3A_716 : memref<1x2600000xf32, #tpu.memory_space<hbm>> -> memref<2600000xf32, #tpu.memory_space<hbm>>
    %dma_start3A_718 = arith.constant 2200000 : i32
    %dma_start3A_719 = tpu.memref_slice %dma_start3A_717[%dma_start3A_718] : memref<2600000xf32, #tpu.memory_space<hbm>> -> memref<100000xf32, #tpu.memory_space<hbm>>
    %dma_start3A_720 = arith.constant 0 : i32
    %dma_start3A_721 = tpu.memref_slice %dma_start3A_719[%dma_start3A_720] : memref<100000xf32, #tpu.memory_space<hbm>> -> memref<100000xf32, #tpu.memory_space<hbm>>
    tpu.enqueue_indirect_dma source(%dma_start3A_721 : memref<100000xf32, #tpu.memory_space<hbm>>) target(%dma_start3A_712 : memref<512xf32, #tpu.memory_space<vmem>>) offsets(%dma_start3A_714 : memref<512xi32, #tpu.memory_space<vmem>>) semaphore(%arg11 : memref<!tpu.dma_semaphore, #tpu.memory_space<semaphore_mem>>)
    %dma_wait3A_722 = arith.constant 23 : i32
    %dma_wait3A_723 = arith.constant 11776 : i32
    %dma_wait3A_724 = tpu.memref_slice %arg6[%dma_wait3A_723] : memref<13312xi32, #tpu.memory_space<vmem>> -> memref<512xi32, #tpu.memory_space<vmem>>
    %dma_wait3A_725 = tpu.memref_slice %arg2[%dma_wait3A_722, %mul3A_2] : memref<26x16384xi32, #tpu.memory_space<hbm>> -> memref<1x512xi32, #tpu.memory_space<hbm>>
    %dma_wait3A_726 = tpu.memref_squeeze %dma_wait3A_725 : memref<1x512xi32, #tpu.memory_space<hbm>> -> memref<512xi32, #tpu.memory_space<hbm>>
    %dma_wait3A_727 = arith.constant 11776 : i32
    %dma_wait3A_728 = tpu.memref_slice %arg6[%dma_wait3A_727] : memref<13312xi32, #tpu.memory_space<vmem>> -> memref<512xi32, #tpu.memory_space<vmem>>
    %dma_wait3A_729 = tpu.memref_slice %arg2[%dma_wait3A_722, %mul3A_2] : memref<26x16384xi32, #tpu.memory_space<hbm>> -> memref<1x512xi32, #tpu.memory_space<hbm>>
    %dma_wait3A_730 = tpu.memref_squeeze %dma_wait3A_729 : memref<1x512xi32, #tpu.memory_space<hbm>> -> memref<512xi32, #tpu.memory_space<hbm>>
    tpu.wait_dma2 semaphore(%arg10 : memref<!tpu.dma_semaphore, #tpu.memory_space<semaphore_mem>>) src(%dma_wait3A_730 : memref<512xi32, #tpu.memory_space<hbm>>) dst(%dma_wait3A_728 : memref<512xi32, #tpu.memory_space<vmem>>)
    %dma_start3A_731 = arith.constant 0 : i32
    %dma_start3A_732 = arith.constant 11776 : i32
    %dma_start3A_733 = tpu.memref_slice %arg7[%dma_start3A_732] : memref<13312xf32, #tpu.memory_space<vmem>> -> memref<512xf32, #tpu.memory_space<vmem>>
    %dma_start3A_734 = arith.constant 11776 : i32
    %dma_start3A_735 = tpu.memref_slice %arg6[%dma_start3A_734] : memref<13312xi32, #tpu.memory_space<vmem>> -> memref<512xi32, #tpu.memory_space<vmem>>
    %dma_start3A_736 = arith.constant 0 : i32
    %dma_start3A_737 = tpu.memref_slice %arg3[%dma_start3A_731, %dma_start3A_736] : memref<1x2600000xf32, #tpu.memory_space<hbm>> -> memref<1x2600000xf32, #tpu.memory_space<hbm>>
    %dma_start3A_738 = tpu.memref_squeeze %dma_start3A_737 : memref<1x2600000xf32, #tpu.memory_space<hbm>> -> memref<2600000xf32, #tpu.memory_space<hbm>>
    %dma_start3A_739 = arith.constant 2300000 : i32
    %dma_start3A_740 = tpu.memref_slice %dma_start3A_738[%dma_start3A_739] : memref<2600000xf32, #tpu.memory_space<hbm>> -> memref<100000xf32, #tpu.memory_space<hbm>>
    %dma_start3A_741 = arith.constant 0 : i32
    %dma_start3A_742 = tpu.memref_slice %dma_start3A_740[%dma_start3A_741] : memref<100000xf32, #tpu.memory_space<hbm>> -> memref<100000xf32, #tpu.memory_space<hbm>>
    tpu.enqueue_indirect_dma source(%dma_start3A_742 : memref<100000xf32, #tpu.memory_space<hbm>>) target(%dma_start3A_733 : memref<512xf32, #tpu.memory_space<vmem>>) offsets(%dma_start3A_735 : memref<512xi32, #tpu.memory_space<vmem>>) semaphore(%arg11 : memref<!tpu.dma_semaphore, #tpu.memory_space<semaphore_mem>>)
    %dma_wait3A_743 = arith.constant 24 : i32
    %dma_wait3A_744 = arith.constant 12288 : i32
    %dma_wait3A_745 = tpu.memref_slice %arg6[%dma_wait3A_744] : memref<13312xi32, #tpu.memory_space<vmem>> -> memref<512xi32, #tpu.memory_space<vmem>>
    %dma_wait3A_746 = tpu.memref_slice %arg2[%dma_wait3A_743, %mul3A_2] : memref<26x16384xi32, #tpu.memory_space<hbm>> -> memref<1x512xi32, #tpu.memory_space<hbm>>
    %dma_wait3A_747 = tpu.memref_squeeze %dma_wait3A_746 : memref<1x512xi32, #tpu.memory_space<hbm>> -> memref<512xi32, #tpu.memory_space<hbm>>
    %dma_wait3A_748 = arith.constant 12288 : i32
    %dma_wait3A_749 = tpu.memref_slice %arg6[%dma_wait3A_748] : memref<13312xi32, #tpu.memory_space<vmem>> -> memref<512xi32, #tpu.memory_space<vmem>>
    %dma_wait3A_750 = tpu.memref_slice %arg2[%dma_wait3A_743, %mul3A_2] : memref<26x16384xi32, #tpu.memory_space<hbm>> -> memref<1x512xi32, #tpu.memory_space<hbm>>
    %dma_wait3A_751 = tpu.memref_squeeze %dma_wait3A_750 : memref<1x512xi32, #tpu.memory_space<hbm>> -> memref<512xi32, #tpu.memory_space<hbm>>
    tpu.wait_dma2 semaphore(%arg10 : memref<!tpu.dma_semaphore, #tpu.memory_space<semaphore_mem>>) src(%dma_wait3A_751 : memref<512xi32, #tpu.memory_space<hbm>>) dst(%dma_wait3A_749 : memref<512xi32, #tpu.memory_space<vmem>>)
    %dma_start3A_752 = arith.constant 0 : i32
    %dma_start3A_753 = arith.constant 12288 : i32
    %dma_start3A_754 = tpu.memref_slice %arg7[%dma_start3A_753] : memref<13312xf32, #tpu.memory_space<vmem>> -> memref<512xf32, #tpu.memory_space<vmem>>
    %dma_start3A_755 = arith.constant 12288 : i32
    %dma_start3A_756 = tpu.memref_slice %arg6[%dma_start3A_755] : memref<13312xi32, #tpu.memory_space<vmem>> -> memref<512xi32, #tpu.memory_space<vmem>>
    %dma_start3A_757 = arith.constant 0 : i32
    %dma_start3A_758 = tpu.memref_slice %arg3[%dma_start3A_752, %dma_start3A_757] : memref<1x2600000xf32, #tpu.memory_space<hbm>> -> memref<1x2600000xf32, #tpu.memory_space<hbm>>
    %dma_start3A_759 = tpu.memref_squeeze %dma_start3A_758 : memref<1x2600000xf32, #tpu.memory_space<hbm>> -> memref<2600000xf32, #tpu.memory_space<hbm>>
    %dma_start3A_760 = arith.constant 2400000 : i32
    %dma_start3A_761 = tpu.memref_slice %dma_start3A_759[%dma_start3A_760] : memref<2600000xf32, #tpu.memory_space<hbm>> -> memref<100000xf32, #tpu.memory_space<hbm>>
    %dma_start3A_762 = arith.constant 0 : i32
    %dma_start3A_763 = tpu.memref_slice %dma_start3A_761[%dma_start3A_762] : memref<100000xf32, #tpu.memory_space<hbm>> -> memref<100000xf32, #tpu.memory_space<hbm>>
    tpu.enqueue_indirect_dma source(%dma_start3A_763 : memref<100000xf32, #tpu.memory_space<hbm>>) target(%dma_start3A_754 : memref<512xf32, #tpu.memory_space<vmem>>) offsets(%dma_start3A_756 : memref<512xi32, #tpu.memory_space<vmem>>) semaphore(%arg11 : memref<!tpu.dma_semaphore, #tpu.memory_space<semaphore_mem>>)
    %dma_wait3A_764 = arith.constant 25 : i32
    %dma_wait3A_765 = arith.constant 12800 : i32
    %dma_wait3A_766 = tpu.memref_slice %arg6[%dma_wait3A_765] : memref<13312xi32, #tpu.memory_space<vmem>> -> memref<512xi32, #tpu.memory_space<vmem>>
    %dma_wait3A_767 = tpu.memref_slice %arg2[%dma_wait3A_764, %mul3A_2] : memref<26x16384xi32, #tpu.memory_space<hbm>> -> memref<1x512xi32, #tpu.memory_space<hbm>>
    %dma_wait3A_768 = tpu.memref_squeeze %dma_wait3A_767 : memref<1x512xi32, #tpu.memory_space<hbm>> -> memref<512xi32, #tpu.memory_space<hbm>>
    %dma_wait3A_769 = arith.constant 12800 : i32
    %dma_wait3A_770 = tpu.memref_slice %arg6[%dma_wait3A_769] : memref<13312xi32, #tpu.memory_space<vmem>> -> memref<512xi32, #tpu.memory_space<vmem>>
    %dma_wait3A_771 = tpu.memref_slice %arg2[%dma_wait3A_764, %mul3A_2] : memref<26x16384xi32, #tpu.memory_space<hbm>> -> memref<1x512xi32, #tpu.memory_space<hbm>>
    %dma_wait3A_772 = tpu.memref_squeeze %dma_wait3A_771 : memref<1x512xi32, #tpu.memory_space<hbm>> -> memref<512xi32, #tpu.memory_space<hbm>>
    tpu.wait_dma2 semaphore(%arg10 : memref<!tpu.dma_semaphore, #tpu.memory_space<semaphore_mem>>) src(%dma_wait3A_772 : memref<512xi32, #tpu.memory_space<hbm>>) dst(%dma_wait3A_770 : memref<512xi32, #tpu.memory_space<vmem>>)
    %dma_start3A_773 = arith.constant 0 : i32
    %dma_start3A_774 = arith.constant 12800 : i32
    %dma_start3A_775 = tpu.memref_slice %arg7[%dma_start3A_774] : memref<13312xf32, #tpu.memory_space<vmem>> -> memref<512xf32, #tpu.memory_space<vmem>>
    %dma_start3A_776 = arith.constant 12800 : i32
    %dma_start3A_777 = tpu.memref_slice %arg6[%dma_start3A_776] : memref<13312xi32, #tpu.memory_space<vmem>> -> memref<512xi32, #tpu.memory_space<vmem>>
    %dma_start3A_778 = arith.constant 0 : i32
    %dma_start3A_779 = tpu.memref_slice %arg3[%dma_start3A_773, %dma_start3A_778] : memref<1x2600000xf32, #tpu.memory_space<hbm>> -> memref<1x2600000xf32, #tpu.memory_space<hbm>>
    %dma_start3A_780 = tpu.memref_squeeze %dma_start3A_779 : memref<1x2600000xf32, #tpu.memory_space<hbm>> -> memref<2600000xf32, #tpu.memory_space<hbm>>
    %dma_start3A_781 = arith.constant 2500000 : i32
    %dma_start3A_782 = tpu.memref_slice %dma_start3A_780[%dma_start3A_781] : memref<2600000xf32, #tpu.memory_space<hbm>> -> memref<100000xf32, #tpu.memory_space<hbm>>
    %dma_start3A_783 = arith.constant 0 : i32
    %dma_start3A_784 = tpu.memref_slice %dma_start3A_782[%dma_start3A_783] : memref<100000xf32, #tpu.memory_space<hbm>> -> memref<100000xf32, #tpu.memory_space<hbm>>
    tpu.enqueue_indirect_dma source(%dma_start3A_784 : memref<100000xf32, #tpu.memory_space<hbm>>) target(%dma_start3A_775 : memref<512xf32, #tpu.memory_space<vmem>>) offsets(%dma_start3A_777 : memref<512xi32, #tpu.memory_space<vmem>>) semaphore(%arg11 : memref<!tpu.dma_semaphore, #tpu.memory_space<semaphore_mem>>)
    %dma_wait3A_785 = arith.constant 0 : i32
    %dma_wait3A_786 = tpu.memref_slice %arg9[%dma_wait3A_785] : memref<16xf32, #tpu.memory_space<vmem>> -> memref<1xf32, #tpu.memory_space<vmem>>
    %dma_wait3A_787 = arith.constant 0 : i32
    %dma_wait3A_788 = tpu.memref_slice %arg9[%dma_wait3A_787] : memref<16xf32, #tpu.memory_space<vmem>> -> memref<1xf32, #tpu.memory_space<vmem>>
    tpu.wait_dma2 semaphore(%arg10 : memref<!tpu.dma_semaphore, #tpu.memory_space<semaphore_mem>>) src(%arg4 : memref<1xf32, #tpu.memory_space<hbm>>) dst(%dma_wait3A_788 : memref<1xf32, #tpu.memory_space<vmem>>)
    %get3A = arith.constant 0 : index
    %get3A_789 = tpu.vector_load %arg9[%get3A] {strides = array<i32>} : memref<16xf32, #tpu.memory_space<vmem>>, vector<16xf32>,
    %get3A_790 = vector.shape_cast %get3A_789 : vector<16xf32> to vector<16xf32>
    %broadcast_in_dim3A = arith.constant 0 : i32
    %broadcast_in_dim3A_791 = vector.broadcast %broadcast_in_dim3A : i32 to vector<16xi32>
    %lt3A = arith.constant 0 : i32
    %lt3A_792 = vector.broadcast %lt3A : i32 to vector<16xi32>
    %lt3A_793 = arith.cmpi slt, %broadcast_in_dim3A_791, %lt3A_792 : vector<16xi32>
    %add3A_794 = arith.constant 16 : i32
    %add3A_795 = vector.broadcast %add3A_794 : i32 to vector<16xi32>
    %add3A_796 = arith.addi %broadcast_in_dim3A_791, %add3A_795 : vector<16xi32>
    %select_n3A = arith.select %lt3A_793, %add3A_796, %broadcast_in_dim3A_791 : vector<16xi1>, vector<16xi32>
    %broadcast_in_dim3A_797 = vector.shape_cast %select_n3A : vector<16xi32> to vector<16x1xi32>
    %gather3A = vector.shape_cast %broadcast_in_dim3A_797 : vector<16x1xi32> to vector<16xi32>
    %gather3A_798 = tpu.dynamic_gather %get3A_790[%gather3A] in [0] : vector<16xf32>, vector<16xi32> -> vector<16xf32>
    %dma_wait3A_799 = arith.constant 0 : i32
    %dma_wait3A_800 = arith.constant 0 : i32
    %dma_wait3A_801 = tpu.memref_slice %arg7[%dma_wait3A_800] : memref<13312xf32, #tpu.memory_space<vmem>> -> memref<512xf32, #tpu.memory_space<vmem>>
    %dma_wait3A_802 = arith.constant 0 : i32
    %dma_wait3A_803 = tpu.memref_slice %arg6[%dma_wait3A_802] : memref<13312xi32, #tpu.memory_space<vmem>> -> memref<512xi32, #tpu.memory_space<vmem>>
    %dma_wait3A_804 = arith.constant 0 : i32
    %dma_wait3A_805 = tpu.memref_slice %arg3[%dma_wait3A_799, %dma_wait3A_804] : memref<1x2600000xf32, #tpu.memory_space<hbm>> -> memref<1x2600000xf32, #tpu.memory_space<hbm>>
    %dma_wait3A_806 = tpu.memref_squeeze %dma_wait3A_805 : memref<1x2600000xf32, #tpu.memory_space<hbm>> -> memref<2600000xf32, #tpu.memory_space<hbm>>
    %dma_wait3A_807 = arith.constant 0 : i32
    %dma_wait3A_808 = tpu.memref_slice %dma_wait3A_806[%dma_wait3A_807] : memref<2600000xf32, #tpu.memory_space<hbm>> -> memref<100000xf32, #tpu.memory_space<hbm>>
    %dma_wait3A_809 = arith.constant 0 : i32
    %dma_wait3A_810 = tpu.memref_slice %dma_wait3A_808[%dma_wait3A_809] : memref<100000xf32, #tpu.memory_space<hbm>> -> memref<100000xf32, #tpu.memory_space<hbm>>
    tpu.wait_indirect_dma semaphore(%arg11 : memref<!tpu.dma_semaphore, #tpu.memory_space<semaphore_mem>>) src(%dma_wait3A_810 : memref<100000xf32, #tpu.memory_space<hbm>>) dst(%dma_wait3A_801 : memref<512xf32, #tpu.memory_space<vmem>>)
    %dma_wait3A_811 = arith.constant 0 : i32
    %dma_wait3A_812 = arith.constant 512 : i32
    %dma_wait3A_813 = tpu.memref_slice %arg7[%dma_wait3A_812] : memref<13312xf32, #tpu.memory_space<vmem>> -> memref<512xf32, #tpu.memory_space<vmem>>
    %dma_wait3A_814 = arith.constant 512 : i32
    %dma_wait3A_815 = tpu.memref_slice %arg6[%dma_wait3A_814] : memref<13312xi32, #tpu.memory_space<vmem>> -> memref<512xi32, #tpu.memory_space<vmem>>
    %dma_wait3A_816 = arith.constant 0 : i32
    %dma_wait3A_817 = tpu.memref_slice %arg3[%dma_wait3A_811, %dma_wait3A_816] : memref<1x2600000xf32, #tpu.memory_space<hbm>> -> memref<1x2600000xf32, #tpu.memory_space<hbm>>
    %dma_wait3A_818 = tpu.memref_squeeze %dma_wait3A_817 : memref<1x2600000xf32, #tpu.memory_space<hbm>> -> memref<2600000xf32, #tpu.memory_space<hbm>>
    %dma_wait3A_819 = arith.constant 100000 : i32
    %dma_wait3A_820 = tpu.memref_slice %dma_wait3A_818[%dma_wait3A_819] : memref<2600000xf32, #tpu.memory_space<hbm>> -> memref<100000xf32, #tpu.memory_space<hbm>>
    %dma_wait3A_821 = arith.constant 0 : i32
    %dma_wait3A_822 = tpu.memref_slice %dma_wait3A_820[%dma_wait3A_821] : memref<100000xf32, #tpu.memory_space<hbm>> -> memref<100000xf32, #tpu.memory_space<hbm>>
    tpu.wait_indirect_dma semaphore(%arg11 : memref<!tpu.dma_semaphore, #tpu.memory_space<semaphore_mem>>) src(%dma_wait3A_822 : memref<100000xf32, #tpu.memory_space<hbm>>) dst(%dma_wait3A_813 : memref<512xf32, #tpu.memory_space<vmem>>)
    %dma_wait3A_823 = arith.constant 0 : i32
    %dma_wait3A_824 = arith.constant 1024 : i32
    %dma_wait3A_825 = tpu.memref_slice %arg7[%dma_wait3A_824] : memref<13312xf32, #tpu.memory_space<vmem>> -> memref<512xf32, #tpu.memory_space<vmem>>
    %dma_wait3A_826 = arith.constant 1024 : i32
    %dma_wait3A_827 = tpu.memref_slice %arg6[%dma_wait3A_826] : memref<13312xi32, #tpu.memory_space<vmem>> -> memref<512xi32, #tpu.memory_space<vmem>>
    %dma_wait3A_828 = arith.constant 0 : i32
    %dma_wait3A_829 = tpu.memref_slice %arg3[%dma_wait3A_823, %dma_wait3A_828] : memref<1x2600000xf32, #tpu.memory_space<hbm>> -> memref<1x2600000xf32, #tpu.memory_space<hbm>>
    %dma_wait3A_830 = tpu.memref_squeeze %dma_wait3A_829 : memref<1x2600000xf32, #tpu.memory_space<hbm>> -> memref<2600000xf32, #tpu.memory_space<hbm>>
    %dma_wait3A_831 = arith.constant 200000 : i32
    %dma_wait3A_832 = tpu.memref_slice %dma_wait3A_830[%dma_wait3A_831] : memref<2600000xf32, #tpu.memory_space<hbm>> -> memref<100000xf32, #tpu.memory_space<hbm>>
    %dma_wait3A_833 = arith.constant 0 : i32
    %dma_wait3A_834 = tpu.memref_slice %dma_wait3A_832[%dma_wait3A_833] : memref<100000xf32, #tpu.memory_space<hbm>> -> memref<100000xf32, #tpu.memory_space<hbm>>
    tpu.wait_indirect_dma semaphore(%arg11 : memref<!tpu.dma_semaphore, #tpu.memory_space<semaphore_mem>>) src(%dma_wait3A_834 : memref<100000xf32, #tpu.memory_space<hbm>>) dst(%dma_wait3A_825 : memref<512xf32, #tpu.memory_space<vmem>>)
    %dma_wait3A_835 = arith.constant 0 : i32
    %dma_wait3A_836 = arith.constant 1536 : i32
    %dma_wait3A_837 = tpu.memref_slice %arg7[%dma_wait3A_836] : memref<13312xf32, #tpu.memory_space<vmem>> -> memref<512xf32, #tpu.memory_space<vmem>>
    %dma_wait3A_838 = arith.constant 1536 : i32
    %dma_wait3A_839 = tpu.memref_slice %arg6[%dma_wait3A_838] : memref<13312xi32, #tpu.memory_space<vmem>> -> memref<512xi32, #tpu.memory_space<vmem>>
    %dma_wait3A_840 = arith.constant 0 : i32
    %dma_wait3A_841 = tpu.memref_slice %arg3[%dma_wait3A_835, %dma_wait3A_840] : memref<1x2600000xf32, #tpu.memory_space<hbm>> -> memref<1x2600000xf32, #tpu.memory_space<hbm>>
    %dma_wait3A_842 = tpu.memref_squeeze %dma_wait3A_841 : memref<1x2600000xf32, #tpu.memory_space<hbm>> -> memref<2600000xf32, #tpu.memory_space<hbm>>
    %dma_wait3A_843 = arith.constant 300000 : i32
    %dma_wait3A_844 = tpu.memref_slice %dma_wait3A_842[%dma_wait3A_843] : memref<2600000xf32, #tpu.memory_space<hbm>> -> memref<100000xf32, #tpu.memory_space<hbm>>
    %dma_wait3A_845 = arith.constant 0 : i32
    %dma_wait3A_846 = tpu.memref_slice %dma_wait3A_844[%dma_wait3A_845] : memref<100000xf32, #tpu.memory_space<hbm>> -> memref<100000xf32, #tpu.memory_space<hbm>>
    tpu.wait_indirect_dma semaphore(%arg11 : memref<!tpu.dma_semaphore, #tpu.memory_space<semaphore_mem>>) src(%dma_wait3A_846 : memref<100000xf32, #tpu.memory_space<hbm>>) dst(%dma_wait3A_837 : memref<512xf32, #tpu.memory_space<vmem>>)
    %dma_wait3A_847 = arith.constant 0 : i32
    %dma_wait3A_848 = arith.constant 2048 : i32
    %dma_wait3A_849 = tpu.memref_slice %arg7[%dma_wait3A_848] : memref<13312xf32, #tpu.memory_space<vmem>> -> memref<512xf32, #tpu.memory_space<vmem>>
    %dma_wait3A_850 = arith.constant 2048 : i32
    %dma_wait3A_851 = tpu.memref_slice %arg6[%dma_wait3A_850] : memref<13312xi32, #tpu.memory_space<vmem>> -> memref<512xi32, #tpu.memory_space<vmem>>
    %dma_wait3A_852 = arith.constant 0 : i32
    %dma_wait3A_853 = tpu.memref_slice %arg3[%dma_wait3A_847, %dma_wait3A_852] : memref<1x2600000xf32, #tpu.memory_space<hbm>> -> memref<1x2600000xf32, #tpu.memory_space<hbm>>
    %dma_wait3A_854 = tpu.memref_squeeze %dma_wait3A_853 : memref<1x2600000xf32, #tpu.memory_space<hbm>> -> memref<2600000xf32, #tpu.memory_space<hbm>>
    %dma_wait3A_855 = arith.constant 400000 : i32
    %dma_wait3A_856 = tpu.memref_slice %dma_wait3A_854[%dma_wait3A_855] : memref<2600000xf32, #tpu.memory_space<hbm>> -> memref<100000xf32, #tpu.memory_space<hbm>>
    %dma_wait3A_857 = arith.constant 0 : i32
    %dma_wait3A_858 = tpu.memref_slice %dma_wait3A_856[%dma_wait3A_857] : memref<100000xf32, #tpu.memory_space<hbm>> -> memref<100000xf32, #tpu.memory_space<hbm>>
    tpu.wait_indirect_dma semaphore(%arg11 : memref<!tpu.dma_semaphore, #tpu.memory_space<semaphore_mem>>) src(%dma_wait3A_858 : memref<100000xf32, #tpu.memory_space<hbm>>) dst(%dma_wait3A_849 : memref<512xf32, #tpu.memory_space<vmem>>)
    %dma_wait3A_859 = arith.constant 0 : i32
    %dma_wait3A_860 = arith.constant 2560 : i32
    %dma_wait3A_861 = tpu.memref_slice %arg7[%dma_wait3A_860] : memref<13312xf32, #tpu.memory_space<vmem>> -> memref<512xf32, #tpu.memory_space<vmem>>
    %dma_wait3A_862 = arith.constant 2560 : i32
    %dma_wait3A_863 = tpu.memref_slice %arg6[%dma_wait3A_862] : memref<13312xi32, #tpu.memory_space<vmem>> -> memref<512xi32, #tpu.memory_space<vmem>>
    %dma_wait3A_864 = arith.constant 0 : i32
    %dma_wait3A_865 = tpu.memref_slice %arg3[%dma_wait3A_859, %dma_wait3A_864] : memref<1x2600000xf32, #tpu.memory_space<hbm>> -> memref<1x2600000xf32, #tpu.memory_space<hbm>>
    %dma_wait3A_866 = tpu.memref_squeeze %dma_wait3A_865 : memref<1x2600000xf32, #tpu.memory_space<hbm>> -> memref<2600000xf32, #tpu.memory_space<hbm>>
    %dma_wait3A_867 = arith.constant 500000 : i32
    %dma_wait3A_868 = tpu.memref_slice %dma_wait3A_866[%dma_wait3A_867] : memref<2600000xf32, #tpu.memory_space<hbm>> -> memref<100000xf32, #tpu.memory_space<hbm>>
    %dma_wait3A_869 = arith.constant 0 : i32
    %dma_wait3A_870 = tpu.memref_slice %dma_wait3A_868[%dma_wait3A_869] : memref<100000xf32, #tpu.memory_space<hbm>> -> memref<100000xf32, #tpu.memory_space<hbm>>
    tpu.wait_indirect_dma semaphore(%arg11 : memref<!tpu.dma_semaphore, #tpu.memory_space<semaphore_mem>>) src(%dma_wait3A_870 : memref<100000xf32, #tpu.memory_space<hbm>>) dst(%dma_wait3A_861 : memref<512xf32, #tpu.memory_space<vmem>>)
    %dma_wait3A_871 = arith.constant 0 : i32
    %dma_wait3A_872 = arith.constant 3072 : i32
    %dma_wait3A_873 = tpu.memref_slice %arg7[%dma_wait3A_872] : memref<13312xf32, #tpu.memory_space<vmem>> -> memref<512xf32, #tpu.memory_space<vmem>>
    %dma_wait3A_874 = arith.constant 3072 : i32
    %dma_wait3A_875 = tpu.memref_slice %arg6[%dma_wait3A_874] : memref<13312xi32, #tpu.memory_space<vmem>> -> memref<512xi32, #tpu.memory_space<vmem>>
    %dma_wait3A_876 = arith.constant 0 : i32
    %dma_wait3A_877 = tpu.memref_slice %arg3[%dma_wait3A_871, %dma_wait3A_876] : memref<1x2600000xf32, #tpu.memory_space<hbm>> -> memref<1x2600000xf32, #tpu.memory_space<hbm>>
    %dma_wait3A_878 = tpu.memref_squeeze %dma_wait3A_877 : memref<1x2600000xf32, #tpu.memory_space<hbm>> -> memref<2600000xf32, #tpu.memory_space<hbm>>
    %dma_wait3A_879 = arith.constant 600000 : i32
    %dma_wait3A_880 = tpu.memref_slice %dma_wait3A_878[%dma_wait3A_879] : memref<2600000xf32, #tpu.memory_space<hbm>> -> memref<100000xf32, #tpu.memory_space<hbm>>
    %dma_wait3A_881 = arith.constant 0 : i32
    %dma_wait3A_882 = tpu.memref_slice %dma_wait3A_880[%dma_wait3A_881] : memref<100000xf32, #tpu.memory_space<hbm>> -> memref<100000xf32, #tpu.memory_space<hbm>>
    tpu.wait_indirect_dma semaphore(%arg11 : memref<!tpu.dma_semaphore, #tpu.memory_space<semaphore_mem>>) src(%dma_wait3A_882 : memref<100000xf32, #tpu.memory_space<hbm>>) dst(%dma_wait3A_873 : memref<512xf32, #tpu.memory_space<vmem>>)
    %dma_wait3A_883 = arith.constant 0 : i32
    %dma_wait3A_884 = arith.constant 3584 : i32
    %dma_wait3A_885 = tpu.memref_slice %arg7[%dma_wait3A_884] : memref<13312xf32, #tpu.memory_space<vmem>> -> memref<512xf32, #tpu.memory_space<vmem>>
    %dma_wait3A_886 = arith.constant 3584 : i32
    %dma_wait3A_887 = tpu.memref_slice %arg6[%dma_wait3A_886] : memref<13312xi32, #tpu.memory_space<vmem>> -> memref<512xi32, #tpu.memory_space<vmem>>
    %dma_wait3A_888 = arith.constant 0 : i32
    %dma_wait3A_889 = tpu.memref_slice %arg3[%dma_wait3A_883, %dma_wait3A_888] : memref<1x2600000xf32, #tpu.memory_space<hbm>> -> memref<1x2600000xf32, #tpu.memory_space<hbm>>
    %dma_wait3A_890 = tpu.memref_squeeze %dma_wait3A_889 : memref<1x2600000xf32, #tpu.memory_space<hbm>> -> memref<2600000xf32, #tpu.memory_space<hbm>>
    %dma_wait3A_891 = arith.constant 700000 : i32
    %dma_wait3A_892 = tpu.memref_slice %dma_wait3A_890[%dma_wait3A_891] : memref<2600000xf32, #tpu.memory_space<hbm>> -> memref<100000xf32, #tpu.memory_space<hbm>>
    %dma_wait3A_893 = arith.constant 0 : i32
    %dma_wait3A_894 = tpu.memref_slice %dma_wait3A_892[%dma_wait3A_893] : memref<100000xf32, #tpu.memory_space<hbm>> -> memref<100000xf32, #tpu.memory_space<hbm>>
    tpu.wait_indirect_dma semaphore(%arg11 : memref<!tpu.dma_semaphore, #tpu.memory_space<semaphore_mem>>) src(%dma_wait3A_894 : memref<100000xf32, #tpu.memory_space<hbm>>) dst(%dma_wait3A_885 : memref<512xf32, #tpu.memory_space<vmem>>)
    %dma_wait3A_895 = arith.constant 0 : i32
    %dma_wait3A_896 = arith.constant 4096 : i32
    %dma_wait3A_897 = tpu.memref_slice %arg7[%dma_wait3A_896] : memref<13312xf32, #tpu.memory_space<vmem>> -> memref<512xf32, #tpu.memory_space<vmem>>
    %dma_wait3A_898 = arith.constant 4096 : i32
    %dma_wait3A_899 = tpu.memref_slice %arg6[%dma_wait3A_898] : memref<13312xi32, #tpu.memory_space<vmem>> -> memref<512xi32, #tpu.memory_space<vmem>>
    %dma_wait3A_900 = arith.constant 0 : i32
    %dma_wait3A_901 = tpu.memref_slice %arg3[%dma_wait3A_895, %dma_wait3A_900] : memref<1x2600000xf32, #tpu.memory_space<hbm>> -> memref<1x2600000xf32, #tpu.memory_space<hbm>>
    %dma_wait3A_902 = tpu.memref_squeeze %dma_wait3A_901 : memref<1x2600000xf32, #tpu.memory_space<hbm>> -> memref<2600000xf32, #tpu.memory_space<hbm>>
    %dma_wait3A_903 = arith.constant 800000 : i32
    %dma_wait3A_904 = tpu.memref_slice %dma_wait3A_902[%dma_wait3A_903] : memref<2600000xf32, #tpu.memory_space<hbm>> -> memref<100000xf32, #tpu.memory_space<hbm>>
    %dma_wait3A_905 = arith.constant 0 : i32
    %dma_wait3A_906 = tpu.memref_slice %dma_wait3A_904[%dma_wait3A_905] : memref<100000xf32, #tpu.memory_space<hbm>> -> memref<100000xf32, #tpu.memory_space<hbm>>
    tpu.wait_indirect_dma semaphore(%arg11 : memref<!tpu.dma_semaphore, #tpu.memory_space<semaphore_mem>>) src(%dma_wait3A_906 : memref<100000xf32, #tpu.memory_space<hbm>>) dst(%dma_wait3A_897 : memref<512xf32, #tpu.memory_space<vmem>>)
    %dma_wait3A_907 = arith.constant 0 : i32
    %dma_wait3A_908 = arith.constant 4608 : i32
    %dma_wait3A_909 = tpu.memref_slice %arg7[%dma_wait3A_908] : memref<13312xf32, #tpu.memory_space<vmem>> -> memref<512xf32, #tpu.memory_space<vmem>>
    %dma_wait3A_910 = arith.constant 4608 : i32
    %dma_wait3A_911 = tpu.memref_slice %arg6[%dma_wait3A_910] : memref<13312xi32, #tpu.memory_space<vmem>> -> memref<512xi32, #tpu.memory_space<vmem>>
    %dma_wait3A_912 = arith.constant 0 : i32
    %dma_wait3A_913 = tpu.memref_slice %arg3[%dma_wait3A_907, %dma_wait3A_912] : memref<1x2600000xf32, #tpu.memory_space<hbm>> -> memref<1x2600000xf32, #tpu.memory_space<hbm>>
    %dma_wait3A_914 = tpu.memref_squeeze %dma_wait3A_913 : memref<1x2600000xf32, #tpu.memory_space<hbm>> -> memref<2600000xf32, #tpu.memory_space<hbm>>
    %dma_wait3A_915 = arith.constant 900000 : i32
    %dma_wait3A_916 = tpu.memref_slice %dma_wait3A_914[%dma_wait3A_915] : memref<2600000xf32, #tpu.memory_space<hbm>> -> memref<100000xf32, #tpu.memory_space<hbm>>
    %dma_wait3A_917 = arith.constant 0 : i32
    %dma_wait3A_918 = tpu.memref_slice %dma_wait3A_916[%dma_wait3A_917] : memref<100000xf32, #tpu.memory_space<hbm>> -> memref<100000xf32, #tpu.memory_space<hbm>>
    tpu.wait_indirect_dma semaphore(%arg11 : memref<!tpu.dma_semaphore, #tpu.memory_space<semaphore_mem>>) src(%dma_wait3A_918 : memref<100000xf32, #tpu.memory_space<hbm>>) dst(%dma_wait3A_909 : memref<512xf32, #tpu.memory_space<vmem>>)
    %dma_wait3A_919 = arith.constant 0 : i32
    %dma_wait3A_920 = arith.constant 5120 : i32
    %dma_wait3A_921 = tpu.memref_slice %arg7[%dma_wait3A_920] : memref<13312xf32, #tpu.memory_space<vmem>> -> memref<512xf32, #tpu.memory_space<vmem>>
    %dma_wait3A_922 = arith.constant 5120 : i32
    %dma_wait3A_923 = tpu.memref_slice %arg6[%dma_wait3A_922] : memref<13312xi32, #tpu.memory_space<vmem>> -> memref<512xi32, #tpu.memory_space<vmem>>
    %dma_wait3A_924 = arith.constant 0 : i32
    %dma_wait3A_925 = tpu.memref_slice %arg3[%dma_wait3A_919, %dma_wait3A_924] : memref<1x2600000xf32, #tpu.memory_space<hbm>> -> memref<1x2600000xf32, #tpu.memory_space<hbm>>
    %dma_wait3A_926 = tpu.memref_squeeze %dma_wait3A_925 : memref<1x2600000xf32, #tpu.memory_space<hbm>> -> memref<2600000xf32, #tpu.memory_space<hbm>>
    %dma_wait3A_927 = arith.constant 1000000 : i32
    %dma_wait3A_928 = tpu.memref_slice %dma_wait3A_926[%dma_wait3A_927] : memref<2600000xf32, #tpu.memory_space<hbm>> -> memref<100000xf32, #tpu.memory_space<hbm>>
    %dma_wait3A_929 = arith.constant 0 : i32
    %dma_wait3A_930 = tpu.memref_slice %dma_wait3A_928[%dma_wait3A_929] : memref<100000xf32, #tpu.memory_space<hbm>> -> memref<100000xf32, #tpu.memory_space<hbm>>
    tpu.wait_indirect_dma semaphore(%arg11 : memref<!tpu.dma_semaphore, #tpu.memory_space<semaphore_mem>>) src(%dma_wait3A_930 : memref<100000xf32, #tpu.memory_space<hbm>>) dst(%dma_wait3A_921 : memref<512xf32, #tpu.memory_space<vmem>>)
    %dma_wait3A_931 = arith.constant 0 : i32
    %dma_wait3A_932 = arith.constant 5632 : i32
    %dma_wait3A_933 = tpu.memref_slice %arg7[%dma_wait3A_932] : memref<13312xf32, #tpu.memory_space<vmem>> -> memref<512xf32, #tpu.memory_space<vmem>>
    %dma_wait3A_934 = arith.constant 5632 : i32
    %dma_wait3A_935 = tpu.memref_slice %arg6[%dma_wait3A_934] : memref<13312xi32, #tpu.memory_space<vmem>> -> memref<512xi32, #tpu.memory_space<vmem>>
    %dma_wait3A_936 = arith.constant 0 : i32
    %dma_wait3A_937 = tpu.memref_slice %arg3[%dma_wait3A_931, %dma_wait3A_936] : memref<1x2600000xf32, #tpu.memory_space<hbm>> -> memref<1x2600000xf32, #tpu.memory_space<hbm>>
    %dma_wait3A_938 = tpu.memref_squeeze %dma_wait3A_937 : memref<1x2600000xf32, #tpu.memory_space<hbm>> -> memref<2600000xf32, #tpu.memory_space<hbm>>
    %dma_wait3A_939 = arith.constant 1100000 : i32
    %dma_wait3A_940 = tpu.memref_slice %dma_wait3A_938[%dma_wait3A_939] : memref<2600000xf32, #tpu.memory_space<hbm>> -> memref<100000xf32, #tpu.memory_space<hbm>>
    %dma_wait3A_941 = arith.constant 0 : i32
    %dma_wait3A_942 = tpu.memref_slice %dma_wait3A_940[%dma_wait3A_941] : memref<100000xf32, #tpu.memory_space<hbm>> -> memref<100000xf32, #tpu.memory_space<hbm>>
    tpu.wait_indirect_dma semaphore(%arg11 : memref<!tpu.dma_semaphore, #tpu.memory_space<semaphore_mem>>) src(%dma_wait3A_942 : memref<100000xf32, #tpu.memory_space<hbm>>) dst(%dma_wait3A_933 : memref<512xf32, #tpu.memory_space<vmem>>)
    %dma_wait3A_943 = arith.constant 0 : i32
    %dma_wait3A_944 = arith.constant 6144 : i32
    %dma_wait3A_945 = tpu.memref_slice %arg7[%dma_wait3A_944] : memref<13312xf32, #tpu.memory_space<vmem>> -> memref<512xf32, #tpu.memory_space<vmem>>
    %dma_wait3A_946 = arith.constant 6144 : i32
    %dma_wait3A_947 = tpu.memref_slice %arg6[%dma_wait3A_946] : memref<13312xi32, #tpu.memory_space<vmem>> -> memref<512xi32, #tpu.memory_space<vmem>>
    %dma_wait3A_948 = arith.constant 0 : i32
    %dma_wait3A_949 = tpu.memref_slice %arg3[%dma_wait3A_943, %dma_wait3A_948] : memref<1x2600000xf32, #tpu.memory_space<hbm>> -> memref<1x2600000xf32, #tpu.memory_space<hbm>>
    %dma_wait3A_950 = tpu.memref_squeeze %dma_wait3A_949 : memref<1x2600000xf32, #tpu.memory_space<hbm>> -> memref<2600000xf32, #tpu.memory_space<hbm>>
    %dma_wait3A_951 = arith.constant 1200000 : i32
    %dma_wait3A_952 = tpu.memref_slice %dma_wait3A_950[%dma_wait3A_951] : memref<2600000xf32, #tpu.memory_space<hbm>> -> memref<100000xf32, #tpu.memory_space<hbm>>
    %dma_wait3A_953 = arith.constant 0 : i32
    %dma_wait3A_954 = tpu.memref_slice %dma_wait3A_952[%dma_wait3A_953] : memref<100000xf32, #tpu.memory_space<hbm>> -> memref<100000xf32, #tpu.memory_space<hbm>>
    tpu.wait_indirect_dma semaphore(%arg11 : memref<!tpu.dma_semaphore, #tpu.memory_space<semaphore_mem>>) src(%dma_wait3A_954 : memref<100000xf32, #tpu.memory_space<hbm>>) dst(%dma_wait3A_945 : memref<512xf32, #tpu.memory_space<vmem>>)
    %scan3A = arith.constant 0 : i32
    %scan3A_955 = arith.constant 0 : i32
    %scan3A_956 = arith.constant 32 : i32
    %scan3A_957 = arith.addi %scan3A_955, %scan3A_956 : i32
    %scan3A_958 = arith.constant 1 : i32
    scf.for %scan3A_1122 = %scan3A_955 to %scan3A_957 step %scan3A_958  : i32 {
      %mul3A_1123 = arith.constant 16 : i32
      %mul3A_1124 = arith.muli %scan3A_1122, %mul3A_1123 : i32
      %get3A_1125 = arith.index_cast %mul3A_1124 : i32 to index
      %get3A_1126 = tpu.vector_load %arg7[%get3A_1125] {strides = array<i32>} : memref<13312xf32, #tpu.memory_space<vmem>>, vector<16xf32>,
      %get3A_1127 = vector.shape_cast %get3A_1126 : vector<16xf32> to vector<16xf32>
      %add3A_1128 = arith.addf %gather3A_798, %get3A_1127 : vector<16xf32>
      %add3A_1129 = arith.constant 512 : i32
      %add3A_1130 = arith.addi %add3A_1129, %mul3A_1124 : i32
      %get3A_1131 = arith.index_cast %add3A_1130 : i32 to index
      %get3A_1132 = tpu.vector_load %arg7[%get3A_1131] {strides = array<i32>} : memref<13312xf32, #tpu.memory_space<vmem>>, vector<16xf32>,
      %get3A_1133 = vector.shape_cast %get3A_1132 : vector<16xf32> to vector<16xf32>
      %add3A_1134 = arith.addf %add3A_1128, %get3A_1133 : vector<16xf32>
      %add3A_1135 = arith.constant 1024 : i32
      %add3A_1136 = arith.addi %add3A_1135, %mul3A_1124 : i32
      %get3A_1137 = arith.index_cast %add3A_1136 : i32 to index
      %get3A_1138 = tpu.vector_load %arg7[%get3A_1137] {strides = array<i32>} : memref<13312xf32, #tpu.memory_space<vmem>>, vector<16xf32>,
      %get3A_1139 = vector.shape_cast %get3A_1138 : vector<16xf32> to vector<16xf32>
      %add3A_1140 = arith.addf %add3A_1134, %get3A_1139 : vector<16xf32>
      %add3A_1141 = arith.constant 1536 : i32
      %add3A_1142 = arith.addi %add3A_1141, %mul3A_1124 : i32
      %get3A_1143 = arith.index_cast %add3A_1142 : i32 to index
      %get3A_1144 = tpu.vector_load %arg7[%get3A_1143] {strides = array<i32>} : memref<13312xf32, #tpu.memory_space<vmem>>, vector<16xf32>,
      %get3A_1145 = vector.shape_cast %get3A_1144 : vector<16xf32> to vector<16xf32>
      %add3A_1146 = arith.addf %add3A_1140, %get3A_1145 : vector<16xf32>
      %add3A_1147 = arith.constant 2048 : i32
      %add3A_1148 = arith.addi %add3A_1147, %mul3A_1124 : i32
      %get3A_1149 = arith.index_cast %add3A_1148 : i32 to index
      %get3A_1150 = tpu.vector_load %arg7[%get3A_1149] {strides = array<i32>} : memref<13312xf32, #tpu.memory_space<vmem>>, vector<16xf32>,
      %get3A_1151 = vector.shape_cast %get3A_1150 : vector<16xf32> to vector<16xf32>
      %add3A_1152 = arith.addf %add3A_1146, %get3A_1151 : vector<16xf32>
      %add3A_1153 = arith.constant 2560 : i32
      %add3A_1154 = arith.addi %add3A_1153, %mul3A_1124 : i32
      %get3A_1155 = arith.index_cast %add3A_1154 : i32 to index
      %get3A_1156 = tpu.vector_load %arg7[%get3A_1155] {strides = array<i32>} : memref<13312xf32, #tpu.memory_space<vmem>>, vector<16xf32>,
      %get3A_1157 = vector.shape_cast %get3A_1156 : vector<16xf32> to vector<16xf32>
      %add3A_1158 = arith.addf %add3A_1152, %get3A_1157 : vector<16xf32>
      %add3A_1159 = arith.constant 3072 : i32
      %add3A_1160 = arith.addi %add3A_1159, %mul3A_1124 : i32
      %get3A_1161 = arith.index_cast %add3A_1160 : i32 to index
      %get3A_1162 = tpu.vector_load %arg7[%get3A_1161] {strides = array<i32>} : memref<13312xf32, #tpu.memory_space<vmem>>, vector<16xf32>,
      %get3A_1163 = vector.shape_cast %get3A_1162 : vector<16xf32> to vector<16xf32>
      %add3A_1164 = arith.addf %add3A_1158, %get3A_1163 : vector<16xf32>
      %add3A_1165 = arith.constant 3584 : i32
      %add3A_1166 = arith.addi %add3A_1165, %mul3A_1124 : i32
      %get3A_1167 = arith.index_cast %add3A_1166 : i32 to index
      %get3A_1168 = tpu.vector_load %arg7[%get3A_1167] {strides = array<i32>} : memref<13312xf32, #tpu.memory_space<vmem>>, vector<16xf32>,
      %get3A_1169 = vector.shape_cast %get3A_1168 : vector<16xf32> to vector<16xf32>
      %add3A_1170 = arith.addf %add3A_1164, %get3A_1169 : vector<16xf32>
      %add3A_1171 = arith.constant 4096 : i32
      %add3A_1172 = arith.addi %add3A_1171, %mul3A_1124 : i32
      %get3A_1173 = arith.index_cast %add3A_1172 : i32 to index
      %get3A_1174 = tpu.vector_load %arg7[%get3A_1173] {strides = array<i32>} : memref<13312xf32, #tpu.memory_space<vmem>>, vector<16xf32>,
      %get3A_1175 = vector.shape_cast %get3A_1174 : vector<16xf32> to vector<16xf32>
      %add3A_1176 = arith.addf %add3A_1170, %get3A_1175 : vector<16xf32>
      %add3A_1177 = arith.constant 4608 : i32
      %add3A_1178 = arith.addi %add3A_1177, %mul3A_1124 : i32
      %get3A_1179 = arith.index_cast %add3A_1178 : i32 to index
      %get3A_1180 = tpu.vector_load %arg7[%get3A_1179] {strides = array<i32>} : memref<13312xf32, #tpu.memory_space<vmem>>, vector<16xf32>,
      %get3A_1181 = vector.shape_cast %get3A_1180 : vector<16xf32> to vector<16xf32>
      %add3A_1182 = arith.addf %add3A_1176, %get3A_1181 : vector<16xf32>
      %add3A_1183 = arith.constant 5120 : i32
      %add3A_1184 = arith.addi %add3A_1183, %mul3A_1124 : i32
      %get3A_1185 = arith.index_cast %add3A_1184 : i32 to index
      %get3A_1186 = tpu.vector_load %arg7[%get3A_1185] {strides = array<i32>} : memref<13312xf32, #tpu.memory_space<vmem>>, vector<16xf32>,
      %get3A_1187 = vector.shape_cast %get3A_1186 : vector<16xf32> to vector<16xf32>
      %add3A_1188 = arith.addf %add3A_1182, %get3A_1187 : vector<16xf32>
      %add3A_1189 = arith.constant 5632 : i32
      %add3A_1190 = arith.addi %add3A_1189, %mul3A_1124 : i32
      %get3A_1191 = arith.index_cast %add3A_1190 : i32 to index
      %get3A_1192 = tpu.vector_load %arg7[%get3A_1191] {strides = array<i32>} : memref<13312xf32, #tpu.memory_space<vmem>>, vector<16xf32>,
      %get3A_1193 = vector.shape_cast %get3A_1192 : vector<16xf32> to vector<16xf32>
      %add3A_1194 = arith.addf %add3A_1188, %get3A_1193 : vector<16xf32>
      %add3A_1195 = arith.constant 6144 : i32
      %add3A_1196 = arith.addi %add3A_1195, %mul3A_1124 : i32
      %get3A_1197 = arith.index_cast %add3A_1196 : i32 to index
      %get3A_1198 = tpu.vector_load %arg7[%get3A_1197] {strides = array<i32>} : memref<13312xf32, #tpu.memory_space<vmem>>, vector<16xf32>,
      %get3A_1199 = vector.shape_cast %get3A_1198 : vector<16xf32> to vector<16xf32>
      %add3A_1200 = arith.addf %add3A_1194, %get3A_1199 : vector<16xf32>
      %swap3A = arith.index_cast %mul3A_1124 : i32 to index
      %swap3A_1201 = tpu.vector_load %arg8[%swap3A] {strides = array<i32>} : memref<512xf32, #tpu.memory_space<vmem>>, vector<16xf32>,
      %swap3A_1202 = vector.shape_cast %swap3A_1201 : vector<16xf32> to vector<16xf32>
      %swap3A_1203 = vector.shape_cast %add3A_1200 : vector<16xf32> to vector<16xf32>
      tpu.vector_store %arg8[%swap3A], %swap3A_1203 {strides = array<i32>} : memref<512xf32, #tpu.memory_space<vmem>>, vector<16xf32>,
    }
    %scan3A_959 = arith.constant 32 : i32
    %dma_wait3A_960 = arith.constant 0 : i32
    %dma_wait3A_961 = arith.constant 6656 : i32
    %dma_wait3A_962 = tpu.memref_slice %arg7[%dma_wait3A_961] : memref<13312xf32, #tpu.memory_space<vmem>> -> memref<512xf32, #tpu.memory_space<vmem>>
    %dma_wait3A_963 = arith.constant 6656 : i32
    %dma_wait3A_964 = tpu.memref_slice %arg6[%dma_wait3A_963] : memref<13312xi32, #tpu.memory_space<vmem>> -> memref<512xi32, #tpu.memory_space<vmem>>
    %dma_wait3A_965 = arith.constant 0 : i32
    %dma_wait3A_966 = tpu.memref_slice %arg3[%dma_wait3A_960, %dma_wait3A_965] : memref<1x2600000xf32, #tpu.memory_space<hbm>> -> memref<1x2600000xf32, #tpu.memory_space<hbm>>
    %dma_wait3A_967 = tpu.memref_squeeze %dma_wait3A_966 : memref<1x2600000xf32, #tpu.memory_space<hbm>> -> memref<2600000xf32, #tpu.memory_space<hbm>>
    %dma_wait3A_968 = arith.constant 1300000 : i32
    %dma_wait3A_969 = tpu.memref_slice %dma_wait3A_967[%dma_wait3A_968] : memref<2600000xf32, #tpu.memory_space<hbm>> -> memref<100000xf32, #tpu.memory_space<hbm>>
    %dma_wait3A_970 = arith.constant 0 : i32
    %dma_wait3A_971 = tpu.memref_slice %dma_wait3A_969[%dma_wait3A_970] : memref<100000xf32, #tpu.memory_space<hbm>> -> memref<100000xf32, #tpu.memory_space<hbm>>
    tpu.wait_indirect_dma semaphore(%arg11 : memref<!tpu.dma_semaphore, #tpu.memory_space<semaphore_mem>>) src(%dma_wait3A_971 : memref<100000xf32, #tpu.memory_space<hbm>>) dst(%dma_wait3A_962 : memref<512xf32, #tpu.memory_space<vmem>>)
    %dma_wait3A_972 = arith.constant 0 : i32
    %dma_wait3A_973 = arith.constant 7168 : i32
    %dma_wait3A_974 = tpu.memref_slice %arg7[%dma_wait3A_973] : memref<13312xf32, #tpu.memory_space<vmem>> -> memref<512xf32, #tpu.memory_space<vmem>>
    %dma_wait3A_975 = arith.constant 7168 : i32
    %dma_wait3A_976 = tpu.memref_slice %arg6[%dma_wait3A_975] : memref<13312xi32, #tpu.memory_space<vmem>> -> memref<512xi32, #tpu.memory_space<vmem>>
    %dma_wait3A_977 = arith.constant 0 : i32
    %dma_wait3A_978 = tpu.memref_slice %arg3[%dma_wait3A_972, %dma_wait3A_977] : memref<1x2600000xf32, #tpu.memory_space<hbm>> -> memref<1x2600000xf32, #tpu.memory_space<hbm>>
    %dma_wait3A_979 = tpu.memref_squeeze %dma_wait3A_978 : memref<1x2600000xf32, #tpu.memory_space<hbm>> -> memref<2600000xf32, #tpu.memory_space<hbm>>
    %dma_wait3A_980 = arith.constant 1400000 : i32
    %dma_wait3A_981 = tpu.memref_slice %dma_wait3A_979[%dma_wait3A_980] : memref<2600000xf32, #tpu.memory_space<hbm>> -> memref<100000xf32, #tpu.memory_space<hbm>>
    %dma_wait3A_982 = arith.constant 0 : i32
    %dma_wait3A_983 = tpu.memref_slice %dma_wait3A_981[%dma_wait3A_982] : memref<100000xf32, #tpu.memory_space<hbm>> -> memref<100000xf32, #tpu.memory_space<hbm>>
    tpu.wait_indirect_dma semaphore(%arg11 : memref<!tpu.dma_semaphore, #tpu.memory_space<semaphore_mem>>) src(%dma_wait3A_983 : memref<100000xf32, #tpu.memory_space<hbm>>) dst(%dma_wait3A_974 : memref<512xf32, #tpu.memory_space<vmem>>)
    %dma_wait3A_984 = arith.constant 0 : i32
    %dma_wait3A_985 = arith.constant 7680 : i32
    %dma_wait3A_986 = tpu.memref_slice %arg7[%dma_wait3A_985] : memref<13312xf32, #tpu.memory_space<vmem>> -> memref<512xf32, #tpu.memory_space<vmem>>
    %dma_wait3A_987 = arith.constant 7680 : i32
    %dma_wait3A_988 = tpu.memref_slice %arg6[%dma_wait3A_987] : memref<13312xi32, #tpu.memory_space<vmem>> -> memref<512xi32, #tpu.memory_space<vmem>>
    %dma_wait3A_989 = arith.constant 0 : i32
    %dma_wait3A_990 = tpu.memref_slice %arg3[%dma_wait3A_984, %dma_wait3A_989] : memref<1x2600000xf32, #tpu.memory_space<hbm>> -> memref<1x2600000xf32, #tpu.memory_space<hbm>>
    %dma_wait3A_991 = tpu.memref_squeeze %dma_wait3A_990 : memref<1x2600000xf32, #tpu.memory_space<hbm>> -> memref<2600000xf32, #tpu.memory_space<hbm>>
    %dma_wait3A_992 = arith.constant 1500000 : i32
    %dma_wait3A_993 = tpu.memref_slice %dma_wait3A_991[%dma_wait3A_992] : memref<2600000xf32, #tpu.memory_space<hbm>> -> memref<100000xf32, #tpu.memory_space<hbm>>
    %dma_wait3A_994 = arith.constant 0 : i32
    %dma_wait3A_995 = tpu.memref_slice %dma_wait3A_993[%dma_wait3A_994] : memref<100000xf32, #tpu.memory_space<hbm>> -> memref<100000xf32, #tpu.memory_space<hbm>>
    tpu.wait_indirect_dma semaphore(%arg11 : memref<!tpu.dma_semaphore, #tpu.memory_space<semaphore_mem>>) src(%dma_wait3A_995 : memref<100000xf32, #tpu.memory_space<hbm>>) dst(%dma_wait3A_986 : memref<512xf32, #tpu.memory_space<vmem>>)
    %dma_wait3A_996 = arith.constant 0 : i32
    %dma_wait3A_997 = arith.constant 8192 : i32
    %dma_wait3A_998 = tpu.memref_slice %arg7[%dma_wait3A_997] : memref<13312xf32, #tpu.memory_space<vmem>> -> memref<512xf32, #tpu.memory_space<vmem>>
    %dma_wait3A_999 = arith.constant 8192 : i32
    %dma_wait3A_1000 = tpu.memref_slice %arg6[%dma_wait3A_999] : memref<13312xi32, #tpu.memory_space<vmem>> -> memref<512xi32, #tpu.memory_space<vmem>>
    %dma_wait3A_1001 = arith.constant 0 : i32
    %dma_wait3A_1002 = tpu.memref_slice %arg3[%dma_wait3A_996, %dma_wait3A_1001] : memref<1x2600000xf32, #tpu.memory_space<hbm>> -> memref<1x2600000xf32, #tpu.memory_space<hbm>>
    %dma_wait3A_1003 = tpu.memref_squeeze %dma_wait3A_1002 : memref<1x2600000xf32, #tpu.memory_space<hbm>> -> memref<2600000xf32, #tpu.memory_space<hbm>>
    %dma_wait3A_1004 = arith.constant 1600000 : i32
    %dma_wait3A_1005 = tpu.memref_slice %dma_wait3A_1003[%dma_wait3A_1004] : memref<2600000xf32, #tpu.memory_space<hbm>> -> memref<100000xf32, #tpu.memory_space<hbm>>
    %dma_wait3A_1006 = arith.constant 0 : i32
    %dma_wait3A_1007 = tpu.memref_slice %dma_wait3A_1005[%dma_wait3A_1006] : memref<100000xf32, #tpu.memory_space<hbm>> -> memref<100000xf32, #tpu.memory_space<hbm>>
    tpu.wait_indirect_dma semaphore(%arg11 : memref<!tpu.dma_semaphore, #tpu.memory_space<semaphore_mem>>) src(%dma_wait3A_1007 : memref<100000xf32, #tpu.memory_space<hbm>>) dst(%dma_wait3A_998 : memref<512xf32, #tpu.memory_space<vmem>>)
    %dma_wait3A_1008 = arith.constant 0 : i32
    %dma_wait3A_1009 = arith.constant 8704 : i32
    %dma_wait3A_1010 = tpu.memref_slice %arg7[%dma_wait3A_1009] : memref<13312xf32, #tpu.memory_space<vmem>> -> memref<512xf32, #tpu.memory_space<vmem>>
    %dma_wait3A_1011 = arith.constant 8704 : i32
    %dma_wait3A_1012 = tpu.memref_slice %arg6[%dma_wait3A_1011] : memref<13312xi32, #tpu.memory_space<vmem>> -> memref<512xi32, #tpu.memory_space<vmem>>
    %dma_wait3A_1013 = arith.constant 0 : i32
    %dma_wait3A_1014 = tpu.memref_slice %arg3[%dma_wait3A_1008, %dma_wait3A_1013] : memref<1x2600000xf32, #tpu.memory_space<hbm>> -> memref<1x2600000xf32, #tpu.memory_space<hbm>>
    %dma_wait3A_1015 = tpu.memref_squeeze %dma_wait3A_1014 : memref<1x2600000xf32, #tpu.memory_space<hbm>> -> memref<2600000xf32, #tpu.memory_space<hbm>>
    %dma_wait3A_1016 = arith.constant 1700000 : i32
    %dma_wait3A_1017 = tpu.memref_slice %dma_wait3A_1015[%dma_wait3A_1016] : memref<2600000xf32, #tpu.memory_space<hbm>> -> memref<100000xf32, #tpu.memory_space<hbm>>
    %dma_wait3A_1018 = arith.constant 0 : i32
    %dma_wait3A_1019 = tpu.memref_slice %dma_wait3A_1017[%dma_wait3A_1018] : memref<100000xf32, #tpu.memory_space<hbm>> -> memref<100000xf32, #tpu.memory_space<hbm>>
    tpu.wait_indirect_dma semaphore(%arg11 : memref<!tpu.dma_semaphore, #tpu.memory_space<semaphore_mem>>) src(%dma_wait3A_1019 : memref<100000xf32, #tpu.memory_space<hbm>>) dst(%dma_wait3A_1010 : memref<512xf32, #tpu.memory_space<vmem>>)
    %dma_wait3A_1020 = arith.constant 0 : i32
    %dma_wait3A_1021 = arith.constant 9216 : i32
    %dma_wait3A_1022 = tpu.memref_slice %arg7[%dma_wait3A_1021] : memref<13312xf32, #tpu.memory_space<vmem>> -> memref<512xf32, #tpu.memory_space<vmem>>
    %dma_wait3A_1023 = arith.constant 9216 : i32
    %dma_wait3A_1024 = tpu.memref_slice %arg6[%dma_wait3A_1023] : memref<13312xi32, #tpu.memory_space<vmem>> -> memref<512xi32, #tpu.memory_space<vmem>>
    %dma_wait3A_1025 = arith.constant 0 : i32
    %dma_wait3A_1026 = tpu.memref_slice %arg3[%dma_wait3A_1020, %dma_wait3A_1025] : memref<1x2600000xf32, #tpu.memory_space<hbm>> -> memref<1x2600000xf32, #tpu.memory_space<hbm>>
    %dma_wait3A_1027 = tpu.memref_squeeze %dma_wait3A_1026 : memref<1x2600000xf32, #tpu.memory_space<hbm>> -> memref<2600000xf32, #tpu.memory_space<hbm>>
    %dma_wait3A_1028 = arith.constant 1800000 : i32
    %dma_wait3A_1029 = tpu.memref_slice %dma_wait3A_1027[%dma_wait3A_1028] : memref<2600000xf32, #tpu.memory_space<hbm>> -> memref<100000xf32, #tpu.memory_space<hbm>>
    %dma_wait3A_1030 = arith.constant 0 : i32
    %dma_wait3A_1031 = tpu.memref_slice %dma_wait3A_1029[%dma_wait3A_1030] : memref<100000xf32, #tpu.memory_space<hbm>> -> memref<100000xf32, #tpu.memory_space<hbm>>
    tpu.wait_indirect_dma semaphore(%arg11 : memref<!tpu.dma_semaphore, #tpu.memory_space<semaphore_mem>>) src(%dma_wait3A_1031 : memref<100000xf32, #tpu.memory_space<hbm>>) dst(%dma_wait3A_1022 : memref<512xf32, #tpu.memory_space<vmem>>)
    %dma_wait3A_1032 = arith.constant 0 : i32
    %dma_wait3A_1033 = arith.constant 9728 : i32
    %dma_wait3A_1034 = tpu.memref_slice %arg7[%dma_wait3A_1033] : memref<13312xf32, #tpu.memory_space<vmem>> -> memref<512xf32, #tpu.memory_space<vmem>>
    %dma_wait3A_1035 = arith.constant 9728 : i32
    %dma_wait3A_1036 = tpu.memref_slice %arg6[%dma_wait3A_1035] : memref<13312xi32, #tpu.memory_space<vmem>> -> memref<512xi32, #tpu.memory_space<vmem>>
    %dma_wait3A_1037 = arith.constant 0 : i32
    %dma_wait3A_1038 = tpu.memref_slice %arg3[%dma_wait3A_1032, %dma_wait3A_1037] : memref<1x2600000xf32, #tpu.memory_space<hbm>> -> memref<1x2600000xf32, #tpu.memory_space<hbm>>
    %dma_wait3A_1039 = tpu.memref_squeeze %dma_wait3A_1038 : memref<1x2600000xf32, #tpu.memory_space<hbm>> -> memref<2600000xf32, #tpu.memory_space<hbm>>
    %dma_wait3A_1040 = arith.constant 1900000 : i32
    %dma_wait3A_1041 = tpu.memref_slice %dma_wait3A_1039[%dma_wait3A_1040] : memref<2600000xf32, #tpu.memory_space<hbm>> -> memref<100000xf32, #tpu.memory_space<hbm>>
    %dma_wait3A_1042 = arith.constant 0 : i32
    %dma_wait3A_1043 = tpu.memref_slice %dma_wait3A_1041[%dma_wait3A_1042] : memref<100000xf32, #tpu.memory_space<hbm>> -> memref<100000xf32, #tpu.memory_space<hbm>>
    tpu.wait_indirect_dma semaphore(%arg11 : memref<!tpu.dma_semaphore, #tpu.memory_space<semaphore_mem>>) src(%dma_wait3A_1043 : memref<100000xf32, #tpu.memory_space<hbm>>) dst(%dma_wait3A_1034 : memref<512xf32, #tpu.memory_space<vmem>>)
    %dma_wait3A_1044 = arith.constant 0 : i32
    %dma_wait3A_1045 = arith.constant 10240 : i32
    %dma_wait3A_1046 = tpu.memref_slice %arg7[%dma_wait3A_1045] : memref<13312xf32, #tpu.memory_space<vmem>> -> memref<512xf32, #tpu.memory_space<vmem>>
    %dma_wait3A_1047 = arith.constant 10240 : i32
    %dma_wait3A_1048 = tpu.memref_slice %arg6[%dma_wait3A_1047] : memref<13312xi32, #tpu.memory_space<vmem>> -> memref<512xi32, #tpu.memory_space<vmem>>
    %dma_wait3A_1049 = arith.constant 0 : i32
    %dma_wait3A_1050 = tpu.memref_slice %arg3[%dma_wait3A_1044, %dma_wait3A_1049] : memref<1x2600000xf32, #tpu.memory_space<hbm>> -> memref<1x2600000xf32, #tpu.memory_space<hbm>>
    %dma_wait3A_1051 = tpu.memref_squeeze %dma_wait3A_1050 : memref<1x2600000xf32, #tpu.memory_space<hbm>> -> memref<2600000xf32, #tpu.memory_space<hbm>>
    %dma_wait3A_1052 = arith.constant 2000000 : i32
    %dma_wait3A_1053 = tpu.memref_slice %dma_wait3A_1051[%dma_wait3A_1052] : memref<2600000xf32, #tpu.memory_space<hbm>> -> memref<100000xf32, #tpu.memory_space<hbm>>
    %dma_wait3A_1054 = arith.constant 0 : i32
    %dma_wait3A_1055 = tpu.memref_slice %dma_wait3A_1053[%dma_wait3A_1054] : memref<100000xf32, #tpu.memory_space<hbm>> -> memref<100000xf32, #tpu.memory_space<hbm>>
    tpu.wait_indirect_dma semaphore(%arg11 : memref<!tpu.dma_semaphore, #tpu.memory_space<semaphore_mem>>) src(%dma_wait3A_1055 : memref<100000xf32, #tpu.memory_space<hbm>>) dst(%dma_wait3A_1046 : memref<512xf32, #tpu.memory_space<vmem>>)
    %dma_wait3A_1056 = arith.constant 0 : i32
    %dma_wait3A_1057 = arith.constant 10752 : i32
    %dma_wait3A_1058 = tpu.memref_slice %arg7[%dma_wait3A_1057] : memref<13312xf32, #tpu.memory_space<vmem>> -> memref<512xf32, #tpu.memory_space<vmem>>
    %dma_wait3A_1059 = arith.constant 10752 : i32
    %dma_wait3A_1060 = tpu.memref_slice %arg6[%dma_wait3A_1059] : memref<13312xi32, #tpu.memory_space<vmem>> -> memref<512xi32, #tpu.memory_space<vmem>>
    %dma_wait3A_1061 = arith.constant 0 : i32
    %dma_wait3A_1062 = tpu.memref_slice %arg3[%dma_wait3A_1056, %dma_wait3A_1061] : memref<1x2600000xf32, #tpu.memory_space<hbm>> -> memref<1x2600000xf32, #tpu.memory_space<hbm>>
    %dma_wait3A_1063 = tpu.memref_squeeze %dma_wait3A_1062 : memref<1x2600000xf32, #tpu.memory_space<hbm>> -> memref<2600000xf32, #tpu.memory_space<hbm>>
    %dma_wait3A_1064 = arith.constant 2100000 : i32
    %dma_wait3A_1065 = tpu.memref_slice %dma_wait3A_1063[%dma_wait3A_1064] : memref<2600000xf32, #tpu.memory_space<hbm>> -> memref<100000xf32, #tpu.memory_space<hbm>>
    %dma_wait3A_1066 = arith.constant 0 : i32
    %dma_wait3A_1067 = tpu.memref_slice %dma_wait3A_1065[%dma_wait3A_1066] : memref<100000xf32, #tpu.memory_space<hbm>> -> memref<100000xf32, #tpu.memory_space<hbm>>
    tpu.wait_indirect_dma semaphore(%arg11 : memref<!tpu.dma_semaphore, #tpu.memory_space<semaphore_mem>>) src(%dma_wait3A_1067 : memref<100000xf32, #tpu.memory_space<hbm>>) dst(%dma_wait3A_1058 : memref<512xf32, #tpu.memory_space<vmem>>)
    %dma_wait3A_1068 = arith.constant 0 : i32
    %dma_wait3A_1069 = arith.constant 11264 : i32
    %dma_wait3A_1070 = tpu.memref_slice %arg7[%dma_wait3A_1069] : memref<13312xf32, #tpu.memory_space<vmem>> -> memref<512xf32, #tpu.memory_space<vmem>>
    %dma_wait3A_1071 = arith.constant 11264 : i32
    %dma_wait3A_1072 = tpu.memref_slice %arg6[%dma_wait3A_1071] : memref<13312xi32, #tpu.memory_space<vmem>> -> memref<512xi32, #tpu.memory_space<vmem>>
    %dma_wait3A_1073 = arith.constant 0 : i32
    %dma_wait3A_1074 = tpu.memref_slice %arg3[%dma_wait3A_1068, %dma_wait3A_1073] : memref<1x2600000xf32, #tpu.memory_space<hbm>> -> memref<1x2600000xf32, #tpu.memory_space<hbm>>
    %dma_wait3A_1075 = tpu.memref_squeeze %dma_wait3A_1074 : memref<1x2600000xf32, #tpu.memory_space<hbm>> -> memref<2600000xf32, #tpu.memory_space<hbm>>
    %dma_wait3A_1076 = arith.constant 2200000 : i32
    %dma_wait3A_1077 = tpu.memref_slice %dma_wait3A_1075[%dma_wait3A_1076] : memref<2600000xf32, #tpu.memory_space<hbm>> -> memref<100000xf32, #tpu.memory_space<hbm>>
    %dma_wait3A_1078 = arith.constant 0 : i32
    %dma_wait3A_1079 = tpu.memref_slice %dma_wait3A_1077[%dma_wait3A_1078] : memref<100000xf32, #tpu.memory_space<hbm>> -> memref<100000xf32, #tpu.memory_space<hbm>>
    tpu.wait_indirect_dma semaphore(%arg11 : memref<!tpu.dma_semaphore, #tpu.memory_space<semaphore_mem>>) src(%dma_wait3A_1079 : memref<100000xf32, #tpu.memory_space<hbm>>) dst(%dma_wait3A_1070 : memref<512xf32, #tpu.memory_space<vmem>>)
    %dma_wait3A_1080 = arith.constant 0 : i32
    %dma_wait3A_1081 = arith.constant 11776 : i32
    %dma_wait3A_1082 = tpu.memref_slice %arg7[%dma_wait3A_1081] : memref<13312xf32, #tpu.memory_space<vmem>> -> memref<512xf32, #tpu.memory_space<vmem>>
    %dma_wait3A_1083 = arith.constant 11776 : i32
    %dma_wait3A_1084 = tpu.memref_slice %arg6[%dma_wait3A_1083] : memref<13312xi32, #tpu.memory_space<vmem>> -> memref<512xi32, #tpu.memory_space<vmem>>
    %dma_wait3A_1085 = arith.constant 0 : i32
    %dma_wait3A_1086 = tpu.memref_slice %arg3[%dma_wait3A_1080, %dma_wait3A_1085] : memref<1x2600000xf32, #tpu.memory_space<hbm>> -> memref<1x2600000xf32, #tpu.memory_space<hbm>>
    %dma_wait3A_1087 = tpu.memref_squeeze %dma_wait3A_1086 : memref<1x2600000xf32, #tpu.memory_space<hbm>> -> memref<2600000xf32, #tpu.memory_space<hbm>>
    %dma_wait3A_1088 = arith.constant 2300000 : i32
    %dma_wait3A_1089 = tpu.memref_slice %dma_wait3A_1087[%dma_wait3A_1088] : memref<2600000xf32, #tpu.memory_space<hbm>> -> memref<100000xf32, #tpu.memory_space<hbm>>
    %dma_wait3A_1090 = arith.constant 0 : i32
    %dma_wait3A_1091 = tpu.memref_slice %dma_wait3A_1089[%dma_wait3A_1090] : memref<100000xf32, #tpu.memory_space<hbm>> -> memref<100000xf32, #tpu.memory_space<hbm>>
    tpu.wait_indirect_dma semaphore(%arg11 : memref<!tpu.dma_semaphore, #tpu.memory_space<semaphore_mem>>) src(%dma_wait3A_1091 : memref<100000xf32, #tpu.memory_space<hbm>>) dst(%dma_wait3A_1082 : memref<512xf32, #tpu.memory_space<vmem>>)
    %dma_wait3A_1092 = arith.constant 0 : i32
    %dma_wait3A_1093 = arith.constant 12288 : i32
    %dma_wait3A_1094 = tpu.memref_slice %arg7[%dma_wait3A_1093] : memref<13312xf32, #tpu.memory_space<vmem>> -> memref<512xf32, #tpu.memory_space<vmem>>
    %dma_wait3A_1095 = arith.constant 12288 : i32
    %dma_wait3A_1096 = tpu.memref_slice %arg6[%dma_wait3A_1095] : memref<13312xi32, #tpu.memory_space<vmem>> -> memref<512xi32, #tpu.memory_space<vmem>>
    %dma_wait3A_1097 = arith.constant 0 : i32
    %dma_wait3A_1098 = tpu.memref_slice %arg3[%dma_wait3A_1092, %dma_wait3A_1097] : memref<1x2600000xf32, #tpu.memory_space<hbm>> -> memref<1x2600000xf32, #tpu.memory_space<hbm>>
    %dma_wait3A_1099 = tpu.memref_squeeze %dma_wait3A_1098 : memref<1x2600000xf32, #tpu.memory_space<hbm>> -> memref<2600000xf32, #tpu.memory_space<hbm>>
    %dma_wait3A_1100 = arith.constant 2400000 : i32
    %dma_wait3A_1101 = tpu.memref_slice %dma_wait3A_1099[%dma_wait3A_1100] : memref<2600000xf32, #tpu.memory_space<hbm>> -> memref<100000xf32, #tpu.memory_space<hbm>>
    %dma_wait3A_1102 = arith.constant 0 : i32
    %dma_wait3A_1103 = tpu.memref_slice %dma_wait3A_1101[%dma_wait3A_1102] : memref<100000xf32, #tpu.memory_space<hbm>> -> memref<100000xf32, #tpu.memory_space<hbm>>
    tpu.wait_indirect_dma semaphore(%arg11 : memref<!tpu.dma_semaphore, #tpu.memory_space<semaphore_mem>>) src(%dma_wait3A_1103 : memref<100000xf32, #tpu.memory_space<hbm>>) dst(%dma_wait3A_1094 : memref<512xf32, #tpu.memory_space<vmem>>)
    %dma_wait3A_1104 = arith.constant 0 : i32
    %dma_wait3A_1105 = arith.constant 12800 : i32
    %dma_wait3A_1106 = tpu.memref_slice %arg7[%dma_wait3A_1105] : memref<13312xf32, #tpu.memory_space<vmem>> -> memref<512xf32, #tpu.memory_space<vmem>>
    %dma_wait3A_1107 = arith.constant 12800 : i32
    %dma_wait3A_1108 = tpu.memref_slice %arg6[%dma_wait3A_1107] : memref<13312xi32, #tpu.memory_space<vmem>> -> memref<512xi32, #tpu.memory_space<vmem>>
    %dma_wait3A_1109 = arith.constant 0 : i32
    %dma_wait3A_1110 = tpu.memref_slice %arg3[%dma_wait3A_1104, %dma_wait3A_1109] : memref<1x2600000xf32, #tpu.memory_space<hbm>> -> memref<1x2600000xf32, #tpu.memory_space<hbm>>
    %dma_wait3A_1111 = tpu.memref_squeeze %dma_wait3A_1110 : memref<1x2600000xf32, #tpu.memory_space<hbm>> -> memref<2600000xf32, #tpu.memory_space<hbm>>
    %dma_wait3A_1112 = arith.constant 2500000 : i32
    %dma_wait3A_1113 = tpu.memref_slice %dma_wait3A_1111[%dma_wait3A_1112] : memref<2600000xf32, #tpu.memory_space<hbm>> -> memref<100000xf32, #tpu.memory_space<hbm>>
    %dma_wait3A_1114 = arith.constant 0 : i32
    %dma_wait3A_1115 = tpu.memref_slice %dma_wait3A_1113[%dma_wait3A_1114] : memref<100000xf32, #tpu.memory_space<hbm>> -> memref<100000xf32, #tpu.memory_space<hbm>>
    tpu.wait_indirect_dma semaphore(%arg11 : memref<!tpu.dma_semaphore, #tpu.memory_space<semaphore_mem>>) src(%dma_wait3A_1115 : memref<100000xf32, #tpu.memory_space<hbm>>) dst(%dma_wait3A_1106 : memref<512xf32, #tpu.memory_space<vmem>>)
    %scan3A_1116 = arith.constant 0 : i32
    %scan3A_1117 = arith.constant 0 : i32
    %scan3A_1118 = arith.constant 32 : i32
    %scan3A_1119 = arith.addi %scan3A_1117, %scan3A_1118 : i32
    %scan3A_1120 = arith.constant 1 : i32
    scf.for %scan3A_1122 = %scan3A_1117 to %scan3A_1119 step %scan3A_1120  : i32 {
      %mul3A_1123 = arith.constant 16 : i32
      %mul3A_1124 = arith.muli %scan3A_1122, %mul3A_1123 : i32
      %get3A_1125 = arith.index_cast %mul3A_1124 : i32 to index
      %get3A_1126 = tpu.vector_load %arg8[%get3A_1125] {strides = array<i32>} : memref<512xf32, #tpu.memory_space<vmem>>, vector<16xf32>,
      %get3A_1127 = vector.shape_cast %get3A_1126 : vector<16xf32> to vector<16xf32>
      %add3A_1128 = arith.constant 6656 : i32
      %add3A_1129 = arith.addi %add3A_1128, %mul3A_1124 : i32
      %get3A_1130 = arith.index_cast %add3A_1129 : i32 to index
      %get3A_1131 = tpu.vector_load %arg7[%get3A_1130] {strides = array<i32>} : memref<13312xf32, #tpu.memory_space<vmem>>, vector<16xf32>,
      %get3A_1132 = vector.shape_cast %get3A_1131 : vector<16xf32> to vector<16xf32>
      %add3A_1133 = arith.addf %get3A_1127, %get3A_1132 : vector<16xf32>
      %add3A_1134 = arith.constant 7168 : i32
      %add3A_1135 = arith.addi %add3A_1134, %mul3A_1124 : i32
      %get3A_1136 = arith.index_cast %add3A_1135 : i32 to index
      %get3A_1137 = tpu.vector_load %arg7[%get3A_1136] {strides = array<i32>} : memref<13312xf32, #tpu.memory_space<vmem>>, vector<16xf32>,
      %get3A_1138 = vector.shape_cast %get3A_1137 : vector<16xf32> to vector<16xf32>
      %add3A_1139 = arith.addf %add3A_1133, %get3A_1138 : vector<16xf32>
      %add3A_1140 = arith.constant 7680 : i32
      %add3A_1141 = arith.addi %add3A_1140, %mul3A_1124 : i32
      %get3A_1142 = arith.index_cast %add3A_1141 : i32 to index
      %get3A_1143 = tpu.vector_load %arg7[%get3A_1142] {strides = array<i32>} : memref<13312xf32, #tpu.memory_space<vmem>>, vector<16xf32>,
      %get3A_1144 = vector.shape_cast %get3A_1143 : vector<16xf32> to vector<16xf32>
      %add3A_1145 = arith.addf %add3A_1139, %get3A_1144 : vector<16xf32>
      %add3A_1146 = arith.constant 8192 : i32
      %add3A_1147 = arith.addi %add3A_1146, %mul3A_1124 : i32
      %get3A_1148 = arith.index_cast %add3A_1147 : i32 to index
      %get3A_1149 = tpu.vector_load %arg7[%get3A_1148] {strides = array<i32>} : memref<13312xf32, #tpu.memory_space<vmem>>, vector<16xf32>,
      %get3A_1150 = vector.shape_cast %get3A_1149 : vector<16xf32> to vector<16xf32>
      %add3A_1151 = arith.addf %add3A_1145, %get3A_1150 : vector<16xf32>
      %add3A_1152 = arith.constant 8704 : i32
      %add3A_1153 = arith.addi %add3A_1152, %mul3A_1124 : i32
      %get3A_1154 = arith.index_cast %add3A_1153 : i32 to index
      %get3A_1155 = tpu.vector_load %arg7[%get3A_1154] {strides = array<i32>} : memref<13312xf32, #tpu.memory_space<vmem>>, vector<16xf32>,
      %get3A_1156 = vector.shape_cast %get3A_1155 : vector<16xf32> to vector<16xf32>
      %add3A_1157 = arith.addf %add3A_1151, %get3A_1156 : vector<16xf32>
      %add3A_1158 = arith.constant 9216 : i32
      %add3A_1159 = arith.addi %add3A_1158, %mul3A_1124 : i32
      %get3A_1160 = arith.index_cast %add3A_1159 : i32 to index
      %get3A_1161 = tpu.vector_load %arg7[%get3A_1160] {strides = array<i32>} : memref<13312xf32, #tpu.memory_space<vmem>>, vector<16xf32>,
      %get3A_1162 = vector.shape_cast %get3A_1161 : vector<16xf32> to vector<16xf32>
      %add3A_1163 = arith.addf %add3A_1157, %get3A_1162 : vector<16xf32>
      %add3A_1164 = arith.constant 9728 : i32
      %add3A_1165 = arith.addi %add3A_1164, %mul3A_1124 : i32
      %get3A_1166 = arith.index_cast %add3A_1165 : i32 to index
      %get3A_1167 = tpu.vector_load %arg7[%get3A_1166] {strides = array<i32>} : memref<13312xf32, #tpu.memory_space<vmem>>, vector<16xf32>,
      %get3A_1168 = vector.shape_cast %get3A_1167 : vector<16xf32> to vector<16xf32>
      %add3A_1169 = arith.addf %add3A_1163, %get3A_1168 : vector<16xf32>
      %add3A_1170 = arith.constant 10240 : i32
      %add3A_1171 = arith.addi %add3A_1170, %mul3A_1124 : i32
      %get3A_1172 = arith.index_cast %add3A_1171 : i32 to index
      %get3A_1173 = tpu.vector_load %arg7[%get3A_1172] {strides = array<i32>} : memref<13312xf32, #tpu.memory_space<vmem>>, vector<16xf32>,
      %get3A_1174 = vector.shape_cast %get3A_1173 : vector<16xf32> to vector<16xf32>
      %add3A_1175 = arith.addf %add3A_1169, %get3A_1174 : vector<16xf32>
      %add3A_1176 = arith.constant 10752 : i32
      %add3A_1177 = arith.addi %add3A_1176, %mul3A_1124 : i32
      %get3A_1178 = arith.index_cast %add3A_1177 : i32 to index
      %get3A_1179 = tpu.vector_load %arg7[%get3A_1178] {strides = array<i32>} : memref<13312xf32, #tpu.memory_space<vmem>>, vector<16xf32>,
      %get3A_1180 = vector.shape_cast %get3A_1179 : vector<16xf32> to vector<16xf32>
      %add3A_1181 = arith.addf %add3A_1175, %get3A_1180 : vector<16xf32>
      %add3A_1182 = arith.constant 11264 : i32
      %add3A_1183 = arith.addi %add3A_1182, %mul3A_1124 : i32
      %get3A_1184 = arith.index_cast %add3A_1183 : i32 to index
      %get3A_1185 = tpu.vector_load %arg7[%get3A_1184] {strides = array<i32>} : memref<13312xf32, #tpu.memory_space<vmem>>, vector<16xf32>,
      %get3A_1186 = vector.shape_cast %get3A_1185 : vector<16xf32> to vector<16xf32>
      %add3A_1187 = arith.addf %add3A_1181, %get3A_1186 : vector<16xf32>
      %add3A_1188 = arith.constant 11776 : i32
      %add3A_1189 = arith.addi %add3A_1188, %mul3A_1124 : i32
      %get3A_1190 = arith.index_cast %add3A_1189 : i32 to index
      %get3A_1191 = tpu.vector_load %arg7[%get3A_1190] {strides = array<i32>} : memref<13312xf32, #tpu.memory_space<vmem>>, vector<16xf32>,
      %get3A_1192 = vector.shape_cast %get3A_1191 : vector<16xf32> to vector<16xf32>
      %add3A_1193 = arith.addf %add3A_1187, %get3A_1192 : vector<16xf32>
      %add3A_1194 = arith.constant 12288 : i32
      %add3A_1195 = arith.addi %add3A_1194, %mul3A_1124 : i32
      %get3A_1196 = arith.index_cast %add3A_1195 : i32 to index
      %get3A_1197 = tpu.vector_load %arg7[%get3A_1196] {strides = array<i32>} : memref<13312xf32, #tpu.memory_space<vmem>>, vector<16xf32>,
      %get3A_1198 = vector.shape_cast %get3A_1197 : vector<16xf32> to vector<16xf32>
      %add3A_1199 = arith.addf %add3A_1193, %get3A_1198 : vector<16xf32>
      %add3A_1200 = arith.constant 12800 : i32
      %add3A_1201 = arith.addi %add3A_1200, %mul3A_1124 : i32
      %get3A_1202 = arith.index_cast %add3A_1201 : i32 to index
      %get3A_1203 = tpu.vector_load %arg7[%get3A_1202] {strides = array<i32>} : memref<13312xf32, #tpu.memory_space<vmem>>, vector<16xf32>,
      %get3A_1204 = vector.shape_cast %get3A_1203 : vector<16xf32> to vector<16xf32>
      %add3A_1205 = arith.addf %add3A_1199, %get3A_1204 : vector<16xf32>
      %swap3A = arith.index_cast %mul3A_1124 : i32 to index
      %swap3A_1206 = tpu.vector_load %arg8[%swap3A] {strides = array<i32>} : memref<512xf32, #tpu.memory_space<vmem>>, vector<16xf32>,
      %swap3A_1207 = vector.shape_cast %swap3A_1206 : vector<16xf32> to vector<16xf32>
      %swap3A_1208 = vector.shape_cast %add3A_1205 : vector<16xf32> to vector<16xf32>
      tpu.vector_store %arg8[%swap3A], %swap3A_1208 {strides = array<i32>} : memref<512xf32, #tpu.memory_space<vmem>>, vector<16xf32>,
    }
    %scan3A_1121 = arith.constant 32 : i32
    %run_scoped3A = arith.constant 0 : i32
    "tpu.region"() ({
      %run_scoped3A_1122 = tpu.sem_alloc : memref<!tpu.dma_semaphore, #tpu.memory_space<semaphore_mem>>
      %dma_start3A_1123 = tpu.memref_slice %arg5[%run_scoped3A, %mul3A_2] : memref<1x16384xf32, #tpu.memory_space<hbm>> -> memref<1x512xf32, #tpu.memory_space<hbm>>
      %dma_start3A_1124 = tpu.memref_squeeze %dma_start3A_1123 : memref<1x512xf32, #tpu.memory_space<hbm>> -> memref<512xf32, #tpu.memory_space<hbm>>
      %dma_start3A_1125 = tpu.memref_slice %arg5[%run_scoped3A, %mul3A_2] : memref<1x16384xf32, #tpu.memory_space<hbm>> -> memref<1x512xf32, #tpu.memory_space<hbm>>
      %dma_start3A_1126 = tpu.memref_squeeze %dma_start3A_1125 : memref<1x512xf32, #tpu.memory_space<hbm>> -> memref<512xf32, #tpu.memory_space<hbm>>
      tpu.enqueue_dma source(%arg8 : memref<512xf32, #tpu.memory_space<vmem>>) target(%dma_start3A_1126 : memref<512xf32, #tpu.memory_space<hbm>>) target_semaphore(%run_scoped3A_1122 : memref<!tpu.dma_semaphore, #tpu.memory_space<semaphore_mem>>)
      %dma_wait3A_1127 = tpu.memref_slice %arg5[%run_scoped3A, %mul3A_2] : memref<1x16384xf32, #tpu.memory_space<hbm>> -> memref<1x512xf32, #tpu.memory_space<hbm>>
      %dma_wait3A_1128 = tpu.memref_squeeze %dma_wait3A_1127 : memref<1x512xf32, #tpu.memory_space<hbm>> -> memref<512xf32, #tpu.memory_space<hbm>>
      %dma_wait3A_1129 = tpu.memref_slice %arg5[%run_scoped3A, %mul3A_2] : memref<1x16384xf32, #tpu.memory_space<hbm>> -> memref<1x512xf32, #tpu.memory_space<hbm>>
      %dma_wait3A_1130 = tpu.memref_squeeze %dma_wait3A_1129 : memref<1x512xf32, #tpu.memory_space<hbm>> -> memref<512xf32, #tpu.memory_space<hbm>>
      tpu.wait_dma2 semaphore(%run_scoped3A_1122 : memref<!tpu.dma_semaphore, #tpu.memory_space<semaphore_mem>>) src(%arg8 : memref<512xf32, #tpu.memory_space<vmem>>) dst(%dma_wait3A_1130 : memref<512xf32, #tpu.memory_space<hbm>>)
      tpu.yield
    }) : () -> ()
    return
  }
}

</mosaic_0001>

<sc_bundles>
// kernel: kernel.3.cloned.1.call-start
scs
__scs_entry_jumppad:
0x0: {  	(pc) =	sbr.rel $0x88, $3  }
0x1: {  	(tag) =	ssettag $0x0;
	lr =	simm.s32 $0x1  }
0x2: {  	[smem:$0x3F9E] =	sst lr;
	_ =	strace $0xD0000000  }
0x3: {  	_ = 	snop  }
0x4: {  	_ = 	snop  }
0x5: {  	_ = 	snop  }
0x6: {  	_ = 	snop  }
0x7: {  	_ = 	snop  }
__scs_overlays_trampoline_lowered:
0x8: {  	[smem:$0x3FAD] =	sst s0  }
0x9: {  	[smem:$0x3FAE] =	sst s1  }
0xa: {  	[smem:$0x3FAF] =	sst s2  }
0xb: {  	[smem:$0x3FB0] =	sst s3  }
0xc: {  	[smem:$0x3FB1] =	sst s4  }
0xd: {  	[smem:$0x3FB2] =	sst s5  }
0xe: {  	[smem:$0x3FB3] =	sst s6  }
0xf: {  	[smem:$0x3FB4] =	sst s7  }
0x10: {  	[smem:$0x3FB5] =	sst s8  }
0x11: {  	[smem:$0x3FB6] =	sst s9;
	s0 =	simm.s32 @!p0 $0x0  }
0x12: {  	s1 =	sld [smem:$0x3F9C];
	s0 =	simm.s32 @p0 $0x1  }
0x13: {  	[smem:$0x3FB7] =	sst s0;
	s0 =	simm.s32 @!p1 $0x0  }
0x14: {  	s2 =	sld [smem:$0x3F9B];
	s0 =	simm.s32 @p1 $0x1  }
0x15: {  	[smem:$0x3FB8] =	sst s0;
	s0 =	simm.s32 @!p2 $0x0  }
0x16: {  	s3 =	sld [smem:$0x3FDB];
	s0 =	simm.s32 @p2 $0x1  }
0x17: {  	s4 =	simm.s32 $0x1BF5;
	[smem:$0x3FBA] =	sst s0  }
0x18: {  	s0 =	sld [smem:$0x3F9D];
	_ =	swait.ge [sflag:s4], $0x0  }
0x19: {  	s7 =	sld [smem:$0x3F9E]  }
0x1a: {  	s8 =	sadd.s32 $0xFFFFE003, lr  }
0x1b: {  	s9 =	sadd.s32 $0xFFFFFEF7, lr;
	s5 =	simm.s32 $0xFFFFFFFF;
	p2 =	slt.u32 s8, $0xFFFFF086  }
0x1c: {  	p1 =	slt.u32 s9, $0xF7A;
	s5 =	simm.s32 @!p2 $0x0  }
0x1d: {  	s5 =	simm.s32 @p1 $0x1;
	p0 =	seq.s32 s7, s2  }
0x1e: {  	s7 =	smul.u32 @!p0 $0xF7A, s2;
	p2 =	seq.s32 @!p0 s5, $0x0  }
0x1f: {  	s9 =	smul.u32 $0xF7A, s1;
	s8 =	simm.s32 @!p0 $0x1BF5;
	p2 =	por !p2, p0  }
0x20: {  	[sflag:s8] =	ssyncset.s32 @!p0 $0xFFFFF086;
	s6 =	sadd.s32 @!p0 s3, s7;
	s7 =	simm.s32 @!p0 $0x108  }
0x21: {  	s3 =	sadd.s32 s3, s9;
	s6 =	sadd.s32 @!p0 $0x88, s6;
	s7 =	simm.s32 @p2 $0x1082  }
0x22: {  	[simem:s7], [sflag:s8] =	dma.local @!p0 [hbm:s6], $0xF7A  }
0x23: {  	s9 =	sor.u32 $0xD0000000, s2;
	s6 =	simm.s32 $0x108;
	_ =	swait.ge @!p0 [sflag:s8], $0x0  }
0x24: {  	s3 =	sadd.s32 $0x88, s3;
	s6 =	simm.s32 @!p1 $0x1082;
	[sflag:s4] =	ssyncset.s32 $0xFFFFF086  }
0x25: {  	[simem:s6], [sflag:s4] =	dma.local [hbm:s3], $0xF7A  }
0x26: {  	[smem:$0x3F9E] =	sst s1;
	(tag) =	ssettag s2;
	_ =	strace s9  }
0x27: {  	s1 =	sld [smem:$0x3FAE]  }
0x28: {  	s2 =	sld [smem:$0x3FAF]  }
0x29: {  	s4 =	sld [smem:$0x3FB1]  }
0x2a: {  	p0 =	seq.s32 s5, $0x0;
	s5 =	sld [smem:$0x3FB2]  }
0x2b: {  	s6 =	sld [smem:$0x3FB3]  }
0x2c: {  	s7 =	sld [smem:$0x3FB4]  }
0x2d: {  	s3 =	simm.s32 $0x108;
	s8 =	sld [smem:$0x3FB5]  }
0x2e: {  	s3 =	simm.s32 @!p0 $0x1082;
	s9 =	sld [smem:$0x3FB6]  }
0x2f: {  	lr =	sadd.s32 s0, s3;
	s0 =	sld [smem:$0x3FAD]  }
0x30: {  	s3 =	sld [smem:$0x3FB0]  }
0x31: {  	[smem:$0x3FB9] =	sst s10  }
0x32: {  	s10 =	sld [smem:$0x3FB7];
	_ =	sdelay $0x3  }
0x33: {  	p0 =	seq.s32 s10, $0x1;
	s10 =	sld [smem:$0x3FB9];
	_ =	sdelay $0x3  }
0x34: {  	[smem:$0x3FB9] =	sst s10  }
0x35: {  	s10 =	sld [smem:$0x3FB8];
	_ =	sdelay $0x3  }
0x36: {  	p1 =	seq.s32 s10, $0x1;
	s10 =	sld [smem:$0x3FB9];
	_ =	sdelay $0x3  }
0x37: {  	[smem:$0x3FB9] =	sst s10  }
0x38: {  	s10 =	sld [smem:$0x3FBA]  }
0x39: {  	_ = 	snop;
	(pc) =	sbr.ind lr, $3  }
0x3a: {  	_ = 	snop  }
0x3b: {  	_ = 	snop  }
0x3c: {  	p2 =	seq.s32 s10, $0x1;
	s10 =	sld [smem:$0x3FB9]  }
0x3d: {  	_ =	shalt  }
0x3e: {  	_ =	shalt  }
0x3f: {  	_ =	shalt  }
0x40: {  	_ =	shalt  }
0x41: {  	_ =	shalt  }
0x42: {  	_ =	shalt  }
0x43: {  	_ =	shalt  }
0x44: {  	_ =	shalt  }
0x45: {  	_ =	shalt  }
0x46: {  	_ =	shalt  }
0x47: {  	_ =	shalt  }
0x48: {  	_ =	shalt  }
0x49: {  	_ =	shalt  }
0x4a: {  	_ =	shalt  }
0x4b: {  	_ =	shalt  }
0x4c: {  	_ =	shalt  }
0x4d: {  	_ =	shalt  }
0x4e: {  	_ =	shalt  }
0x4f: {  	_ =	shalt  }
0x50: {  	_ =	shalt  }
0x51: {  	_ =	shalt  }
0x52: {  	_ =	shalt  }
0x53: {  	_ =	shalt  }
0x54: {  	_ =	shalt  }
0x55: {  	_ =	shalt  }
0x56: {  	_ =	shalt  }
0x57: {  	_ =	shalt  }
0x58: {  	_ =	shalt  }
0x59: {  	_ =	shalt  }
0x5a: {  	_ =	shalt  }
0x5b: {  	_ =	shalt  }
0x5c: {  	_ =	shalt  }
0x5d: {  	_ =	shalt  }
0x5e: {  	_ =	shalt  }
0x5f: {  	_ =	shalt  }
0x60: {  	_ =	shalt  }
0x61: {  	_ =	shalt  }
0x62: {  	_ =	shalt  }
0x63: {  	_ =	shalt  }
0x64: {  	_ =	shalt  }
0x65: {  	_ =	shalt  }
0x66: {  	_ =	shalt  }
0x67: {  	_ =	shalt  }
0x68: {  	_ =	shalt  }
0x69: {  	_ =	shalt  }
0x6a: {  	_ =	shalt  }
0x6b: {  	_ =	shalt  }
0x6c: {  	_ =	shalt  }
0x6d: {  	_ =	shalt  }
0x6e: {  	_ =	shalt  }
0x6f: {  	_ =	shalt  }
0x70: {  	_ =	shalt  }
0x71: {  	_ =	shalt  }
0x72: {  	_ =	shalt  }
0x73: {  	_ =	shalt  }
0x74: {  	_ =	shalt  }
0x75: {  	_ =	shalt  }
0x76: {  	_ =	shalt  }
0x77: {  	_ =	shalt  }
0x78: {  	_ =	shalt  }
0x79: {  	_ =	shalt  }
0x7a: {  	_ =	shalt  }
0x7b: {  	_ =	shalt  }
0x7c: {  	_ =	shalt  }
0x7d: {  	_ =	shalt  }
0x7e: {  	_ =	shalt  }
0x7f: {  	_ =	shalt  }
0x80: {  	_ =	shalt  }
0x81: {  	_ =	shalt  }
0x82: {  	_ =	shalt  }
0x83: {  	_ =	shalt  }
0x84: {  	_ =	shalt  }
0x85: {  	_ =	shalt  }
0x86: {  	_ =	shalt  }
0x87: {  	_ =	shalt  }
.Lfunc_end0:
.L_simem_size_0:
called_computation_lowered:
.L_overlay_start_0:
0x88: {  	s2 =	sld [smem:$0x3FD9]  }
0x89: {  	s3 =	sld [smem:$0x3FFE];
	_ =	sdelay $0x1  }
0x8a: {  	s1 =	srdreg.scid  }
0x8b: {  	s0 =	sand.u32 $0x1, s1  }
0x8c: {  	s18 =	sshll.u32 s0, $0xA;
	s2 =	sadd.s32 s3, s2  }
0x8d: {  	s2 =	sadd.s32 s2, s18  }
0x8e: {  	[smem:$0x3FC5] =	sst s2  }
0x8f: {  	_ = 	snop  }
0x90: {  	s2 =	sld [smem:$0x3FC9]  }
0x91: {  	s19 =	sld [smem:$0x3FC8]  }
0x92: {  	s4 =	sld [smem:$0x3FC7]  }
0x93: {  	s5 =	sld [smem:$0x3FD0];
	(tm) =	ssettm $0x1  }
0x94: {  	s6 =	sld [smem:$0x3FFB];
	_ =	sdelay $0x3  }
0x95: {  	_ =	strace s6  }
0x96: {  	s6 =	sld [smem:$0x3FFC];
	_ =	sdelay $0x3  }
0x97: {  	_ =	strace s6  }
0x98: {  	s6 =	sld [smem:$0x3FFD];
	_ =	sdelay $0x3  }
0x99: {  	_ =	strace s6  }
0x9a: {  	_ =	strace $0x8FFFFFFF  }
0x9b: {  	s20 =	sld [smem:$0x3FDB];
	_ =	sdelay $0x1  }
0x9c: {  	s7 =	simm.s32 $_scs_section_size  }
0x9d: {  	s8 =	simm.s32 $_size__tile_overlayer_lowered;
	s9 =	simm.s32 $_tile_overlayer_lowered  }
0x9e: {  	s23 =	simm.s32 $0x1BFF;
	s22 =	sshll.u32 s9, $0x1;
	s6 =	sadd.s32 s7, s20  }
0x9f: {  	s10 =	simm.s32 $0x0;
	s21 =	sshll.u32 s8, $0x1;
	s8 =	sadd.s32 s22, s6  }
0xa0: {  	[timem:s10], [sflag:s23] =	dma.local [hbm:s8], s21  }
0xa1: {  	_ =	swait.ge [sflag:s23], s21  }
0xa2: {  	s7 =	ssub.s32 $0x0, s21;
	[sflag:s23] =	ssyncset.done $0x0  }
0xa3: {  	[sflag:s23] =	ssyncadd.s32 s7;
	_ =	sdelay $0x1  }
0xa4: {  	s24 =	simm.s32 $0x1B8B  }
0xa5: {  	_ =	swait.ge [sflag:s24], $0x1  }
0xa6: {  	[sflag:s24] =	ssyncset.done $0x0  }
0xa7: {  	s25 =	simm.s32 $0x1B8E;
	[sflag:s24] =	ssyncadd.s32 $0xFFFFFFFF  }
0xa8: {  	s26 =	simm.s32 $execute0_lowered;
	[smem:$0x3FD2] =	sst s25  }
0xa9: {  	s7 =	sshll.u32 s26, $0x1;
	_ =	strace $0x80000046;
	[dreg:$0x1] =	wrdreg $0xFFFFFFFF  }
0xaa: {  	s28 =	simm.s32 $_size_execute0_lowered;
	s6 =	sadd.s32 s6, s7;
	[dreg:$0x0] =	wrdreg $0x0  }
0xab: {  	s7 =	sshll.u32 s28, $0x1;
	[dreg:$0x2] =	wrdreg s6  }
0xac: {  	[dreg:$0x3] =	wrdreg s7  }
0xad: {  	[dreg:$0x4] =	wrdreg $0xC0  }
0xae: {  	_ =	task [dreg:s10], $0x5FFFF  }
0xaf: {  	[dreg:$0x1] =	wrdreg $0xFFFFFFFF  }
0xb0: {  	[dreg:$0x0] =	wrdreg $0x60  }
0xb1: {  	[dreg:$0x2] =	wrdreg s2  }
0xb2: {  	[dreg:$0x3] =	wrdreg s19  }
0xb3: {  	[dreg:$0x4] =	wrdreg s4  }
0xb4: {  	[dreg:$0x5] =	wrdreg s5  }
0xb5: {  	[dreg:$0x6] =	wrdreg $0x9  }
0xb6: {  	_ =	task.clear_ibuf [dreg:s10], $0x7FFFF;
	_ =	strace $0x90000046  }
0xb7: {  	s29 =	simm.s32 $0x9;
	_ =	strace $0x80000048  }
0xb8: {  	_ =	swait.ge [sflag:s29], $0x1  }
0xb9: {  	[sflag:s29] =	ssyncadd.s32 $0xFFFFFFFF  }
0xba: {  	_ =	strace $0x90000048  }
0xbb: {  	_ =	sfence  }
0xbc: {  	s30 =	sld [smem:$0x0];
	_ =	sdelay $0x2  }
0xbd: {  	s31 =	sshll.u32 s1, $0xD;
	s1 =	sshrl.u32 s1, $0x2  }
0xbe: {  	s3 =	sand.u32 $0x4000, s31;
	s1 =	sadd.s32 s1, s30  }
0xbf: {  	s0 =	sor.u32 s3, s0;
	s1 =	sshll.u32 s1, $0x11  }
0xc0: {  	s0 =	sor.u32 s1, s0  }
0xc1: {  	s0 =	sadd.s32 $0x8F2B, s0  }
0xc2: {  	[sflag:s0] =	ssyncadd.remote.s32 $0x1  }
0xc3: {  	_ =	sfence.sel $0xFFFF  }
0xc4: {  	[dreg:$0x0] =	wrdreg $0xFFFFFFFF;
	(pc) =	sbr.abs _section_cstart, $3  }
0xc5: {  	[dreg:$0x1] =	wrdreg $0xFFFFFFFF  }
0xc6: {  	_ =	task.clear_ibuf [dreg:s10], $0x2FFFF;
	_ =	strace $0x9FFFFFFF  }
0xc7: {  	(tm) =	ssettm $0x7FFFFFFF  }
tec
execute0_lowered:
.L_overlay_start_1:
0x0: {  	(tag) =	ssettag $0x1  }
0x1: {  	s0 =	rddreg [dreg:$0x0]  }
0x2: {  	s7 =	rddreg [dreg:$0x1];
	s2 =	srdreg.scid  }
0x3: {  	s1 =	rddreg [dreg:$0x3];
	s3 =	stileid.u32;
	s2 =	sand.u32 $0x1, s2  }
0x4: {  	s10 =	simm.s32 $0x0;
	s3 =	sshll.u32 s3, $0xA;
	s5 =	sshll.u32 s2, $0x9  }
0x5: {  	[smem:$0x7FF] =	sst s10;
	s2 =	ssub.s32 $0x2, s2;
	s3 =	sor.u32 s5, s3  }
0x6: {  	_ =	strace $0x80000047;
	s6 =	sshrl.u32 s2, $0x1;
	s5 =	sadd.s32 s0, s3  }
0x7: {  	s25 =	ssub.s32 s2, s6;
	s2 =	sadd.s32 $0x30D4, s7;
	[smem:$0x7E4] =	sst s5  }
0x8: {  	s20 =	sshrl.u32 s3, $0x3;
	s3 =	sadd.s32 $0x61A8, s7;
	[smem:$0x7E5] =	sst s2  }
0x9: {  	s26 =	sadd.s32 $0x10, s5;
	[smem:$0x7E6] =	sst s3  }
0xa: {  	s28 =	sadd.s32 $0x20, s5;
	[dreg:$0x5] =	wrdreg s26  }
0xb: {  	s29 =	sadd.s32 $0x30, s5;
	[dreg:$0x6] =	wrdreg s28  }
0xc: {  	s4 =	sadd.s32 $0x40, s5;
	[dreg:$0x7] =	wrdreg s29  }
0xd: {  	s6 =	sadd.s32 $0x50, s5;
	[dreg:$0x8] =	wrdreg s4  }
0xe: {  	s8 =	sadd.s32 $0x60, s5;
	[dreg:$0x9] =	wrdreg s6  }
0xf: {  	s9 =	sadd.s32 $0x70, s5;
	[dreg:$0xa] =	wrdreg s8  }
0x10: {  	s11 =	sadd.s32 $0x4000, s5;
	[dreg:$0xb] =	wrdreg s9  }
0x11: {  	s12 =	sadd.s32 $0x4010, s5;
	[dreg:$0xc] =	wrdreg s11  }
0x12: {  	s13 =	sadd.s32 $0x4020, s5;
	[dreg:$0xd] =	wrdreg s12  }
0x13: {  	s14 =	sadd.s32 $0x4030, s5;
	[dreg:$0xe] =	wrdreg s13  }
0x14: {  	s15 =	sadd.s32 $0x4040, s5;
	[dreg:$0xf] =	wrdreg s14  }
0x15: {  	s16 =	sadd.s32 $0x4050, s5;
	[dreg:$0x10] =	wrdreg s15  }
0x16: {  	s17 =	sadd.s32 $0x4060, s5;
	[dreg:$0x11] =	wrdreg s16  }
0x17: {  	s18 =	sadd.s32 $0x4070, s5;
	[dreg:$0x12] =	wrdreg s17  }
0x18: {  	s19 =	sadd.s32 $0x8000, s5;
	[dreg:$0x13] =	wrdreg s18  }
0x19: {  	s21 =	sadd.s32 $0x8010, s5;
	[dreg:$0x14] =	wrdreg s19  }
0x1a: {  	s1 =	sadd.s32 s1, s20;
	[dreg:$0x15] =	wrdreg s21  }
0x1b: {  	s22 =	sadd.s32 $0x8020, s5;
	[dreg:$0x16] =	wrdreg s1  }
0x1c: {  	s0 =	smax.u32 s25, $0x1;
	[dreg:$0x17] =	wrdreg s22  }
0x1d: {  	s23 =	sadd.s32 $0x8030, s5;
	[dreg:$0x18] =	wrdreg s0  }
0x1e: {  	s24 =	sadd.s32 $0x8040, s5;
	[dreg:$0x19] =	wrdreg s23  }
0x1f: {  	s25 =	sadd.s32 $0x8050, s5;
	[dreg:$0x1a] =	wrdreg s24  }
0x20: {  	s20 =	sadd.s32 $0x33E14, s7;
	[dreg:$0x1b] =	wrdreg s25  }
0x21: {  	s26 =	sadd.s32 $0x8060, s5;
	[smem:$0x7F5] =	sst s20  }
0x22: {  	s28 =	sadd.s32 $0x8070, s5;
	[dreg:$0x1c] =	wrdreg s26  }
0x23: {  	s29 =	sadd.s32 $0xC000, s5;
	[dreg:$0x1d] =	wrdreg s28  }
0x24: {  	s1 =	sadd.s32 $0xC010, s5;
	[dreg:$0x1e] =	wrdreg s29  }
0x25: {  	s4 =	sadd.s32 $0x927C, s7;
	[dreg:$0x1f] =	wrdreg s1  }
0x26: {  	s5 =	sadd.s32 $0xC350, s7;
	[smem:$0x7E7] =	sst s4  }
0x27: {  	s6 =	sadd.s32 $0xF424, s7;
	[smem:$0x7E8] =	sst s5  }
0x28: {  	s8 =	sadd.s32 $0x124F8, s7;
	[smem:$0x7E9] =	sst s6  }
0x29: {  	s9 =	sadd.s32 $0x155CC, s7;
	[smem:$0x7EA] =	sst s8  }
0x2a: {  	s11 =	sadd.s32 $0x186A0, s7;
	[smem:$0x7EB] =	sst s9  }
0x2b: {  	s12 =	sadd.s32 $0x1B774, s7;
	[smem:$0x7EC] =	sst s11  }
0x2c: {  	s13 =	sadd.s32 $0x1E848, s7;
	[smem:$0x7ED] =	sst s12  }
0x2d: {  	s14 =	sadd.s32 $0x2191C, s7;
	[smem:$0x7EE] =	sst s13  }
0x2e: {  	s15 =	sadd.s32 $0x249F0, s7;
	[smem:$0x7EF] =	sst s14  }
0x2f: {  	s16 =	sadd.s32 $0x27AC4, s7;
	[smem:$0x7F0] =	sst s15  }
0x30: {  	s17 =	sadd.s32 $0x2AB98, s7;
	[smem:$0x7F1] =	sst s16  }
0x31: {  	s18 =	sadd.s32 $0x2DC6C, s7;
	[smem:$0x7F2] =	sst s17  }
0x32: {  	s19 =	sadd.s32 $0x30D40, s7;
	[smem:$0x7F3] =	sst s18  }
0x33: {  	s30 =	simm.s32 $0x80;
	s21 =	sadd.s32 $0x36EE8, s7;
	[smem:$0x7F4] =	sst s19  }
0x34: {  	s31 =	simm.s32 $0x400;
	s22 =	sadd.s32 $0x39FBC, s7;
	[smem:$0x7F6] =	sst s21  }
0x35: {  	s3 =	simm.s32 $0x1;
	s23 =	sadd.s32 $0x3D090, s7;
	[smem:$0x7F7] =	sst s22  }
0x36: {  	s24 =	sadd.s32 $0x40164, s7;
	s25 =	sadd.s32 $0x43238, s7;
	[smem:$0x7F8] =	sst s23  }
0x37: {  	s0 =	simm.s32 $0x200;
	s20 =	simm.s32 $0x2000;
	[smem:$0x7F9] =	sst s24  }
0x38: {  	[smem:$0x7FA] =	sst s25;
	s26 =	sadd.s32 $0x4630C, s7;
	s28 =	sadd.s32 $0x493E0, s7  }
0x39: {  	s29 =	sadd.s32 $0x4C4B4, s7;
	s25 =	simm.s32 $0x2;
	s4 =	simm.s32 $0x0  }
0x3a: {  	s11 =	simm.s32 $0xE00;
	s12 =	simm.s32 $0x1000;
	s13 =	simm.s32 $0x1200  }
0x3b: {  	s14 =	simm.s32 $0x1400;
	s15 =	simm.s32 $0x1600;
	s16 =	simm.s32 $0x1800  }
0x3c: {  	s17 =	simm.s32 $0x1A00;
	s18 =	simm.s32 $0x1C00;
	s19 =	simm.s32 $0x1E00  }
0x3d: {  	s21 =	simm.s32 $0x2200;
	s22 =	simm.s32 $0x2400;
	[smem:$0x7FB] =	sst s26  }
0x3e: {  	s23 =	simm.s32 $0x2600;
	s24 =	simm.s32 $0x2A00;
	[smem:$0x7FC] =	sst s28  }
0x3f: {  	v0 =	vimm.s32 $0x0;
	s5 =	simm.s32 $0x2E00;
	[smem:$0x7FD] =	sst s29;
	s26 =	simm.s32 $0x3000  }
.LBB2_1:
0x40: {  	s1 =	sld [smem:$0x7E4];
	_ =	sdelay $0x2  }
0x41: {  	[tilespmem:s10], [sflag:$0x1] =	stream.strided.gather [hbm4b:s1+s30], $0x200, s31, s30, $0x38;
	[tilespmem:$0x6A80] =	vst v63  }
0x42: {  	s7 =	rddreg [dreg:$0x5]  }
0x43: {  	[tilespmem:s0], [sflag:$0x1] =	stream.strided.gather [hbm4b:s7+s30], $0x200, s31, s30, $0x38;
	[tilespmem:$0x6A80] =	vst v63  }
0x44: {  	s1 =	rddreg [dreg:$0x6]  }
0x45: {  	[tilespmem:s31], [sflag:$0x1] =	stream.strided.gather [hbm4b:s1+s30], $0x200, s31, s30, $0x38;
	[tilespmem:$0x6A80] =	vst v63  }
0x46: {  	s2 =	rddreg [dreg:$0x7];
	s8 =	simm.s32 $0x600  }
0x47: {  	[tilespmem:s8], [sflag:$0x1] =	stream.strided.gather [hbm4b:s2+s30], $0x200, s31, s30, $0x38;
	[tilespmem:$0x6A80] =	vst v63  }
0x48: {  	s6 =	rddreg [dreg:$0x8];
	s9 =	simm.s32 $0x800  }
0x49: {  	[tilespmem:s9], [sflag:$0x1] =	stream.strided.gather [hbm4b:s6+s30], $0x200, s31, s30, $0x38;
	[tilespmem:$0x6A80] =	vst v63  }
0x4a: {  	s29 =	simm.s32 $0xA00;
	s10 =	rddreg [dreg:$0x9]  }
0x4b: {  	[tilespmem:s29], [sflag:$0x1] =	stream.strided.gather [hbm4b:s10+s30], $0x200, s31, s30, $0x38;
	[tilespmem:$0x6A80] =	vst v63  }
0x4c: {  	s1 =	rddreg [dreg:$0xa];
	s10 =	simm.s32 $0xC00  }
0x4d: {  	[tilespmem:s10], [sflag:$0x1] =	stream.strided.gather [hbm4b:s1+s30], $0x200, s31, s30, $0x38;
	[tilespmem:$0x6A80] =	vst v63  }
0x4e: {  	s2 =	rddreg [dreg:$0xb]  }
0x4f: {  	[tilespmem:s11], [sflag:$0x1] =	stream.strided.gather [hbm4b:s2+s30], $0x200, s31, s30, $0x38;
	[tilespmem:$0x6A80] =	vst v63  }
0x50: {  	s6 =	rddreg [dreg:$0xc]  }
0x51: {  	[tilespmem:s12], [sflag:$0x1] =	stream.strided.gather [hbm4b:s6+s30], $0x200, s31, s30, $0x38;
	[tilespmem:$0x6A80] =	vst v63  }
0x52: {  	s1 =	rddreg [dreg:$0xd]  }
0x53: {  	[tilespmem:s13], [sflag:$0x1] =	stream.strided.gather [hbm4b:s1+s30], $0x200, s31, s30, $0x38;
	[tilespmem:$0x6A80] =	vst v63  }
0x54: {  	s2 =	rddreg [dreg:$0xe]  }
0x55: {  	[tilespmem:s14], [sflag:$0x1] =	stream.strided.gather [hbm4b:s2+s30], $0x200, s31, s30, $0x38;
	[tilespmem:$0x6A80] =	vst v63  }
0x56: {  	s6 =	rddreg [dreg:$0xf]  }
0x57: {  	[tilespmem:s15], [sflag:$0x1] =	stream.strided.gather [hbm4b:s6+s30], $0x200, s31, s30, $0x38;
	[tilespmem:$0x6A80] =	vst v63  }
0x58: {  	s1 =	rddreg [dreg:$0x10]  }
0x59: {  	[tilespmem:s16], [sflag:$0x1] =	stream.strided.gather [hbm4b:s1+s30], $0x200, s31, s30, $0x38;
	[tilespmem:$0x6A80] =	vst v63  }
0x5a: {  	s2 =	rddreg [dreg:$0x11]  }
0x5b: {  	[tilespmem:s17], [sflag:$0x1] =	stream.strided.gather [hbm4b:s2+s30], $0x200, s31, s30, $0x38;
	[tilespmem:$0x6A80] =	vst v63  }
0x5c: {  	s6 =	rddreg [dreg:$0x12]  }
0x5d: {  	[tilespmem:s18], [sflag:$0x1] =	stream.strided.gather [hbm4b:s6+s30], $0x200, s31, s30, $0x38;
	[tilespmem:$0x6A80] =	vst v63  }
0x5e: {  	s1 =	rddreg [dreg:$0x13]  }
0x5f: {  	[tilespmem:s19], [sflag:$0x1] =	stream.strided.gather [hbm4b:s1+s30], $0x200, s31, s30, $0x38;
	[tilespmem:$0x6A80] =	vst v63  }
0x60: {  	s2 =	rddreg [dreg:$0x14]  }
0x61: {  	[tilespmem:s20], [sflag:$0x1] =	stream.strided.gather [hbm4b:s2+s30], $0x200, s31, s30, $0x38;
	[tilespmem:$0x6A80] =	vst v63  }
0x62: {  	s6 =	rddreg [dreg:$0x15]  }
0x63: {  	[tilespmem:s21], [sflag:$0x1] =	stream.strided.gather [hbm4b:s6+s30], $0x200, s31, s30, $0x38;
	[tilespmem:$0x6A80] =	vst v63  }
0x64: {  	s1 =	rddreg [dreg:$0x17]  }
0x65: {  	[tilespmem:s22], [sflag:$0x1] =	stream.strided.gather [hbm4b:s1+s30], $0x200, s31, s30, $0x38;
	[tilespmem:$0x6A80] =	vst v63  }
0x66: {  	s2 =	rddreg [dreg:$0x19]  }
0x67: {  	[tilespmem:s23], [sflag:$0x1] =	stream.strided.gather [hbm4b:s2+s30], $0x200, s31, s30, $0x38;
	[tilespmem:$0x6A80] =	vst v63  }
0x68: {  	s6 =	rddreg [dreg:$0x1a];
	s2 =	simm.s32 $0x2800  }
0x69: {  	[tilespmem:s2], [sflag:$0x1] =	stream.strided.gather [hbm4b:s6+s30], $0x200, s31, s30, $0x38;
	[tilespmem:$0x6A80] =	vst v63  }
0x6a: {  	s1 =	rddreg [dreg:$0x1b]  }
0x6b: {  	[tilespmem:s24], [sflag:$0x1] =	stream.strided.gather [hbm4b:s1+s30], $0x200, s31, s30, $0x38;
	[tilespmem:$0x6A80] =	vst v63  }
0x6c: {  	s6 =	rddreg [dreg:$0x1c];
	s1 =	simm.s32 $0x2C00  }
0x6d: {  	[tilespmem:s1], [sflag:$0x1] =	stream.strided.gather [hbm4b:s6+s30], $0x200, s31, s30, $0x38;
	[tilespmem:$0x6A80] =	vst v63  }
0x6e: {  	s6 =	rddreg [dreg:$0x1d]  }
0x6f: {  	[tilespmem:s5], [sflag:$0x1] =	stream.strided.gather [hbm4b:s6+s30], $0x200, s31, s30, $0x38;
	[tilespmem:$0x6A80] =	vst v63  }
0x70: {  	s6 =	rddreg [dreg:$0x1e]  }
0x71: {  	[tilespmem:s26], [sflag:$0x1] =	stream.strided.gather [hbm4b:s6+s30], $0x200, s31, s30, $0x38;
	[tilespmem:$0x6A80] =	vst v63  }
0x72: {  	s28 =	simm.s32 $0x3200;
	s7 =	rddreg [dreg:$0x1f]  }
0x73: {  	[tilespmem:s28], [sflag:$0x1] =	stream.strided.gather [hbm4b:s7+s30], $0x200, s31, s30, $0x38;
	[tilespmem:$0x6A80] =	vst v63  }
0x74: {  	s6 =	simm.s32 $0x0;
	s7 =	rddreg [dreg:$0x2];
	s28 =	simm.s32 $0x6A00  }
0x75: {  	[tilespmem:s28], [sflag:$0x1] =	stream.linear.gather [hbm4b:s7+s6], $0x1, $0x38;
	[tilespmem:$0x6A80] =	vst v63  }
0x76: {  	_ =	swait.ge [sflag:s3], $0x200  }
0x77: {  	[sflag:s3] =	ssyncset.done $0x0  }
0x78: {  	[sflag:s3] =	ssyncadd.s32 $0xFFFFFE00  }
0x79: {  	s28 =	simm.s32 $0x3400;
	s7 =	rddreg [dreg:$0x1]  }
0x7a: {  	[tilespmem:s28], [sflag:$0x2] =	stream.indirect.gather [hbm4b:s7+s0], $0x1, s6, s0, $0xb8;
	[tilespmem:$0x6A80] =	vst v63  }
0x7b: {  	_ =	swait.ge [sflag:s3], $0x200  }
0x7c: {  	s7 =	sld [smem:$0x7E5]  }
0x7d: {  	[sflag:s3] =	ssyncset.done $0x0  }
0x7e: {  	s6 =	simm.s32 $0x3600;
	[sflag:s3] =	ssyncadd.s32 $0xFFFFFE00  }
0x7f: {  	[tilespmem:s6], [sflag:$0x2] =	stream.indirect.gather [hbm4b:s7+s0], $0x1, s0, s0, $0xb8;
	[tilespmem:$0x6A80] =	vst v63  }
0x80: {  	_ =	swait.ge [sflag:s3], $0x200  }
0x81: {  	s7 =	sld [smem:$0x7E6]  }
0x82: {  	[sflag:s3] =	ssyncset.done $0x0  }
0x83: {  	s6 =	simm.s32 $0x3800;
	[sflag:s3] =	ssyncadd.s32 $0xFFFFFE00  }
0x84: {  	[tilespmem:s6], [sflag:$0x2] =	stream.indirect.gather [hbm4b:s7+s0], $0x1, s31, s0, $0xb8;
	[tilespmem:$0x6A80] =	vst v63  }
0x85: {  	_ =	swait.ge [sflag:s3], $0x200  }
0x86: {  	s7 =	sld [smem:$0x7E7]  }
0x87: {  	[sflag:s3] =	ssyncset.done $0x0  }
0x88: {  	s6 =	simm.s32 $0x3A00;
	[sflag:s3] =	ssyncadd.s32 $0xFFFFFE00  }
0x89: {  	[tilespmem:s6], [sflag:$0x2] =	stream.indirect.gather [hbm4b:s7+s0], $0x1, s8, s0, $0xb8;
	[tilespmem:$0x6A80] =	vst v63  }
0x8a: {  	_ =	swait.ge [sflag:s3], $0x200  }
0x8b: {  	s6 =	sld [smem:$0x7E8]  }
0x8c: {  	[sflag:s3] =	ssyncset.done $0x0  }
0x8d: {  	s8 =	simm.s32 $0x3C00;
	[sflag:s3] =	ssyncadd.s32 $0xFFFFFE00  }
0x8e: {  	[tilespmem:s8], [sflag:$0x2] =	stream.indirect.gather [hbm4b:s6+s0], $0x1, s9, s0, $0xb8;
	[tilespmem:$0x6A80] =	vst v63  }
0x8f: {  	_ =	swait.ge [sflag:s3], $0x200  }
0x90: {  	s8 =	sld [smem:$0x7E9]  }
0x91: {  	[sflag:s3] =	ssyncset.done $0x0  }
0x92: {  	s9 =	simm.s32 $0x3E00;
	[sflag:s3] =	ssyncadd.s32 $0xFFFFFE00  }
0x93: {  	[tilespmem:s9], [sflag:$0x2] =	stream.indirect.gather [hbm4b:s8+s0], $0x1, s29, s0, $0xb8;
	[tilespmem:$0x6A80] =	vst v63  }
0x94: {  	_ =	swait.ge [sflag:s3], $0x200  }
0x95: {  	s8 =	sld [smem:$0x7EA]  }
0x96: {  	[sflag:s3] =	ssyncset.done $0x0  }
0x97: {  	s9 =	simm.s32 $0x4000;
	[sflag:s3] =	ssyncadd.s32 $0xFFFFFE00  }
0x98: {  	[tilespmem:s9], [sflag:$0x2] =	stream.indirect.gather [hbm4b:s8+s0], $0x1, s10, s0, $0xb8;
	[tilespmem:$0x6A80] =	vst v63  }
0x99: {  	_ =	swait.ge [sflag:s3], $0x200  }
0x9a: {  	s6 =	sld [smem:$0x7EB]  }
0x9b: {  	[sflag:s3] =	ssyncset.done $0x0  }
0x9c: {  	s8 =	simm.s32 $0x4200;
	[sflag:s3] =	ssyncadd.s32 $0xFFFFFE00  }
0x9d: {  	[tilespmem:s8], [sflag:$0x2] =	stream.indirect.gather [hbm4b:s6+s0], $0x1, s11, s0, $0xb8;
	[tilespmem:$0x6A80] =	vst v63  }
0x9e: {  	_ =	swait.ge [sflag:s3], $0x200  }
0x9f: {  	s9 =	sld [smem:$0x7EC]  }
0xa0: {  	[sflag:s3] =	ssyncset.done $0x0  }
0xa1: {  	s10 =	simm.s32 $0x4400;
	[sflag:s3] =	ssyncadd.s32 $0xFFFFFE00  }
0xa2: {  	[tilespmem:s10], [sflag:$0x2] =	stream.indirect.gather [hbm4b:s9+s0], $0x1, s12, s0, $0xb8;
	[tilespmem:$0x6A80] =	vst v63  }
0xa3: {  	_ =	swait.ge [sflag:s3], $0x200  }
0xa4: {  	s6 =	sld [smem:$0x7ED]  }
0xa5: {  	[sflag:s3] =	ssyncset.done $0x0  }
0xa6: {  	s8 =	simm.s32 $0x4600;
	[sflag:s3] =	ssyncadd.s32 $0xFFFFFE00  }
0xa7: {  	[tilespmem:s8], [sflag:$0x2] =	stream.indirect.gather [hbm4b:s6+s0], $0x1, s13, s0, $0xb8;
	[tilespmem:$0x6A80] =	vst v63  }
0xa8: {  	_ =	swait.ge [sflag:s3], $0x200  }
0xa9: {  	s9 =	sld [smem:$0x7EE]  }
0xaa: {  	[sflag:s3] =	ssyncset.done $0x0  }
0xab: {  	s10 =	simm.s32 $0x4800;
	[sflag:s3] =	ssyncadd.s32 $0xFFFFFE00  }
0xac: {  	[tilespmem:s10], [sflag:$0x2] =	stream.indirect.gather [hbm4b:s9+s0], $0x1, s14, s0, $0xb8;
	[tilespmem:$0x6A80] =	vst v63  }
0xad: {  	_ =	swait.ge [sflag:s3], $0x200  }
0xae: {  	s6 =	sld [smem:$0x7EF]  }
0xaf: {  	[sflag:s3] =	ssyncset.done $0x0  }
0xb0: {  	s8 =	simm.s32 $0x4A00;
	[sflag:s3] =	ssyncadd.s32 $0xFFFFFE00  }
0xb1: {  	[tilespmem:s8], [sflag:$0x2] =	stream.indirect.gather [hbm4b:s6+s0], $0x1, s15, s0, $0xb8;
	[tilespmem:$0x6A80] =	vst v63  }
0xb2: {  	_ =	swait.ge [sflag:s3], $0x200  }
0xb3: {  	s9 =	sld [smem:$0x7F0]  }
0xb4: {  	[sflag:s3] =	ssyncset.done $0x0  }
0xb5: {  	s10 =	simm.s32 $0x4C00;
	[sflag:s3] =	ssyncadd.s32 $0xFFFFFE00  }
0xb6: {  	[tilespmem:s10], [sflag:$0x2] =	stream.indirect.gather [hbm4b:s9+s0], $0x1, s16, s0, $0xb8;
	[tilespmem:$0x6A80] =	vst v63  }
0xb7: {  	_ =	swait.ge [sflag:s3], $0x200  }
0xb8: {  	s6 =	sld [smem:$0x7F1]  }
0xb9: {  	[sflag:s3] =	ssyncset.done $0x0  }
0xba: {  	s8 =	simm.s32 $0x4E00;
	[sflag:s3] =	ssyncadd.s32 $0xFFFFFE00  }
0xbb: {  	[tilespmem:s8], [sflag:$0x2] =	stream.indirect.gather [hbm4b:s6+s0], $0x1, s17, s0, $0xb8;
	[tilespmem:$0x6A80] =	vst v63  }
0xbc: {  	_ =	swait.ge [sflag:s3], $0x200  }
0xbd: {  	s9 =	sld [smem:$0x7F2]  }
0xbe: {  	[sflag:s3] =	ssyncset.done $0x0  }
0xbf: {  	s10 =	simm.s32 $0x5000;
	[sflag:s3] =	ssyncadd.s32 $0xFFFFFE00  }
0xc0: {  	[tilespmem:s10], [sflag:$0x2] =	stream.indirect.gather [hbm4b:s9+s0], $0x1, s18, s0, $0xb8;
	[tilespmem:$0x6A80] =	vst v63  }
0xc1: {  	_ =	swait.ge [sflag:s3], $0x200  }
0xc2: {  	s6 =	sld [smem:$0x7F3]  }
0xc3: {  	[sflag:s3] =	ssyncset.done $0x0  }
0xc4: {  	s8 =	simm.s32 $0x5200;
	[sflag:s3] =	ssyncadd.s32 $0xFFFFFE00  }
0xc5: {  	[tilespmem:s8], [sflag:$0x2] =	stream.indirect.gather [hbm4b:s6+s0], $0x1, s19, s0, $0xb8;
	[tilespmem:$0x6A80] =	vst v63  }
0xc6: {  	_ =	swait.ge [sflag:s3], $0x200  }
0xc7: {  	s9 =	sld [smem:$0x7F4]  }
0xc8: {  	[sflag:s3] =	ssyncset.done $0x0  }
0xc9: {  	s10 =	simm.s32 $0x5400;
	[sflag:s3] =	ssyncadd.s32 $0xFFFFFE00  }
0xca: {  	[tilespmem:s10], [sflag:$0x2] =	stream.indirect.gather [hbm4b:s9+s0], $0x1, s20, s0, $0xb8;
	[tilespmem:$0x6A80] =	vst v63  }
0xcb: {  	_ =	swait.ge [sflag:s3], $0x200  }
0xcc: {  	s6 =	sld [smem:$0x7F5]  }
0xcd: {  	[sflag:s3] =	ssyncset.done $0x0  }
0xce: {  	s8 =	simm.s32 $0x5600;
	[sflag:s3] =	ssyncadd.s32 $0xFFFFFE00  }
0xcf: {  	[tilespmem:s8], [sflag:$0x2] =	stream.indirect.gather [hbm4b:s6+s0], $0x1, s21, s0, $0xb8;
	[tilespmem:$0x6A80] =	vst v63  }
0xd0: {  	_ =	swait.ge [sflag:s3], $0x200  }
0xd1: {  	s9 =	sld [smem:$0x7F6]  }
0xd2: {  	[sflag:s3] =	ssyncset.done $0x0  }
0xd3: {  	s10 =	simm.s32 $0x5800;
	[sflag:s3] =	ssyncadd.s32 $0xFFFFFE00  }
0xd4: {  	[tilespmem:s10], [sflag:$0x2] =	stream.indirect.gather [hbm4b:s9+s0], $0x1, s22, s0, $0xb8;
	[tilespmem:$0x6A80] =	vst v63  }
0xd5: {  	_ =	swait.ge [sflag:s3], $0x200  }
0xd6: {  	s6 =	sld [smem:$0x7F7]  }
0xd7: {  	[sflag:s3] =	ssyncset.done $0x0  }
0xd8: {  	s8 =	simm.s32 $0x5A00;
	[sflag:s3] =	ssyncadd.s32 $0xFFFFFE00  }
0xd9: {  	[tilespmem:s8], [sflag:$0x2] =	stream.indirect.gather [hbm4b:s6+s0], $0x1, s23, s0, $0xb8;
	[tilespmem:$0x6A80] =	vst v63  }
0xda: {  	_ =	swait.ge [sflag:s3], $0x200  }
0xdb: {  	s9 =	sld [smem:$0x7F8]  }
0xdc: {  	[sflag:s3] =	ssyncset.done $0x0  }
0xdd: {  	s10 =	simm.s32 $0x5C00;
	[sflag:s3] =	ssyncadd.s32 $0xFFFFFE00  }
0xde: {  	[tilespmem:s10], [sflag:$0x2] =	stream.indirect.gather [hbm4b:s9+s0], $0x1, s2, s0, $0xb8;
	[tilespmem:$0x6A80] =	vst v63  }
0xdf: {  	_ =	swait.ge [sflag:s3], $0x200  }
0xe0: {  	s6 =	sld [smem:$0x7F9]  }
0xe1: {  	[sflag:s3] =	ssyncset.done $0x0  }
0xe2: {  	s8 =	simm.s32 $0x5E00;
	[sflag:s3] =	ssyncadd.s32 $0xFFFFFE00  }
0xe3: {  	[tilespmem:s8], [sflag:$0x2] =	stream.indirect.gather [hbm4b:s6+s0], $0x1, s24, s0, $0xb8;
	[tilespmem:$0x6A80] =	vst v63  }
0xe4: {  	_ =	swait.ge [sflag:s3], $0x200  }
0xe5: {  	s9 =	sld [smem:$0x7FA]  }
0xe6: {  	[sflag:s3] =	ssyncset.done $0x0  }
0xe7: {  	s10 =	simm.s32 $0x6000;
	[sflag:s3] =	ssyncadd.s32 $0xFFFFFE00  }
0xe8: {  	[tilespmem:s10], [sflag:$0x2] =	stream.indirect.gather [hbm4b:s9+s0], $0x1, s1, s0, $0xb8;
	[tilespmem:$0x6A80] =	vst v63  }
0xe9: {  	_ =	swait.ge [sflag:s3], $0x200  }
0xea: {  	s6 =	sld [smem:$0x7FB]  }
0xeb: {  	[sflag:s3] =	ssyncset.done $0x0  }
0xec: {  	s8 =	simm.s32 $0x6200;
	[sflag:s3] =	ssyncadd.s32 $0xFFFFFE00  }
0xed: {  	[tilespmem:s8], [sflag:$0x2] =	stream.indirect.gather [hbm4b:s6+s0], $0x1, s5, s0, $0xb8;
	[tilespmem:$0x6A80] =	vst v63  }
0xee: {  	_ =	swait.ge [sflag:s3], $0x200  }
0xef: {  	s9 =	sld [smem:$0x7FC]  }
0xf0: {  	[sflag:s3] =	ssyncset.done $0x0  }
0xf1: {  	s10 =	simm.s32 $0x6400;
	[sflag:s3] =	ssyncadd.s32 $0xFFFFFE00  }
0xf2: {  	[tilespmem:s10], [sflag:$0x2] =	stream.indirect.gather [hbm4b:s9+s0], $0x1, s26, s0, $0xb8;
	[tilespmem:$0x6A80] =	vst v63  }
0xf3: {  	_ =	swait.ge [sflag:s3], $0x200  }
0xf4: {  	s2 =	sld [smem:$0x7FD]  }
0xf5: {  	[sflag:s3] =	ssyncset.done $0x0  }
0xf6: {  	s6 =	simm.s32 $0x6600;
	s8 =	simm.s32 $0x3200;
	[sflag:s3] =	ssyncadd.s32 $0xFFFFFE00  }
0xf7: {  	[tilespmem:s6], [sflag:$0x2] =	stream.indirect.gather [hbm4b:s2+s0], $0x1, s8, s0, $0xb8;
	[tilespmem:$0x6A80] =	vst v63  }
0xf8: {  	_ =	swait.ge [sflag:s3], $0x1  }
0xf9: {  	[sflag:s3] =	ssyncset.done $0x0  }
0xfa: {  	[sflag:s3] =	ssyncadd.s32 $0xFFFFFFFF  }
0xfb: {  	v1 =	vld [tilespmem:$0x6A00];
	_ =	swait.ge [sflag:s25], $0x200  }
0xfc: {  	[sflag:s25] =	ssyncset.done $0x0  }
0xfd: {  	[sflag:s25] =	ssyncadd.s32 $0xFFFFFE00  }
0xfe: {  	_ =	swait.ge [sflag:s25], $0x200  }
0xff: {  	[sflag:s25] =	ssyncset.done $0x0  }
0x100: {  	[sflag:s25] =	ssyncadd.s32 $0xFFFFFE00  }
0x101: {  	_ =	swait.ge [sflag:s25], $0x200  }
0x102: {  	[sflag:s25] =	ssyncset.done $0x0  }
0x103: {  	[sflag:s25] =	ssyncadd.s32 $0xFFFFFE00  }
0x104: {  	_ =	swait.ge [sflag:s25], $0x200  }
0x105: {  	[sflag:s25] =	ssyncset.done $0x0  }
0x106: {  	[sflag:s25] =	ssyncadd.s32 $0xFFFFFE00  }
0x107: {  	_ =	swait.ge [sflag:s25], $0x200  }
0x108: {  	[sflag:s25] =	ssyncset.done $0x0  }
0x109: {  	[sflag:s25] =	ssyncadd.s32 $0xFFFFFE00  }
0x10a: {  	_ =	swait.ge [sflag:s25], $0x200  }
0x10b: {  	[sflag:s25] =	ssyncset.done $0x0  }
0x10c: {  	[sflag:s25] =	ssyncadd.s32 $0xFFFFFE00  }
0x10d: {  	_ =	swait.ge [sflag:s25], $0x200  }
0x10e: {  	[sflag:s25] =	ssyncset.done $0x0  }
0x10f: {  	[sflag:s25] =	ssyncadd.s32 $0xFFFFFE00  }
0x110: {  	_ =	swait.ge [sflag:s25], $0x200  }
0x111: {  	[sflag:s25] =	ssyncset.done $0x0  }
0x112: {  	[sflag:s25] =	ssyncadd.s32 $0xFFFFFE00  }
0x113: {  	_ =	swait.ge [sflag:s25], $0x200  }
0x114: {  	[sflag:s25] =	ssyncset.done $0x0  }
0x115: {  	[sflag:s25] =	ssyncadd.s32 $0xFFFFFE00  }
0x116: {  	_ =	swait.ge [sflag:s25], $0x200  }
0x117: {  	[sflag:s25] =	ssyncset.done $0x0  }
0x118: {  	[sflag:s25] =	ssyncadd.s32 $0xFFFFFE00  }
0x119: {  	_ =	swait.ge [sflag:s25], $0x200  }
0x11a: {  	[sflag:s25] =	ssyncset.done $0x0  }
0x11b: {  	[sflag:s25] =	ssyncadd.s32 $0xFFFFFE00  }
0x11c: {  	_ =	swait.ge [sflag:s25], $0x200  }
0x11d: {  	[sflag:s25] =	ssyncset.done $0x0  }
0x11e: {  	[sflag:s25] =	ssyncadd.s32 $0xFFFFFE00  }
0x11f: {  	_ =	swait.ge [sflag:s25], $0x200  }
0x120: {  	[sflag:s25] =	ssyncset.done $0x0  }
0x121: {  	[sflag:s25] =	ssyncadd.s32 $0xFFFFFE00  }
0x122: {  	s10 =	simm.s32 $0x0;
	v2 =	vld [tilespmem:s28+$0x0]  }
0x123: {  	s9 =	sand.u32 $0x1F0, s10  }
0x124: {  	v3 =	vld [tilespmem:s9+$0x3600]  }
0x125: {  	v1 =	vperm.xlane v1, v0  }
0x126: {  	v4 =	vld [tilespmem:s9+$0x3800]  }
0x127: {  	v2 =	vadd.f32 v2, v1  }
0x128: {  	v5 =	vld [tilespmem:s9+$0x3A00]  }
0x129: {  	v2 =	vadd.f32 v3, v2  }
0x12a: {  	v3 =	vld [tilespmem:s9+$0x3C00]  }
0x12b: {  	v2 =	vadd.f32 v4, v2  }
0x12c: {  	v58 =	vld [tilespmem:s9+$0x3E00]  }
0x12d: {  	v2 =	vadd.f32 v5, v2  }
0x12e: {  	v59 =	vld [tilespmem:s9+$0x4000]  }
0x12f: {  	v2 =	vadd.f32 v3, v2  }
0x130: {  	v3 =	vld [tilespmem:s9+$0x4200]  }
0x131: {  	v2 =	vadd.f32 v58, v2  }
0x132: {  	v60 =	vld [tilespmem:s9+$0x4400]  }
0x133: {  	v2 =	vadd.f32 v59, v2  }
0x134: {  	v61 =	vld [tilespmem:s9+$0x4600]  }
0x135: {  	v2 =	vadd.f32 v3, v2  }
0x136: {  	v3 =	vld [tilespmem:s9+$0x4800]  }
0x137: {  	v2 =	vadd.f32 v60, v2  }
0x138: {  	v62 =	vld [tilespmem:s9+$0x4A00]  }
0x139: {  	v2 =	vadd.f32 v61, v2  }
0x13a: {  	v63 =	vld [tilespmem:s9+$0x4C00]  }
0x13b: {  	v2 =	vadd.f32 v3, v2;
	_ =	sdelay $0x1  }
0x13c: {  	v2 =	vadd.f32 v62, v2;
	_ =	sdelay $0x1  }
0x13d: {  	v2 =	vadd.f32 v63, v2  }
0x13e: {  	s1 =	simm.s32 $0x6800  }
0x13f: {  	s7 =	simm.s32 $0x3410;
	[tilespmem:s1+$0x0] =	vst v2  }
0x140: {  	s29 =	simm.s32 $0x10;
	s8 =	simm.s32 $0x20;
	s28 =	simm.s32 $0x6800;
	v2 =	vld [tilespmem:s7+$0x0]  }
.LBB2_2:
0x141: {  	p0 =	sne.s32 s8, $0x1F0;
	s9 =	sand.u32 $0x1F0, s29;
	s29 =	smov.u32 s8  }
0x142: {  	v3 =	vld [tilespmem:s9+$0x3600];
	_ =	sdelay $0x1  }
0x143: {  	v4 =	vld [tilespmem:s9+$0x3800]  }
0x144: {  	v2 =	vadd.f32 v2, v1  }
0x145: {  	v5 =	vld [tilespmem:s9+$0x3A00]  }
0x146: {  	v2 =	vadd.f32 v3, v2  }
0x147: {  	v3 =	vld [tilespmem:s9+$0x3C00]  }
0x148: {  	v2 =	vadd.f32 v4, v2  }
0x149: {  	v4 =	vld [tilespmem:s9+$0x3E00]  }
0x14a: {  	v2 =	vadd.f32 v5, v2  }
0x14b: {  	v5 =	vld [tilespmem:s9+$0x4000]  }
0x14c: {  	v2 =	vadd.f32 v3, v2  }
0x14d: {  	v3 =	vld [tilespmem:s9+$0x4200]  }
0x14e: {  	v2 =	vadd.f32 v4, v2  }
0x14f: {  	v4 =	vld [tilespmem:s9+$0x4400]  }
0x150: {  	v2 =	vadd.f32 v5, v2  }
0x151: {  	v5 =	vld [tilespmem:s9+$0x4600]  }
0x152: {  	v2 =	vadd.f32 v3, v2  }
0x153: {  	v3 =	vld [tilespmem:s9+$0x4800]  }
0x154: {  	v2 =	vadd.f32 v4, v2  }
0x155: {  	v4 =	vld [tilespmem:s9+$0x4A00]  }
0x156: {  	v2 =	vadd.f32 v5, v2  }
0x157: {  	v5 =	vld [tilespmem:s9+$0x4C00]  }
0x158: {  	v2 =	vadd.f32 v3, v2;
	_ =	sdelay $0x1  }
0x159: {  	v2 =	vadd.f32 v4, v2  }
.Ltmp0:
0x15a: {  	(pc) =	sbr.rel @p0 .LBB2_2-.Ltmp0, $4  }
0x15b: {  	v2 =	vadd.f32 v5, v2  }
0x15c: {  	s28 =	sadd.s32 $0x10, s28  }
0x15d: {  	s7 =	sadd.s32 $0x10, s7;
	[tilespmem:s28+$0x0] =	vst v2  }
0x15e: {  	s8 =	sadd.s32 $0x10, s8;
	v2 =	vld [tilespmem:s7+$0x0]  }
0x15f: {  	s7 =	sand.u32 $0x1F0, s29  }
0x160: {  	v3 =	vld [tilespmem:s7+$0x3600];
	_ =	sdelay $0x1  }
0x161: {  	v4 =	vld [tilespmem:s7+$0x3800]  }
0x162: {  	v1 =	vadd.f32 v2, v1  }
0x163: {  	v2 =	vld [tilespmem:s7+$0x3A00]  }
0x164: {  	v1 =	vadd.f32 v3, v1  }
0x165: {  	v3 =	vld [tilespmem:s7+$0x3C00]  }
0x166: {  	v1 =	vadd.f32 v4, v1  }
0x167: {  	v61 =	vld [tilespmem:s7+$0x3E00]  }
0x168: {  	v1 =	vadd.f32 v2, v1  }
0x169: {  	v2 =	vld [tilespmem:s7+$0x4000]  }
0x16a: {  	v1 =	vadd.f32 v3, v1  }
0x16b: {  	v3 =	vld [tilespmem:s7+$0x4200]  }
0x16c: {  	v1 =	vadd.f32 v61, v1  }
0x16d: {  	v62 =	vld [tilespmem:s7+$0x4400]  }
0x16e: {  	v1 =	vadd.f32 v2, v1  }
0x16f: {  	v2 =	vld [tilespmem:s7+$0x4600]  }
0x170: {  	v1 =	vadd.f32 v3, v1  }
0x171: {  	v3 =	vld [tilespmem:s7+$0x4800]  }
0x172: {  	v1 =	vadd.f32 v62, v1  }
0x173: {  	v63 =	vld [tilespmem:s7+$0x4A00]  }
0x174: {  	v1 =	vadd.f32 v2, v1  }
0x175: {  	v2 =	vld [tilespmem:s7+$0x4C00]  }
0x176: {  	v1 =	vadd.f32 v3, v1;
	_ =	sdelay $0x1  }
0x177: {  	v1 =	vadd.f32 v63, v1;
	_ =	sdelay $0x1  }
0x178: {  	v1 =	vadd.f32 v2, v1  }
0x179: {  	s9 =	sadd.s32 $0x10, s28  }
0x17a: {  	[tilespmem:s9+$0x0] =	vst v1  }
0x17b: {  	_ =	swait.ge [sflag:s25], $0x200  }
0x17c: {  	[sflag:s25] =	ssyncset.done $0x0  }
0x17d: {  	[sflag:s25] =	ssyncadd.s32 $0xFFFFFE00  }
0x17e: {  	_ =	swait.ge [sflag:s25], $0x200  }
0x17f: {  	[sflag:s25] =	ssyncset.done $0x0  }
0x180: {  	[sflag:s25] =	ssyncadd.s32 $0xFFFFFE00  }
0x181: {  	_ =	swait.ge [sflag:s25], $0x200  }
0x182: {  	[sflag:s25] =	ssyncset.done $0x0  }
0x183: {  	[sflag:s25] =	ssyncadd.s32 $0xFFFFFE00  }
0x184: {  	_ =	swait.ge [sflag:s25], $0x200  }
0x185: {  	[sflag:s25] =	ssyncset.done $0x0  }
0x186: {  	[sflag:s25] =	ssyncadd.s32 $0xFFFFFE00  }
0x187: {  	_ =	swait.ge [sflag:s25], $0x200  }
0x188: {  	[sflag:s25] =	ssyncset.done $0x0  }
0x189: {  	[sflag:s25] =	ssyncadd.s32 $0xFFFFFE00  }
0x18a: {  	_ =	swait.ge [sflag:s25], $0x200  }
0x18b: {  	[sflag:s25] =	ssyncset.done $0x0  }
0x18c: {  	[sflag:s25] =	ssyncadd.s32 $0xFFFFFE00  }
0x18d: {  	_ =	swait.ge [sflag:s25], $0x200  }
0x18e: {  	[sflag:s25] =	ssyncset.done $0x0  }
0x18f: {  	[sflag:s25] =	ssyncadd.s32 $0xFFFFFE00  }
0x190: {  	_ =	swait.ge [sflag:s25], $0x200  }
0x191: {  	[sflag:s25] =	ssyncset.done $0x0  }
0x192: {  	[sflag:s25] =	ssyncadd.s32 $0xFFFFFE00  }
0x193: {  	_ =	swait.ge [sflag:s25], $0x200  }
0x194: {  	[sflag:s25] =	ssyncset.done $0x0  }
0x195: {  	[sflag:s25] =	ssyncadd.s32 $0xFFFFFE00  }
0x196: {  	_ =	swait.ge [sflag:s25], $0x200  }
0x197: {  	[sflag:s25] =	ssyncset.done $0x0  }
0x198: {  	[sflag:s25] =	ssyncadd.s32 $0xFFFFFE00  }
0x199: {  	_ =	swait.ge [sflag:s25], $0x200  }
0x19a: {  	[sflag:s25] =	ssyncset.done $0x0  }
0x19b: {  	[sflag:s25] =	ssyncadd.s32 $0xFFFFFE00  }
0x19c: {  	_ =	swait.ge [sflag:s25], $0x200  }
0x19d: {  	[sflag:s25] =	ssyncset.done $0x0  }
0x19e: {  	[sflag:s25] =	ssyncadd.s32 $0xFFFFFE00  }
0x19f: {  	_ =	swait.ge [sflag:s25], $0x200  }
0x1a0: {  	s29 =	simm.s32 $0x0;
	[sflag:s25] =	ssyncset.done $0x0  }
0x1a1: {  	s7 =	sand.u32 $0x1F0, s29;
	[sflag:s25] =	ssyncadd.s32 $0xFFFFFE00  }
0x1a2: {  	s28 =	simm.s32 $0x6800;
	s8 =	simm.s32 $0x10;
	v1 =	vld [tilespmem:s7+$0x4E00]  }
.LBB2_4:
0x1a3: {  	p0 =	sne.s32 s8, $0x1F0;
	v2 =	vld [tilespmem:s28+$0x0];
	_ =	sdelay $0x1  }
0x1a4: {  	v3 =	vld [tilespmem:s7+$0x5000];
	_ =	sdelay $0x1  }
0x1a5: {  	v4 =	vld [tilespmem:s7+$0x5200]  }
0x1a6: {  	v1 =	vadd.f32 v1, v2  }
0x1a7: {  	v2 =	vld [tilespmem:s7+$0x5400]  }
0x1a8: {  	v1 =	vadd.f32 v3, v1  }
0x1a9: {  	v3 =	vld [tilespmem:s7+$0x5600]  }
0x1aa: {  	v1 =	vadd.f32 v4, v1  }
0x1ab: {  	v4 =	vld [tilespmem:s7+$0x5800]  }
0x1ac: {  	v1 =	vadd.f32 v2, v1  }
0x1ad: {  	v2 =	vld [tilespmem:s7+$0x5A00]  }
0x1ae: {  	v1 =	vadd.f32 v3, v1  }
0x1af: {  	v3 =	vld [tilespmem:s7+$0x5C00]  }
0x1b0: {  	v1 =	vadd.f32 v4, v1  }
0x1b1: {  	v4 =	vld [tilespmem:s7+$0x5E00]  }
0x1b2: {  	v1 =	vadd.f32 v2, v1  }
0x1b3: {  	v2 =	vld [tilespmem:s7+$0x6000]  }
0x1b4: {  	v1 =	vadd.f32 v3, v1  }
0x1b5: {  	v3 =	vld [tilespmem:s7+$0x6200]  }
0x1b6: {  	v1 =	vadd.f32 v4, v1  }
0x1b7: {  	v4 =	vld [tilespmem:s7+$0x6400]  }
0x1b8: {  	v1 =	vadd.f32 v2, v1  }
0x1b9: {  	v2 =	vld [tilespmem:s7+$0x6600]  }
0x1ba: {  	v1 =	vadd.f32 v3, v1;
	_ =	sdelay $0x1  }
0x1bb: {  	v1 =	vadd.f32 v4, v1  }
.Ltmp1:
0x1bc: {  	(pc) =	sbr.rel @p0 .LBB2_4-.Ltmp1, $3  }
0x1bd: {  	v1 =	vadd.f32 v2, v1;
	_ =	sdelay $0x1  }
0x1be: {  	s7 =	sand.u32 $0x1F0, s8;
	[tilespmem:s28+$0x0] =	vst v1  }
0x1bf: {  	s8 =	sadd.s32 $0x10, s8;
	s28 =	sadd.s32 $0x10, s28;
	v1 =	vld [tilespmem:s7+$0x4E00]  }
0x1c0: {  	v2 =	vld [tilespmem:s28+$0x0];
	_ =	sdelay $0x1  }
0x1c1: {  	v3 =	vld [tilespmem:s7+$0x5000];
	_ =	sdelay $0x1  }
0x1c2: {  	v4 =	vld [tilespmem:s7+$0x5200]  }
0x1c3: {  	v1 =	vadd.f32 v1, v2  }
0x1c4: {  	v2 =	vld [tilespmem:s7+$0x5400]  }
0x1c5: {  	v1 =	vadd.f32 v3, v1  }
0x1c6: {  	v3 =	vld [tilespmem:s7+$0x5600]  }
0x1c7: {  	v1 =	vadd.f32 v4, v1  }
0x1c8: {  	v61 =	vld [tilespmem:s7+$0x5800]  }
0x1c9: {  	v1 =	vadd.f32 v2, v1  }
0x1ca: {  	v2 =	vld [tilespmem:s7+$0x5A00]  }
0x1cb: {  	v1 =	vadd.f32 v3, v1  }
0x1cc: {  	v3 =	vld [tilespmem:s7+$0x5C00]  }
0x1cd: {  	v1 =	vadd.f32 v61, v1  }
0x1ce: {  	v62 =	vld [tilespmem:s7+$0x5E00]  }
0x1cf: {  	v1 =	vadd.f32 v2, v1  }
0x1d0: {  	v2 =	vld [tilespmem:s7+$0x6000]  }
0x1d1: {  	v1 =	vadd.f32 v3, v1  }
0x1d2: {  	v3 =	vld [tilespmem:s7+$0x6200]  }
0x1d3: {  	v1 =	vadd.f32 v62, v1  }
0x1d4: {  	v63 =	vld [tilespmem:s7+$0x6400]  }
0x1d5: {  	v1 =	vadd.f32 v2, v1  }
0x1d6: {  	v2 =	vld [tilespmem:s7+$0x6600]  }
0x1d7: {  	v1 =	vadd.f32 v3, v1;
	_ =	sdelay $0x1  }
0x1d8: {  	v1 =	vadd.f32 v63, v1;
	_ =	sdelay $0x1  }
0x1d9: {  	v1 =	vadd.f32 v2, v1;
	_ =	sdelay $0x1  }
0x1da: {  	s9 =	rddreg [dreg:$0x16];
	[tilespmem:s28+$0x0] =	vst v1;
	s28 =	simm.s32 $0x3  }
0x1db: {  	[hbm4b:s9+s10] =	stream.linear.scatter [tilespmem:s1], [sflag:$0x3], $0x200, $0x38;
	[tilespmem:$0x6A80] =	vst v63  }
0x1dc: {  	_ =	swait.ge [sflag:s28], $0x200  }
0x1dd: {  	s4 =	sadd.s32 $0x1, s4;
	s29 =	rddreg [dreg:$0x18]  }
0x1de: {  	p0 =	sne.s32 s4, s29  }
.Ltmp2:
0x1df: {  	_ = 	snop;
	(pc) =	sbr.rel @p0 .LBB2_1-.Ltmp2, $3  }
0x1e0: {  	_ =	sdelay $0x1  }
0x1e1: {  	[sflag:s28] =	ssyncset.done $0x0  }
0x1e2: {  	[sflag:s28] =	ssyncadd.s32 $0xFFFFFE00  }
0x1e3: {  	_ =	sfence.sel $0x180000  }
0x1e4: {  	[bflag:$0x0] =	sbarrier.arrive $0xFFFF  }
0x1e5: {  	_ =	strace $0x90000047  }
0x1e6: {  	s0 =	stileid.u32;
	[bflag:$0x2] =	sbarrier.arrive $0xFFFF  }
0x1e7: {  	p0 =	sne.s32 s0, $0x0;
	s0 =	rddreg [dreg:$0x4]  }
0x1e8: {  	s0 =	sadd.s32 @!p0 $0x100000, s0  }
0x1e9: {  	[sflag:s0] =	ssyncadd.tile.s32 @!p0 $0x1;
	_ =	shalt  }
.Lfunc_end2:
_tile_overlayer_lowered:
.L_overlay_start_2:
0x1ea: {  	(tag) =	ssettag $0x2  }
0x1eb: {  	s0 =	rddreg [dreg:$0x0];
	s2 =	stileid.u32  }
0x1ec: {  	s1 =	rddreg [dreg:$0x1];
	p0 =	sne.s32 s2, $0x0  }
0x1ed: {  	s3 =	rddreg [dreg:$0x2];
	[bflag:$0x3] =	sbarrier.arrive $0xFFFF;
	s2 =	simm.s32 @!p0 $0x1C03  }
0x1ee: {  	[timem:s3], [sflag:s2] =	dma.local @!p0 [hbm:s0], s1  }
0x1ef: {  	s0 =	simm.s32 @!p0 $0x3  }
0x1f0: {  	_ =	swait.ge @!p0 [sflag:s0], s1  }
0x1f1: {  	s1 =	ssub.s32 @!p0 $0x0, s1;
	[sflag:s0] =	ssyncset.done @!p0 $0x0  }
0x1f2: {  	[sflag:s0] =	ssyncadd.s32 @!p0 s1  }
0x1f3: {  	[bflag:$0x3] =	sbarrier.arrive $0xFFFF  }
0x1f4: {  	_ =	shalt  }

</sc_bundles>
